<compile_context>
chip_gen: v7x
topology: tpu7x:2x2x1
jax: 0.10.2.dev20260603
libtpu: 0.0.44.dev20260713+nightly
codegen_flags: <defaults>
</compile_context>

<pallas_src>
import functools

import jax
import jax.numpy as jnp
from jax import lax
from jax.experimental import pallas as pl
from jax.experimental.pallas import tpu as pltpu
from jax.experimental.pallas import tpu_sc as plsc

B = 16384
ED = 32
HL = 64
G = 20
NC, NS = 2, 16
NW = NC * NS
BPW = B // NW
CHUNK = 128
NCH = BPW // CHUNK
NG = BPW // 16


@functools.cache
def _sc_gather_fn():
    mesh = plsc.VectorSubcoreMesh(core_axis_name="c", subcore_axis_name="s",
                                  num_cores=NC, num_subcores=NS)

    @functools.partial(
        pl.kernel,
        out_type=(
            jax.ShapeDtypeStruct((ED, B // CHUNK, CHUNK), jnp.float32),
            jax.ShapeDtypeStruct((B,), jnp.float32),
            jax.ShapeDtypeStruct((B,), jnp.float32),
        ),
        mesh=mesh,
        compiler_params=pltpu.CompilerParams(use_tc_tiling_on_sc=False,
                                             needs_layout_passes=False),
        scratch_types=(
            pltpu.VMEM((NCH, CHUNK), jnp.int32),
            pltpu.VMEM((NCH, CHUNK), jnp.int32),
            pltpu.VMEM((BPW, ED), jnp.float32),
            pltpu.VMEM((ED, NCH, CHUNK), jnp.float32),
            pltpu.VMEM((BPW,), jnp.float32),
            pltpu.VMEM((BPW,), jnp.float32),
            pltpu.SemaphoreType.DMA,
            pltpu.SemaphoreType.DMA,
            pltpu.SemaphoreType.DMA,
            pltpu.SemaphoreType.DMA,
            pltpu.SemaphoreType.DMA,
        ),
    )
    def _sc_gather(uidx_hbm, midx_hbm, memb_hbm, ubias_hbm, mbias_hbm,
                   mrowsT_out, ub_out, mb_out,
                   uidx_v, midx_v, buf, mT_v, ub_v, mb_v,
                   sem_g0, sem_g1, sem_g2, sem_g3, sem_b):
        sem_g = (sem_g0, sem_g1, sem_g2, sem_g3)
        wid = lax.axis_index("s") * NC + lax.axis_index("c")
        base = wid * BPW
        pltpu.sync_copy(uidx_hbm.at[wid], uidx_v)
        pltpu.sync_copy(midx_hbm.at[wid], midx_v)
        bias_copies = []
        for j in range(NCH):
            sl = pl.ds(j * CHUNK, CHUNK)
            bias_copies.append(pltpu.async_copy(ubias_hbm.at[uidx_v.at[j]], ub_v.at[sl], sem_b))
            bias_copies.append(pltpu.async_copy(mbias_hbm.at[midx_v.at[j]], mb_v.at[sl], sem_b))
        g_copies = []
        for j in range(NCH):
            sl = pl.ds(j * CHUNK, CHUNK)
            g_copies.append(pltpu.async_copy(memb_hbm.at[midx_v.at[j]], buf.at[sl], sem_g[j]))
        for c in g_copies:
            c.wait()
        for c in bias_copies:
            c.wait()

        iota16 = lax.iota(jnp.int32, 16)
        cvecs = [iota16 * 0 + c for c in range(ED)]

        def extract(g, carry):
            j = g >> 3
            gg = g & 7
            rowv = g * 16 + iota16
            for c in range(ED):
                v = plsc.load_gather(buf, [rowv, cvecs[c]])
                mT_v[c, j, pl.ds(gg * 16, 16)] = v
            return carry

        lax.fori_loop(0, NG, extract, 0, unroll=4)

        pltpu.sync_copy(mT_v, mrowsT_out.at[:, pl.ds(wid * NCH, NCH), :])
        pltpu.sync_copy(ub_v, ub_out.at[pl.ds(base, BPW)])
        pltpu.sync_copy(mb_v, mb_out.at[pl.ds(base, BPW)])

    return _sc_gather


BLK = 2048


def _tc_body(uT_ref, mT_ref, gT_ref, ub_ref, mb_ref, gW_ref, gb_ref,
             w1_ref, b1_ref, w2_ref, c2_ref, out_ref):
    cdims = (((1,), (0,)), ((), ()))
    uT = uT_ref[...]
    mT = mT_ref[...].reshape(ED, BLK)
    w1 = w1_ref[...]
    geT = lax.dot_general(gW_ref[...], gT_ref[...], cdims,
                          preferred_element_type=jnp.float32) + gb_ref[...]
    pre = lax.dot_general(w1[:, :ED], uT, cdims, preferred_element_type=jnp.float32)
    pre = pre + lax.dot_general(w1[:, ED:2 * ED], mT, cdims,
                                preferred_element_type=jnp.float32)
    pre = pre + lax.dot_general(w1[:, 2 * ED:], geT, cdims,
                                preferred_element_type=jnp.float32)
    h = jnp.maximum(pre + b1_ref[...], 0.0)
    mlpT = lax.dot_general(w2_ref[...], h, cdims, preferred_element_type=jnp.float32)
    dp = jnp.sum(uT * mT, axis=0)
    out_ref[...] = dp + mlpT[0, :] + ub_ref[...] + mb_ref[...] + c2_ref[0, 0]


def _tc_forward(uT, mT, gT, ub, mb, gW, gb2, W1, b12, W2, c2):
    return pl.pallas_call(
        _tc_body,
        grid=(B // BLK,),
        in_specs=[
            pl.BlockSpec((ED, BLK), lambda i: (0, i)),
            pl.BlockSpec((ED, BLK // CHUNK, CHUNK), lambda i: (0, i, 0)),
            pl.BlockSpec((G, BLK), lambda i: (0, i)),
            pl.BlockSpec((BLK,), lambda i: (i,)),
            pl.BlockSpec((BLK,), lambda i: (i,)),
            pl.BlockSpec((ED, G), lambda i: (0, 0)),
            pl.BlockSpec((ED, 1), lambda i: (0, 0)),
            pl.BlockSpec((HL, 3 * ED), lambda i: (0, 0)),
            pl.BlockSpec((HL, 1), lambda i: (0, 0)),
            pl.BlockSpec((1, HL), lambda i: (0, 0)),
            pl.BlockSpec((1, 1), lambda i: (0, 0)),
        ],
        out_specs=pl.BlockSpec((BLK,), lambda i: (i,)),
        out_shape=jax.ShapeDtypeStruct((B,), jnp.float32),
    )(uT, mT, gT, ub, mb, gW, gb2, W1, b12, W2, c2)


def kernel(userIndices, movieIndices, genreIndeces, userEmb, movieEmb,
           userBiasT, movieBiasT, bias, gW, gb, W1, b1, W2, b2):
    uidx = userIndices.astype(jnp.int32).reshape(NW, NCH, CHUNK)
    midx = movieIndices.astype(jnp.int32).reshape(NW, NCH, CHUNK)
    urowsT = jnp.take(userEmb, userIndices, axis=0, mode="clip").T
    mT, ub, mb = _sc_gather_fn()(
        uidx, midx, movieEmb,
        userBiasT.reshape(-1), movieBiasT.reshape(-1))
    c2 = (bias + b2).reshape(1, 1)
    return _tc_forward(urowsT, mT, genreIndeces.T, ub, mb, gW,
                       gb.reshape(ED, 1), W1,
                       b1.reshape(HL, 1), W2, c2)

# --- scband reference (transcript-rebuilt; emitter-appended) ---
"""Pipeline reference for scband-movie-rec-model-53979148976383 (READ-ONLY COPY).

The authoritative reference and input builder live on the scoring server;
editing this copy changes nothing except your own understanding.
"""

import jax, jax.numpy as jnp
import numpy as np

NUM_USERS = 1000000
NUM_MOVIES = 100000
NUM_GENRES = 20
HL = 64
ED = 32
B = 16384


def setup_inputs(seed: int = 0) -> dict:
    key = jax.random.key(seed)
    ks = jax.random.split(key, 16)
    userIndices = jax.random.randint(ks[0], (B,), 0, NUM_USERS, dtype=jnp.int64 if jax.config.jax_enable_x64 else jnp.int32)
    movieIndices = jax.random.randint(ks[1], (B,), 0, NUM_MOVIES, dtype=jnp.int64 if jax.config.jax_enable_x64 else jnp.int32)
    genreIndeces = jax.random.uniform(ks[2], (B, NUM_GENRES), dtype=jnp.float32)
    userEmb = jax.random.normal(ks[3], (NUM_USERS, ED), dtype=jnp.float32)
    movieEmb = jax.random.normal(ks[4], (NUM_MOVIES, ED), dtype=jnp.float32)
    userBiasT = jax.random.normal(ks[5], (NUM_USERS, 1), dtype=jnp.float32)
    movieBiasT = jax.random.normal(ks[6], (NUM_MOVIES, 1), dtype=jnp.float32)
    bias = jnp.zeros((1,), dtype=jnp.float32)
    gW = jax.random.normal(ks[7], (ED, NUM_GENRES), dtype=jnp.float32) * 0.05
    gb = jnp.zeros((ED,), dtype=jnp.float32)
    W1 = jax.random.normal(ks[8], (HL, ED * 3), dtype=jnp.float32) * 0.05
    b1 = jnp.zeros((HL,), dtype=jnp.float32)
    W2 = jax.random.normal(ks[9], (1, HL), dtype=jnp.float32) * 0.05
    b2 = jnp.zeros((1,), dtype=jnp.float32)
    return {"userIndices": userIndices, "movieIndices": movieIndices, "genreIndeces": genreIndeces,
            "userEmb": userEmb, "movieEmb": movieEmb, "userBiasT": userBiasT, "movieBiasT": movieBiasT,
            "bias": bias, "gW": gW, "gb": gb, "W1": W1, "b1": b1, "W2": W2, "b2": b2}


def reference(userIndices, movieIndices, genreIndeces, userEmb, movieEmb, userBiasT, movieBiasT, bias, gW, gb, W1, b1, W2, b2):
    # Embedding lookups (gather)
    userEmbeds = jnp.take(userEmb, userIndices, axis=0)
    movieEmbeds = jnp.take(movieEmb, movieIndices, axis=0)
    genreEmbeds = genreIndeces @ gW.T + gb
    userBias = jnp.take(userBiasT, userIndices, axis=0)[:, 0]
    movieBias = jnp.take(movieBiasT, movieIndices, axis=0)[:, 0]
    dotProduct = (userEmbeds * movieEmbeds).sum(axis=1)
    x = jnp.concatenate([userEmbeds, movieEmbeds, genreEmbeds], axis=1)
    x = jax.nn.relu(x @ W1.T + b1)  # dropout is identity in eval mode
    mlp = (x @ W2.T + b2)[:, 0]
    return dotProduct + mlp + userBias + movieBias + bias[0]

if __name__ == "__main__":
    import jax
    _d = setup_inputs()
    print(jax.jit(kernel)(*tuple(_d.values())))

</pallas_src>

<mosaic_0001>
#map = affine_map<(d0, d1) -> (0, 0, 0)>
#map1 = affine_map<(d0, d1) -> (0, 0)>
#map2 = affine_map<(d0, d1) -> (0)>
module attributes {stable_mosaic.version = 14 : i64} {
  func.func @_sc_gather(%arg0: i32, %arg1: i32, %arg2: memref<32x4x128xi32, #tpu.memory_space<hbm>>, %arg3: memref<32x4x128xi32, #tpu.memory_space<hbm>>, %arg4: memref<100000x32xf32, #tpu.memory_space<hbm>>, %arg5: memref<1000000xf32, #tpu.memory_space<hbm>>, %arg6: memref<100000xf32, #tpu.memory_space<hbm>>, %arg7: memref<32x128x128xf32, #tpu.memory_space<hbm>>, %arg8: memref<16384xf32, #tpu.memory_space<hbm>>, %arg9: memref<16384xf32, #tpu.memory_space<hbm>>, %arg10: memref<4x128xi32, #tpu.memory_space<vmem>>, %arg11: memref<4x128xi32, #tpu.memory_space<vmem>>, %arg12: memref<512x32xf32, #tpu.memory_space<vmem>>, %arg13: memref<32x4x128xf32, #tpu.memory_space<vmem>>, %arg14: memref<512xf32, #tpu.memory_space<vmem>>, %arg15: memref<512xf32, #tpu.memory_space<vmem>>, %arg16: memref<!tpu.dma_semaphore, #tpu.memory_space<semaphore_mem>>, %arg17: memref<!tpu.dma_semaphore, #tpu.memory_space<semaphore_mem>>, %arg18: memref<!tpu.dma_semaphore, #tpu.memory_space<semaphore_mem>>, %arg19: memref<!tpu.dma_semaphore, #tpu.memory_space<semaphore_mem>>, %arg20: memref<!tpu.dma_semaphore, #tpu.memory_space<semaphore_mem>>) attributes {dimension_semantics = [#tpu.dimension_semantics<core_parallel>, #tpu.dimension_semantics<subcore_parallel>], iteration_bounds = array<i64: 2, 16>, scalar_prefetch = 0 : i64, scratch_operands = 11 : i64, tpu.core_type = #tpu.core_type<sc_vector_subcore>, window_params = [{transform_indices = #map}, {transform_indices = #map}, {transform_indices = #map1}, {transform_indices = #map2}, {transform_indices = #map2}, {transform_indices = #map}, {transform_indices = #map2}, {transform_indices = #map2}]} {
    %mul3A = arith.constant 2 : i32
    %mul3A_0 = arith.muli %arg1, %mul3A : i32
    %add3A = arith.addi %mul3A_0, %arg0 : i32
    %mul3A_1 = arith.constant 512 : i32
    %mul3A_2 = arith.muli %add3A, %mul3A_1 : i32
    "tpu.region"() ({
      %run_scoped3A = tpu.sem_alloc : memref<!tpu.dma_semaphore, #tpu.memory_space<semaphore_mem>>
      %dma_start3A_408 = arith.constant 0 : i32
      %dma_start3A_409 = arith.constant 0 : i32
      %dma_start3A_410 = tpu.memref_slice %arg2[%add3A, %dma_start3A_408, %dma_start3A_409] : memref<32x4x128xi32, #tpu.memory_space<hbm>> -> memref<1x4x128xi32, #tpu.memory_space<hbm>>
      %dma_start3A_411 = tpu.memref_squeeze %dma_start3A_410 : memref<1x4x128xi32, #tpu.memory_space<hbm>> -> memref<4x128xi32, #tpu.memory_space<hbm>>
      %dma_start3A_412 = arith.constant 0 : i32
      %dma_start3A_413 = arith.constant 0 : i32
      %dma_start3A_414 = tpu.memref_slice %arg2[%add3A, %dma_start3A_412, %dma_start3A_413] : memref<32x4x128xi32, #tpu.memory_space<hbm>> -> memref<1x4x128xi32, #tpu.memory_space<hbm>>
      %dma_start3A_415 = tpu.memref_squeeze %dma_start3A_414 : memref<1x4x128xi32, #tpu.memory_space<hbm>> -> memref<4x128xi32, #tpu.memory_space<hbm>>
      tpu.enqueue_dma source(%dma_start3A_415 : memref<4x128xi32, #tpu.memory_space<hbm>>) target(%arg10 : memref<4x128xi32, #tpu.memory_space<vmem>>) target_semaphore(%run_scoped3A : memref<!tpu.dma_semaphore, #tpu.memory_space<semaphore_mem>>)
      %dma_wait3A_416 = arith.constant 0 : i32
      %dma_wait3A_417 = arith.constant 0 : i32
      %dma_wait3A_418 = tpu.memref_slice %arg2[%add3A, %dma_wait3A_416, %dma_wait3A_417] : memref<32x4x128xi32, #tpu.memory_space<hbm>> -> memref<1x4x128xi32, #tpu.memory_space<hbm>>
      %dma_wait3A_419 = tpu.memref_squeeze %dma_wait3A_418 : memref<1x4x128xi32, #tpu.memory_space<hbm>> -> memref<4x128xi32, #tpu.memory_space<hbm>>
      %dma_wait3A_420 = arith.constant 0 : i32
      %dma_wait3A_421 = arith.constant 0 : i32
      %dma_wait3A_422 = tpu.memref_slice %arg2[%add3A, %dma_wait3A_420, %dma_wait3A_421] : memref<32x4x128xi32, #tpu.memory_space<hbm>> -> memref<1x4x128xi32, #tpu.memory_space<hbm>>
      %dma_wait3A_423 = tpu.memref_squeeze %dma_wait3A_422 : memref<1x4x128xi32, #tpu.memory_space<hbm>> -> memref<4x128xi32, #tpu.memory_space<hbm>>
      tpu.wait_dma2 semaphore(%run_scoped3A : memref<!tpu.dma_semaphore, #tpu.memory_space<semaphore_mem>>) src(%dma_wait3A_423 : memref<4x128xi32, #tpu.memory_space<hbm>>) dst(%arg10 : memref<4x128xi32, #tpu.memory_space<vmem>>)
      tpu.yield
    }) : () -> ()
    "tpu.region"() ({
      %run_scoped3A = tpu.sem_alloc : memref<!tpu.dma_semaphore, #tpu.memory_space<semaphore_mem>>
      %dma_start3A_408 = arith.constant 0 : i32
      %dma_start3A_409 = arith.constant 0 : i32
      %dma_start3A_410 = tpu.memref_slice %arg3[%add3A, %dma_start3A_408, %dma_start3A_409] : memref<32x4x128xi32, #tpu.memory_space<hbm>> -> memref<1x4x128xi32, #tpu.memory_space<hbm>>
      %dma_start3A_411 = tpu.memref_squeeze %dma_start3A_410 : memref<1x4x128xi32, #tpu.memory_space<hbm>> -> memref<4x128xi32, #tpu.memory_space<hbm>>
      %dma_start3A_412 = arith.constant 0 : i32
      %dma_start3A_413 = arith.constant 0 : i32
      %dma_start3A_414 = tpu.memref_slice %arg3[%add3A, %dma_start3A_412, %dma_start3A_413] : memref<32x4x128xi32, #tpu.memory_space<hbm>> -> memref<1x4x128xi32, #tpu.memory_space<hbm>>
      %dma_start3A_415 = tpu.memref_squeeze %dma_start3A_414 : memref<1x4x128xi32, #tpu.memory_space<hbm>> -> memref<4x128xi32, #tpu.memory_space<hbm>>
      tpu.enqueue_dma source(%dma_start3A_415 : memref<4x128xi32, #tpu.memory_space<hbm>>) target(%arg11 : memref<4x128xi32, #tpu.memory_space<vmem>>) target_semaphore(%run_scoped3A : memref<!tpu.dma_semaphore, #tpu.memory_space<semaphore_mem>>)
      %dma_wait3A_416 = arith.constant 0 : i32
      %dma_wait3A_417 = arith.constant 0 : i32
      %dma_wait3A_418 = tpu.memref_slice %arg3[%add3A, %dma_wait3A_416, %dma_wait3A_417] : memref<32x4x128xi32, #tpu.memory_space<hbm>> -> memref<1x4x128xi32, #tpu.memory_space<hbm>>
      %dma_wait3A_419 = tpu.memref_squeeze %dma_wait3A_418 : memref<1x4x128xi32, #tpu.memory_space<hbm>> -> memref<4x128xi32, #tpu.memory_space<hbm>>
      %dma_wait3A_420 = arith.constant 0 : i32
      %dma_wait3A_421 = arith.constant 0 : i32
      %dma_wait3A_422 = tpu.memref_slice %arg3[%add3A, %dma_wait3A_420, %dma_wait3A_421] : memref<32x4x128xi32, #tpu.memory_space<hbm>> -> memref<1x4x128xi32, #tpu.memory_space<hbm>>
      %dma_wait3A_423 = tpu.memref_squeeze %dma_wait3A_422 : memref<1x4x128xi32, #tpu.memory_space<hbm>> -> memref<4x128xi32, #tpu.memory_space<hbm>>
      tpu.wait_dma2 semaphore(%run_scoped3A : memref<!tpu.dma_semaphore, #tpu.memory_space<semaphore_mem>>) src(%dma_wait3A_423 : memref<4x128xi32, #tpu.memory_space<hbm>>) dst(%arg11 : memref<4x128xi32, #tpu.memory_space<vmem>>)
      tpu.yield
    }) : () -> ()
    %dma_start3A = arith.constant 0 : i32
    %dma_start3A_3 = arith.constant 0 : i32
    %dma_start3A_4 = tpu.memref_slice %arg14[%dma_start3A_3] : memref<512xf32, #tpu.memory_space<vmem>> -> memref<128xf32, #tpu.memory_space<vmem>>
    %dma_start3A_5 = arith.constant 0 : i32
    %dma_start3A_6 = tpu.memref_slice %arg10[%dma_start3A, %dma_start3A_5] : memref<4x128xi32, #tpu.memory_space<vmem>> -> memref<1x128xi32, #tpu.memory_space<vmem>>
    %dma_start3A_7 = tpu.memref_squeeze %dma_start3A_6 : memref<1x128xi32, #tpu.memory_space<vmem>> -> memref<128xi32, #tpu.memory_space<vmem>>
    %dma_start3A_8 = arith.constant 0 : i32
    %dma_start3A_9 = tpu.memref_slice %arg5[%dma_start3A_8] : memref<1000000xf32, #tpu.memory_space<hbm>> -> memref<1000000xf32, #tpu.memory_space<hbm>>
    tpu.enqueue_indirect_dma source(%dma_start3A_9 : memref<1000000xf32, #tpu.memory_space<hbm>>) target(%dma_start3A_4 : memref<128xf32, #tpu.memory_space<vmem>>) offsets(%dma_start3A_7 : memref<128xi32, #tpu.memory_space<vmem>>) semaphore(%arg20 : memref<!tpu.dma_semaphore, #tpu.memory_space<semaphore_mem>>)
    %dma_start3A_10 = arith.constant 0 : i32
    %dma_start3A_11 = arith.constant 0 : i32
    %dma_start3A_12 = tpu.memref_slice %arg15[%dma_start3A_11] : memref<512xf32, #tpu.memory_space<vmem>> -> memref<128xf32, #tpu.memory_space<vmem>>
    %dma_start3A_13 = arith.constant 0 : i32
    %dma_start3A_14 = tpu.memref_slice %arg11[%dma_start3A_10, %dma_start3A_13] : memref<4x128xi32, #tpu.memory_space<vmem>> -> memref<1x128xi32, #tpu.memory_space<vmem>>
    %dma_start3A_15 = tpu.memref_squeeze %dma_start3A_14 : memref<1x128xi32, #tpu.memory_space<vmem>> -> memref<128xi32, #tpu.memory_space<vmem>>
    %dma_start3A_16 = arith.constant 0 : i32
    %dma_start3A_17 = tpu.memref_slice %arg6[%dma_start3A_16] : memref<100000xf32, #tpu.memory_space<hbm>> -> memref<100000xf32, #tpu.memory_space<hbm>>
    tpu.enqueue_indirect_dma source(%dma_start3A_17 : memref<100000xf32, #tpu.memory_space<hbm>>) target(%dma_start3A_12 : memref<128xf32, #tpu.memory_space<vmem>>) offsets(%dma_start3A_15 : memref<128xi32, #tpu.memory_space<vmem>>) semaphore(%arg20 : memref<!tpu.dma_semaphore, #tpu.memory_space<semaphore_mem>>)
    %dma_start3A_18 = arith.constant 1 : i32
    %dma_start3A_19 = arith.constant 128 : i32
    %dma_start3A_20 = tpu.memref_slice %arg14[%dma_start3A_19] : memref<512xf32, #tpu.memory_space<vmem>> -> memref<128xf32, #tpu.memory_space<vmem>>
    %dma_start3A_21 = arith.constant 0 : i32
    %dma_start3A_22 = tpu.memref_slice %arg10[%dma_start3A_18, %dma_start3A_21] : memref<4x128xi32, #tpu.memory_space<vmem>> -> memref<1x128xi32, #tpu.memory_space<vmem>>
    %dma_start3A_23 = tpu.memref_squeeze %dma_start3A_22 : memref<1x128xi32, #tpu.memory_space<vmem>> -> memref<128xi32, #tpu.memory_space<vmem>>
    %dma_start3A_24 = arith.constant 0 : i32
    %dma_start3A_25 = tpu.memref_slice %arg5[%dma_start3A_24] : memref<1000000xf32, #tpu.memory_space<hbm>> -> memref<1000000xf32, #tpu.memory_space<hbm>>
    tpu.enqueue_indirect_dma source(%dma_start3A_25 : memref<1000000xf32, #tpu.memory_space<hbm>>) target(%dma_start3A_20 : memref<128xf32, #tpu.memory_space<vmem>>) offsets(%dma_start3A_23 : memref<128xi32, #tpu.memory_space<vmem>>) semaphore(%arg20 : memref<!tpu.dma_semaphore, #tpu.memory_space<semaphore_mem>>)
    %dma_start3A_26 = arith.constant 1 : i32
    %dma_start3A_27 = arith.constant 128 : i32
    %dma_start3A_28 = tpu.memref_slice %arg15[%dma_start3A_27] : memref<512xf32, #tpu.memory_space<vmem>> -> memref<128xf32, #tpu.memory_space<vmem>>
    %dma_start3A_29 = arith.constant 0 : i32
    %dma_start3A_30 = tpu.memref_slice %arg11[%dma_start3A_26, %dma_start3A_29] : memref<4x128xi32, #tpu.memory_space<vmem>> -> memref<1x128xi32, #tpu.memory_space<vmem>>
    %dma_start3A_31 = tpu.memref_squeeze %dma_start3A_30 : memref<1x128xi32, #tpu.memory_space<vmem>> -> memref<128xi32, #tpu.memory_space<vmem>>
    %dma_start3A_32 = arith.constant 0 : i32
    %dma_start3A_33 = tpu.memref_slice %arg6[%dma_start3A_32] : memref<100000xf32, #tpu.memory_space<hbm>> -> memref<100000xf32, #tpu.memory_space<hbm>>
    tpu.enqueue_indirect_dma source(%dma_start3A_33 : memref<100000xf32, #tpu.memory_space<hbm>>) target(%dma_start3A_28 : memref<128xf32, #tpu.memory_space<vmem>>) offsets(%dma_start3A_31 : memref<128xi32, #tpu.memory_space<vmem>>) semaphore(%arg20 : memref<!tpu.dma_semaphore, #tpu.memory_space<semaphore_mem>>)
    %dma_start3A_34 = arith.constant 2 : i32
    %dma_start3A_35 = arith.constant 256 : i32
    %dma_start3A_36 = tpu.memref_slice %arg14[%dma_start3A_35] : memref<512xf32, #tpu.memory_space<vmem>> -> memref<128xf32, #tpu.memory_space<vmem>>
    %dma_start3A_37 = arith.constant 0 : i32
    %dma_start3A_38 = tpu.memref_slice %arg10[%dma_start3A_34, %dma_start3A_37] : memref<4x128xi32, #tpu.memory_space<vmem>> -> memref<1x128xi32, #tpu.memory_space<vmem>>
    %dma_start3A_39 = tpu.memref_squeeze %dma_start3A_38 : memref<1x128xi32, #tpu.memory_space<vmem>> -> memref<128xi32, #tpu.memory_space<vmem>>
    %dma_start3A_40 = arith.constant 0 : i32
    %dma_start3A_41 = tpu.memref_slice %arg5[%dma_start3A_40] : memref<1000000xf32, #tpu.memory_space<hbm>> -> memref<1000000xf32, #tpu.memory_space<hbm>>
    tpu.enqueue_indirect_dma source(%dma_start3A_41 : memref<1000000xf32, #tpu.memory_space<hbm>>) target(%dma_start3A_36 : memref<128xf32, #tpu.memory_space<vmem>>) offsets(%dma_start3A_39 : memref<128xi32, #tpu.memory_space<vmem>>) semaphore(%arg20 : memref<!tpu.dma_semaphore, #tpu.memory_space<semaphore_mem>>)
    %dma_start3A_42 = arith.constant 2 : i32
    %dma_start3A_43 = arith.constant 256 : i32
    %dma_start3A_44 = tpu.memref_slice %arg15[%dma_start3A_43] : memref<512xf32, #tpu.memory_space<vmem>> -> memref<128xf32, #tpu.memory_space<vmem>>
    %dma_start3A_45 = arith.constant 0 : i32
    %dma_start3A_46 = tpu.memref_slice %arg11[%dma_start3A_42, %dma_start3A_45] : memref<4x128xi32, #tpu.memory_space<vmem>> -> memref<1x128xi32, #tpu.memory_space<vmem>>
    %dma_start3A_47 = tpu.memref_squeeze %dma_start3A_46 : memref<1x128xi32, #tpu.memory_space<vmem>> -> memref<128xi32, #tpu.memory_space<vmem>>
    %dma_start3A_48 = arith.constant 0 : i32
    %dma_start3A_49 = tpu.memref_slice %arg6[%dma_start3A_48] : memref<100000xf32, #tpu.memory_space<hbm>> -> memref<100000xf32, #tpu.memory_space<hbm>>
    tpu.enqueue_indirect_dma source(%dma_start3A_49 : memref<100000xf32, #tpu.memory_space<hbm>>) target(%dma_start3A_44 : memref<128xf32, #tpu.memory_space<vmem>>) offsets(%dma_start3A_47 : memref<128xi32, #tpu.memory_space<vmem>>) semaphore(%arg20 : memref<!tpu.dma_semaphore, #tpu.memory_space<semaphore_mem>>)
    %dma_start3A_50 = arith.constant 3 : i32
    %dma_start3A_51 = arith.constant 384 : i32
    %dma_start3A_52 = tpu.memref_slice %arg14[%dma_start3A_51] : memref<512xf32, #tpu.memory_space<vmem>> -> memref<128xf32, #tpu.memory_space<vmem>>
    %dma_start3A_53 = arith.constant 0 : i32
    %dma_start3A_54 = tpu.memref_slice %arg10[%dma_start3A_50, %dma_start3A_53] : memref<4x128xi32, #tpu.memory_space<vmem>> -> memref<1x128xi32, #tpu.memory_space<vmem>>
    %dma_start3A_55 = tpu.memref_squeeze %dma_start3A_54 : memref<1x128xi32, #tpu.memory_space<vmem>> -> memref<128xi32, #tpu.memory_space<vmem>>
    %dma_start3A_56 = arith.constant 0 : i32
    %dma_start3A_57 = tpu.memref_slice %arg5[%dma_start3A_56] : memref<1000000xf32, #tpu.memory_space<hbm>> -> memref<1000000xf32, #tpu.memory_space<hbm>>
    tpu.enqueue_indirect_dma source(%dma_start3A_57 : memref<1000000xf32, #tpu.memory_space<hbm>>) target(%dma_start3A_52 : memref<128xf32, #tpu.memory_space<vmem>>) offsets(%dma_start3A_55 : memref<128xi32, #tpu.memory_space<vmem>>) semaphore(%arg20 : memref<!tpu.dma_semaphore, #tpu.memory_space<semaphore_mem>>)
    %dma_start3A_58 = arith.constant 3 : i32
    %dma_start3A_59 = arith.constant 384 : i32
    %dma_start3A_60 = tpu.memref_slice %arg15[%dma_start3A_59] : memref<512xf32, #tpu.memory_space<vmem>> -> memref<128xf32, #tpu.memory_space<vmem>>
    %dma_start3A_61 = arith.constant 0 : i32
    %dma_start3A_62 = tpu.memref_slice %arg11[%dma_start3A_58, %dma_start3A_61] : memref<4x128xi32, #tpu.memory_space<vmem>> -> memref<1x128xi32, #tpu.memory_space<vmem>>
    %dma_start3A_63 = tpu.memref_squeeze %dma_start3A_62 : memref<1x128xi32, #tpu.memory_space<vmem>> -> memref<128xi32, #tpu.memory_space<vmem>>
    %dma_start3A_64 = arith.constant 0 : i32
    %dma_start3A_65 = tpu.memref_slice %arg6[%dma_start3A_64] : memref<100000xf32, #tpu.memory_space<hbm>> -> memref<100000xf32, #tpu.memory_space<hbm>>
    tpu.enqueue_indirect_dma source(%dma_start3A_65 : memref<100000xf32, #tpu.memory_space<hbm>>) target(%dma_start3A_60 : memref<128xf32, #tpu.memory_space<vmem>>) offsets(%dma_start3A_63 : memref<128xi32, #tpu.memory_space<vmem>>) semaphore(%arg20 : memref<!tpu.dma_semaphore, #tpu.memory_space<semaphore_mem>>)
    %dma_start3A_66 = arith.constant 0 : i32
    %dma_start3A_67 = arith.constant 0 : i32
    %dma_start3A_68 = arith.constant 0 : i32
    %dma_start3A_69 = tpu.memref_slice %arg12[%dma_start3A_67, %dma_start3A_68] : memref<512x32xf32, #tpu.memory_space<vmem>> -> memref<128x32xf32, #tpu.memory_space<vmem>>
    %dma_start3A_70 = arith.constant 0 : i32
    %dma_start3A_71 = tpu.memref_slice %arg11[%dma_start3A_66, %dma_start3A_70] : memref<4x128xi32, #tpu.memory_space<vmem>> -> memref<1x128xi32, #tpu.memory_space<vmem>>
    %dma_start3A_72 = tpu.memref_squeeze %dma_start3A_71 : memref<1x128xi32, #tpu.memory_space<vmem>> -> memref<128xi32, #tpu.memory_space<vmem>>
    %dma_start3A_73 = arith.constant 0 : i32
    %dma_start3A_74 = arith.constant 0 : i32
    %dma_start3A_75 = tpu.memref_slice %arg4[%dma_start3A_73, %dma_start3A_74] : memref<100000x32xf32, #tpu.memory_space<hbm>> -> memref<100000x32xf32, #tpu.memory_space<hbm>>
    tpu.enqueue_indirect_dma source(%dma_start3A_75 : memref<100000x32xf32, #tpu.memory_space<hbm>>) target(%dma_start3A_69 : memref<128x32xf32, #tpu.memory_space<vmem>>) offsets(%dma_start3A_72 : memref<128xi32, #tpu.memory_space<vmem>>) semaphore(%arg16 : memref<!tpu.dma_semaphore, #tpu.memory_space<semaphore_mem>>)
    %dma_start3A_76 = arith.constant 1 : i32
    %dma_start3A_77 = arith.constant 128 : i32
    %dma_start3A_78 = arith.constant 0 : i32
    %dma_start3A_79 = tpu.memref_slice %arg12[%dma_start3A_77, %dma_start3A_78] : memref<512x32xf32, #tpu.memory_space<vmem>> -> memref<128x32xf32, #tpu.memory_space<vmem>>
    %dma_start3A_80 = arith.constant 0 : i32
    %dma_start3A_81 = tpu.memref_slice %arg11[%dma_start3A_76, %dma_start3A_80] : memref<4x128xi32, #tpu.memory_space<vmem>> -> memref<1x128xi32, #tpu.memory_space<vmem>>
    %dma_start3A_82 = tpu.memref_squeeze %dma_start3A_81 : memref<1x128xi32, #tpu.memory_space<vmem>> -> memref<128xi32, #tpu.memory_space<vmem>>
    %dma_start3A_83 = arith.constant 0 : i32
    %dma_start3A_84 = arith.constant 0 : i32
    %dma_start3A_85 = tpu.memref_slice %arg4[%dma_start3A_83, %dma_start3A_84] : memref<100000x32xf32, #tpu.memory_space<hbm>> -> memref<100000x32xf32, #tpu.memory_space<hbm>>
    tpu.enqueue_indirect_dma source(%dma_start3A_85 : memref<100000x32xf32, #tpu.memory_space<hbm>>) target(%dma_start3A_79 : memref<128x32xf32, #tpu.memory_space<vmem>>) offsets(%dma_start3A_82 : memref<128xi32, #tpu.memory_space<vmem>>) semaphore(%arg17 : memref<!tpu.dma_semaphore, #tpu.memory_space<semaphore_mem>>)
    %dma_start3A_86 = arith.constant 2 : i32
    %dma_start3A_87 = arith.constant 256 : i32
    %dma_start3A_88 = arith.constant 0 : i32
    %dma_start3A_89 = tpu.memref_slice %arg12[%dma_start3A_87, %dma_start3A_88] : memref<512x32xf32, #tpu.memory_space<vmem>> -> memref<128x32xf32, #tpu.memory_space<vmem>>
    %dma_start3A_90 = arith.constant 0 : i32
    %dma_start3A_91 = tpu.memref_slice %arg11[%dma_start3A_86, %dma_start3A_90] : memref<4x128xi32, #tpu.memory_space<vmem>> -> memref<1x128xi32, #tpu.memory_space<vmem>>
    %dma_start3A_92 = tpu.memref_squeeze %dma_start3A_91 : memref<1x128xi32, #tpu.memory_space<vmem>> -> memref<128xi32, #tpu.memory_space<vmem>>
    %dma_start3A_93 = arith.constant 0 : i32
    %dma_start3A_94 = arith.constant 0 : i32
    %dma_start3A_95 = tpu.memref_slice %arg4[%dma_start3A_93, %dma_start3A_94] : memref<100000x32xf32, #tpu.memory_space<hbm>> -> memref<100000x32xf32, #tpu.memory_space<hbm>>
    tpu.enqueue_indirect_dma source(%dma_start3A_95 : memref<100000x32xf32, #tpu.memory_space<hbm>>) target(%dma_start3A_89 : memref<128x32xf32, #tpu.memory_space<vmem>>) offsets(%dma_start3A_92 : memref<128xi32, #tpu.memory_space<vmem>>) semaphore(%arg18 : memref<!tpu.dma_semaphore, #tpu.memory_space<semaphore_mem>>)
    %dma_start3A_96 = arith.constant 3 : i32
    %dma_start3A_97 = arith.constant 384 : i32
    %dma_start3A_98 = arith.constant 0 : i32
    %dma_start3A_99 = tpu.memref_slice %arg12[%dma_start3A_97, %dma_start3A_98] : memref<512x32xf32, #tpu.memory_space<vmem>> -> memref<128x32xf32, #tpu.memory_space<vmem>>
    %dma_start3A_100 = arith.constant 0 : i32
    %dma_start3A_101 = tpu.memref_slice %arg11[%dma_start3A_96, %dma_start3A_100] : memref<4x128xi32, #tpu.memory_space<vmem>> -> memref<1x128xi32, #tpu.memory_space<vmem>>
    %dma_start3A_102 = tpu.memref_squeeze %dma_start3A_101 : memref<1x128xi32, #tpu.memory_space<vmem>> -> memref<128xi32, #tpu.memory_space<vmem>>
    %dma_start3A_103 = arith.constant 0 : i32
    %dma_start3A_104 = arith.constant 0 : i32
    %dma_start3A_105 = tpu.memref_slice %arg4[%dma_start3A_103, %dma_start3A_104] : memref<100000x32xf32, #tpu.memory_space<hbm>> -> memref<100000x32xf32, #tpu.memory_space<hbm>>
    tpu.enqueue_indirect_dma source(%dma_start3A_105 : memref<100000x32xf32, #tpu.memory_space<hbm>>) target(%dma_start3A_99 : memref<128x32xf32, #tpu.memory_space<vmem>>) offsets(%dma_start3A_102 : memref<128xi32, #tpu.memory_space<vmem>>) semaphore(%arg19 : memref<!tpu.dma_semaphore, #tpu.memory_space<semaphore_mem>>)
    %dma_wait3A = arith.constant 0 : i32
    %dma_wait3A_106 = arith.constant 0 : i32
    %dma_wait3A_107 = arith.constant 0 : i32
    %dma_wait3A_108 = tpu.memref_slice %arg12[%dma_wait3A_106, %dma_wait3A_107] : memref<512x32xf32, #tpu.memory_space<vmem>> -> memref<128x32xf32, #tpu.memory_space<vmem>>
    %dma_wait3A_109 = arith.constant 0 : i32
    %dma_wait3A_110 = tpu.memref_slice %arg11[%dma_wait3A, %dma_wait3A_109] : memref<4x128xi32, #tpu.memory_space<vmem>> -> memref<1x128xi32, #tpu.memory_space<vmem>>
    %dma_wait3A_111 = tpu.memref_squeeze %dma_wait3A_110 : memref<1x128xi32, #tpu.memory_space<vmem>> -> memref<128xi32, #tpu.memory_space<vmem>>
    %dma_wait3A_112 = arith.constant 0 : i32
    %dma_wait3A_113 = arith.constant 0 : i32
    %dma_wait3A_114 = tpu.memref_slice %arg4[%dma_wait3A_112, %dma_wait3A_113] : memref<100000x32xf32, #tpu.memory_space<hbm>> -> memref<100000x32xf32, #tpu.memory_space<hbm>>
    tpu.wait_indirect_dma semaphore(%arg16 : memref<!tpu.dma_semaphore, #tpu.memory_space<semaphore_mem>>) src(%dma_wait3A_114 : memref<100000x32xf32, #tpu.memory_space<hbm>>) dst(%dma_wait3A_108 : memref<128x32xf32, #tpu.memory_space<vmem>>)
    %dma_wait3A_115 = arith.constant 1 : i32
    %dma_wait3A_116 = arith.constant 128 : i32
    %dma_wait3A_117 = arith.constant 0 : i32
    %dma_wait3A_118 = tpu.memref_slice %arg12[%dma_wait3A_116, %dma_wait3A_117] : memref<512x32xf32, #tpu.memory_space<vmem>> -> memref<128x32xf32, #tpu.memory_space<vmem>>
    %dma_wait3A_119 = arith.constant 0 : i32
    %dma_wait3A_120 = tpu.memref_slice %arg11[%dma_wait3A_115, %dma_wait3A_119] : memref<4x128xi32, #tpu.memory_space<vmem>> -> memref<1x128xi32, #tpu.memory_space<vmem>>
    %dma_wait3A_121 = tpu.memref_squeeze %dma_wait3A_120 : memref<1x128xi32, #tpu.memory_space<vmem>> -> memref<128xi32, #tpu.memory_space<vmem>>
    %dma_wait3A_122 = arith.constant 0 : i32
    %dma_wait3A_123 = arith.constant 0 : i32
    %dma_wait3A_124 = tpu.memref_slice %arg4[%dma_wait3A_122, %dma_wait3A_123] : memref<100000x32xf32, #tpu.memory_space<hbm>> -> memref<100000x32xf32, #tpu.memory_space<hbm>>
    tpu.wait_indirect_dma semaphore(%arg17 : memref<!tpu.dma_semaphore, #tpu.memory_space<semaphore_mem>>) src(%dma_wait3A_124 : memref<100000x32xf32, #tpu.memory_space<hbm>>) dst(%dma_wait3A_118 : memref<128x32xf32, #tpu.memory_space<vmem>>)
    %dma_wait3A_125 = arith.constant 2 : i32
    %dma_wait3A_126 = arith.constant 256 : i32
    %dma_wait3A_127 = arith.constant 0 : i32
    %dma_wait3A_128 = tpu.memref_slice %arg12[%dma_wait3A_126, %dma_wait3A_127] : memref<512x32xf32, #tpu.memory_space<vmem>> -> memref<128x32xf32, #tpu.memory_space<vmem>>
    %dma_wait3A_129 = arith.constant 0 : i32
    %dma_wait3A_130 = tpu.memref_slice %arg11[%dma_wait3A_125, %dma_wait3A_129] : memref<4x128xi32, #tpu.memory_space<vmem>> -> memref<1x128xi32, #tpu.memory_space<vmem>>
    %dma_wait3A_131 = tpu.memref_squeeze %dma_wait3A_130 : memref<1x128xi32, #tpu.memory_space<vmem>> -> memref<128xi32, #tpu.memory_space<vmem>>
    %dma_wait3A_132 = arith.constant 0 : i32
    %dma_wait3A_133 = arith.constant 0 : i32
    %dma_wait3A_134 = tpu.memref_slice %arg4[%dma_wait3A_132, %dma_wait3A_133] : memref<100000x32xf32, #tpu.memory_space<hbm>> -> memref<100000x32xf32, #tpu.memory_space<hbm>>
    tpu.wait_indirect_dma semaphore(%arg18 : memref<!tpu.dma_semaphore, #tpu.memory_space<semaphore_mem>>) src(%dma_wait3A_134 : memref<100000x32xf32, #tpu.memory_space<hbm>>) dst(%dma_wait3A_128 : memref<128x32xf32, #tpu.memory_space<vmem>>)
    %dma_wait3A_135 = arith.constant 3 : i32
    %dma_wait3A_136 = arith.constant 384 : i32
    %dma_wait3A_137 = arith.constant 0 : i32
    %dma_wait3A_138 = tpu.memref_slice %arg12[%dma_wait3A_136, %dma_wait3A_137] : memref<512x32xf32, #tpu.memory_space<vmem>> -> memref<128x32xf32, #tpu.memory_space<vmem>>
    %dma_wait3A_139 = arith.constant 0 : i32
    %dma_wait3A_140 = tpu.memref_slice %arg11[%dma_wait3A_135, %dma_wait3A_139] : memref<4x128xi32, #tpu.memory_space<vmem>> -> memref<1x128xi32, #tpu.memory_space<vmem>>
    %dma_wait3A_141 = tpu.memref_squeeze %dma_wait3A_140 : memref<1x128xi32, #tpu.memory_space<vmem>> -> memref<128xi32, #tpu.memory_space<vmem>>
    %dma_wait3A_142 = arith.constant 0 : i32
    %dma_wait3A_143 = arith.constant 0 : i32
    %dma_wait3A_144 = tpu.memref_slice %arg4[%dma_wait3A_142, %dma_wait3A_143] : memref<100000x32xf32, #tpu.memory_space<hbm>> -> memref<100000x32xf32, #tpu.memory_space<hbm>>
    tpu.wait_indirect_dma semaphore(%arg19 : memref<!tpu.dma_semaphore, #tpu.memory_space<semaphore_mem>>) src(%dma_wait3A_144 : memref<100000x32xf32, #tpu.memory_space<hbm>>) dst(%dma_wait3A_138 : memref<128x32xf32, #tpu.memory_space<vmem>>)
    %dma_wait3A_145 = arith.constant 0 : i32
    %dma_wait3A_146 = arith.constant 0 : i32
    %dma_wait3A_147 = tpu.memref_slice %arg14[%dma_wait3A_146] : memref<512xf32, #tpu.memory_space<vmem>> -> memref<128xf32, #tpu.memory_space<vmem>>
    %dma_wait3A_148 = arith.constant 0 : i32
    %dma_wait3A_149 = tpu.memref_slice %arg10[%dma_wait3A_145, %dma_wait3A_148] : memref<4x128xi32, #tpu.memory_space<vmem>> -> memref<1x128xi32, #tpu.memory_space<vmem>>
    %dma_wait3A_150 = tpu.memref_squeeze %dma_wait3A_149 : memref<1x128xi32, #tpu.memory_space<vmem>> -> memref<128xi32, #tpu.memory_space<vmem>>
    %dma_wait3A_151 = arith.constant 0 : i32
    %dma_wait3A_152 = tpu.memref_slice %arg5[%dma_wait3A_151] : memref<1000000xf32, #tpu.memory_space<hbm>> -> memref<1000000xf32, #tpu.memory_space<hbm>>
    tpu.wait_indirect_dma semaphore(%arg20 : memref<!tpu.dma_semaphore, #tpu.memory_space<semaphore_mem>>) src(%dma_wait3A_152 : memref<1000000xf32, #tpu.memory_space<hbm>>) dst(%dma_wait3A_147 : memref<128xf32, #tpu.memory_space<vmem>>)
    %dma_wait3A_153 = arith.constant 0 : i32
    %dma_wait3A_154 = arith.constant 0 : i32
    %dma_wait3A_155 = tpu.memref_slice %arg15[%dma_wait3A_154] : memref<512xf32, #tpu.memory_space<vmem>> -> memref<128xf32, #tpu.memory_space<vmem>>
    %dma_wait3A_156 = arith.constant 0 : i32
    %dma_wait3A_157 = tpu.memref_slice %arg11[%dma_wait3A_153, %dma_wait3A_156] : memref<4x128xi32, #tpu.memory_space<vmem>> -> memref<1x128xi32, #tpu.memory_space<vmem>>
    %dma_wait3A_158 = tpu.memref_squeeze %dma_wait3A_157 : memref<1x128xi32, #tpu.memory_space<vmem>> -> memref<128xi32, #tpu.memory_space<vmem>>
    %dma_wait3A_159 = arith.constant 0 : i32
    %dma_wait3A_160 = tpu.memref_slice %arg6[%dma_wait3A_159] : memref<100000xf32, #tpu.memory_space<hbm>> -> memref<100000xf32, #tpu.memory_space<hbm>>
    tpu.wait_indirect_dma semaphore(%arg20 : memref<!tpu.dma_semaphore, #tpu.memory_space<semaphore_mem>>) src(%dma_wait3A_160 : memref<100000xf32, #tpu.memory_space<hbm>>) dst(%dma_wait3A_155 : memref<128xf32, #tpu.memory_space<vmem>>)
    %dma_wait3A_161 = arith.constant 1 : i32
    %dma_wait3A_162 = arith.constant 128 : i32
    %dma_wait3A_163 = tpu.memref_slice %arg14[%dma_wait3A_162] : memref<512xf32, #tpu.memory_space<vmem>> -> memref<128xf32, #tpu.memory_space<vmem>>
    %dma_wait3A_164 = arith.constant 0 : i32
    %dma_wait3A_165 = tpu.memref_slice %arg10[%dma_wait3A_161, %dma_wait3A_164] : memref<4x128xi32, #tpu.memory_space<vmem>> -> memref<1x128xi32, #tpu.memory_space<vmem>>
    %dma_wait3A_166 = tpu.memref_squeeze %dma_wait3A_165 : memref<1x128xi32, #tpu.memory_space<vmem>> -> memref<128xi32, #tpu.memory_space<vmem>>
    %dma_wait3A_167 = arith.constant 0 : i32
    %dma_wait3A_168 = tpu.memref_slice %arg5[%dma_wait3A_167] : memref<1000000xf32, #tpu.memory_space<hbm>> -> memref<1000000xf32, #tpu.memory_space<hbm>>
    tpu.wait_indirect_dma semaphore(%arg20 : memref<!tpu.dma_semaphore, #tpu.memory_space<semaphore_mem>>) src(%dma_wait3A_168 : memref<1000000xf32, #tpu.memory_space<hbm>>) dst(%dma_wait3A_163 : memref<128xf32, #tpu.memory_space<vmem>>)
    %dma_wait3A_169 = arith.constant 1 : i32
    %dma_wait3A_170 = arith.constant 128 : i32
    %dma_wait3A_171 = tpu.memref_slice %arg15[%dma_wait3A_170] : memref<512xf32, #tpu.memory_space<vmem>> -> memref<128xf32, #tpu.memory_space<vmem>>
    %dma_wait3A_172 = arith.constant 0 : i32
    %dma_wait3A_173 = tpu.memref_slice %arg11[%dma_wait3A_169, %dma_wait3A_172] : memref<4x128xi32, #tpu.memory_space<vmem>> -> memref<1x128xi32, #tpu.memory_space<vmem>>
    %dma_wait3A_174 = tpu.memref_squeeze %dma_wait3A_173 : memref<1x128xi32, #tpu.memory_space<vmem>> -> memref<128xi32, #tpu.memory_space<vmem>>
    %dma_wait3A_175 = arith.constant 0 : i32
    %dma_wait3A_176 = tpu.memref_slice %arg6[%dma_wait3A_175] : memref<100000xf32, #tpu.memory_space<hbm>> -> memref<100000xf32, #tpu.memory_space<hbm>>
    tpu.wait_indirect_dma semaphore(%arg20 : memref<!tpu.dma_semaphore, #tpu.memory_space<semaphore_mem>>) src(%dma_wait3A_176 : memref<100000xf32, #tpu.memory_space<hbm>>) dst(%dma_wait3A_171 : memref<128xf32, #tpu.memory_space<vmem>>)
    %dma_wait3A_177 = arith.constant 2 : i32
    %dma_wait3A_178 = arith.constant 256 : i32
    %dma_wait3A_179 = tpu.memref_slice %arg14[%dma_wait3A_178] : memref<512xf32, #tpu.memory_space<vmem>> -> memref<128xf32, #tpu.memory_space<vmem>>
    %dma_wait3A_180 = arith.constant 0 : i32
    %dma_wait3A_181 = tpu.memref_slice %arg10[%dma_wait3A_177, %dma_wait3A_180] : memref<4x128xi32, #tpu.memory_space<vmem>> -> memref<1x128xi32, #tpu.memory_space<vmem>>
    %dma_wait3A_182 = tpu.memref_squeeze %dma_wait3A_181 : memref<1x128xi32, #tpu.memory_space<vmem>> -> memref<128xi32, #tpu.memory_space<vmem>>
    %dma_wait3A_183 = arith.constant 0 : i32
    %dma_wait3A_184 = tpu.memref_slice %arg5[%dma_wait3A_183] : memref<1000000xf32, #tpu.memory_space<hbm>> -> memref<1000000xf32, #tpu.memory_space<hbm>>
    tpu.wait_indirect_dma semaphore(%arg20 : memref<!tpu.dma_semaphore, #tpu.memory_space<semaphore_mem>>) src(%dma_wait3A_184 : memref<1000000xf32, #tpu.memory_space<hbm>>) dst(%dma_wait3A_179 : memref<128xf32, #tpu.memory_space<vmem>>)
    %dma_wait3A_185 = arith.constant 2 : i32
    %dma_wait3A_186 = arith.constant 256 : i32
    %dma_wait3A_187 = tpu.memref_slice %arg15[%dma_wait3A_186] : memref<512xf32, #tpu.memory_space<vmem>> -> memref<128xf32, #tpu.memory_space<vmem>>
    %dma_wait3A_188 = arith.constant 0 : i32
    %dma_wait3A_189 = tpu.memref_slice %arg11[%dma_wait3A_185, %dma_wait3A_188] : memref<4x128xi32, #tpu.memory_space<vmem>> -> memref<1x128xi32, #tpu.memory_space<vmem>>
    %dma_wait3A_190 = tpu.memref_squeeze %dma_wait3A_189 : memref<1x128xi32, #tpu.memory_space<vmem>> -> memref<128xi32, #tpu.memory_space<vmem>>
    %dma_wait3A_191 = arith.constant 0 : i32
    %dma_wait3A_192 = tpu.memref_slice %arg6[%dma_wait3A_191] : memref<100000xf32, #tpu.memory_space<hbm>> -> memref<100000xf32, #tpu.memory_space<hbm>>
    tpu.wait_indirect_dma semaphore(%arg20 : memref<!tpu.dma_semaphore, #tpu.memory_space<semaphore_mem>>) src(%dma_wait3A_192 : memref<100000xf32, #tpu.memory_space<hbm>>) dst(%dma_wait3A_187 : memref<128xf32, #tpu.memory_space<vmem>>)
    %dma_wait3A_193 = arith.constant 3 : i32
    %dma_wait3A_194 = arith.constant 384 : i32
    %dma_wait3A_195 = tpu.memref_slice %arg14[%dma_wait3A_194] : memref<512xf32, #tpu.memory_space<vmem>> -> memref<128xf32, #tpu.memory_space<vmem>>
    %dma_wait3A_196 = arith.constant 0 : i32
    %dma_wait3A_197 = tpu.memref_slice %arg10[%dma_wait3A_193, %dma_wait3A_196] : memref<4x128xi32, #tpu.memory_space<vmem>> -> memref<1x128xi32, #tpu.memory_space<vmem>>
    %dma_wait3A_198 = tpu.memref_squeeze %dma_wait3A_197 : memref<1x128xi32, #tpu.memory_space<vmem>> -> memref<128xi32, #tpu.memory_space<vmem>>
    %dma_wait3A_199 = arith.constant 0 : i32
    %dma_wait3A_200 = tpu.memref_slice %arg5[%dma_wait3A_199] : memref<1000000xf32, #tpu.memory_space<hbm>> -> memref<1000000xf32, #tpu.memory_space<hbm>>
    tpu.wait_indirect_dma semaphore(%arg20 : memref<!tpu.dma_semaphore, #tpu.memory_space<semaphore_mem>>) src(%dma_wait3A_200 : memref<1000000xf32, #tpu.memory_space<hbm>>) dst(%dma_wait3A_195 : memref<128xf32, #tpu.memory_space<vmem>>)
    %dma_wait3A_201 = arith.constant 3 : i32
    %dma_wait3A_202 = arith.constant 384 : i32
    %dma_wait3A_203 = tpu.memref_slice %arg15[%dma_wait3A_202] : memref<512xf32, #tpu.memory_space<vmem>> -> memref<128xf32, #tpu.memory_space<vmem>>
    %dma_wait3A_204 = arith.constant 0 : i32
    %dma_wait3A_205 = tpu.memref_slice %arg11[%dma_wait3A_201, %dma_wait3A_204] : memref<4x128xi32, #tpu.memory_space<vmem>> -> memref<1x128xi32, #tpu.memory_space<vmem>>
    %dma_wait3A_206 = tpu.memref_squeeze %dma_wait3A_205 : memref<1x128xi32, #tpu.memory_space<vmem>> -> memref<128xi32, #tpu.memory_space<vmem>>
    %dma_wait3A_207 = arith.constant 0 : i32
    %dma_wait3A_208 = tpu.memref_slice %arg6[%dma_wait3A_207] : memref<100000xf32, #tpu.memory_space<hbm>> -> memref<100000xf32, #tpu.memory_space<hbm>>
    tpu.wait_indirect_dma semaphore(%arg20 : memref<!tpu.dma_semaphore, #tpu.memory_space<semaphore_mem>>) src(%dma_wait3A_208 : memref<100000xf32, #tpu.memory_space<hbm>>) dst(%dma_wait3A_203 : memref<128xf32, #tpu.memory_space<vmem>>)
    %iota3A = tpu.iota {dimensions = array<i32: 0>} : vector<16xi32>
    %mul3A_209 = arith.constant 0 : i32
    %mul3A_210 = vector.broadcast %mul3A_209 : i32 to vector<16xi32>
    %mul3A_211 = arith.muli %iota3A, %mul3A_210 : vector<16xi32>
    %add3A_212 = arith.constant 0 : i32
    %add3A_213 = vector.broadcast %add3A_212 : i32 to vector<16xi32>
    %add3A_214 = arith.addi %mul3A_211, %add3A_213 : vector<16xi32>
    %mul3A_215 = arith.constant 0 : i32
    %mul3A_216 = vector.broadcast %mul3A_215 : i32 to vector<16xi32>
    %mul3A_217 = arith.muli %iota3A, %mul3A_216 : vector<16xi32>
    %add3A_218 = arith.constant 1 : i32
    %add3A_219 = vector.broadcast %add3A_218 : i32 to vector<16xi32>
    %add3A_220 = arith.addi %mul3A_217, %add3A_219 : vector<16xi32>
    %mul3A_221 = arith.constant 0 : i32
    %mul3A_222 = vector.broadcast %mul3A_221 : i32 to vector<16xi32>
    %mul3A_223 = arith.muli %iota3A, %mul3A_222 : vector<16xi32>
    %add3A_224 = arith.constant 2 : i32
    %add3A_225 = vector.broadcast %add3A_224 : i32 to vector<16xi32>
    %add3A_226 = arith.addi %mul3A_223, %add3A_225 : vector<16xi32>
    %mul3A_227 = arith.constant 0 : i32
    %mul3A_228 = vector.broadcast %mul3A_227 : i32 to vector<16xi32>
    %mul3A_229 = arith.muli %iota3A, %mul3A_228 : vector<16xi32>
    %add3A_230 = arith.constant 3 : i32
    %add3A_231 = vector.broadcast %add3A_230 : i32 to vector<16xi32>
    %add3A_232 = arith.addi %mul3A_229, %add3A_231 : vector<16xi32>
    %mul3A_233 = arith.constant 0 : i32
    %mul3A_234 = vector.broadcast %mul3A_233 : i32 to vector<16xi32>
    %mul3A_235 = arith.muli %iota3A, %mul3A_234 : vector<16xi32>
    %add3A_236 = arith.constant 4 : i32
    %add3A_237 = vector.broadcast %add3A_236 : i32 to vector<16xi32>
    %add3A_238 = arith.addi %mul3A_235, %add3A_237 : vector<16xi32>
    %mul3A_239 = arith.constant 0 : i32
    %mul3A_240 = vector.broadcast %mul3A_239 : i32 to vector<16xi32>
    %mul3A_241 = arith.muli %iota3A, %mul3A_240 : vector<16xi32>
    %add3A_242 = arith.constant 5 : i32
    %add3A_243 = vector.broadcast %add3A_242 : i32 to vector<16xi32>
    %add3A_244 = arith.addi %mul3A_241, %add3A_243 : vector<16xi32>
    %mul3A_245 = arith.constant 0 : i32
    %mul3A_246 = vector.broadcast %mul3A_245 : i32 to vector<16xi32>
    %mul3A_247 = arith.muli %iota3A, %mul3A_246 : vector<16xi32>
    %add3A_248 = arith.constant 6 : i32
    %add3A_249 = vector.broadcast %add3A_248 : i32 to vector<16xi32>
    %add3A_250 = arith.addi %mul3A_247, %add3A_249 : vector<16xi32>
    %mul3A_251 = arith.constant 0 : i32
    %mul3A_252 = vector.broadcast %mul3A_251 : i32 to vector<16xi32>
    %mul3A_253 = arith.muli %iota3A, %mul3A_252 : vector<16xi32>
    %add3A_254 = arith.constant 7 : i32
    %add3A_255 = vector.broadcast %add3A_254 : i32 to vector<16xi32>
    %add3A_256 = arith.addi %mul3A_253, %add3A_255 : vector<16xi32>
    %mul3A_257 = arith.constant 0 : i32
    %mul3A_258 = vector.broadcast %mul3A_257 : i32 to vector<16xi32>
    %mul3A_259 = arith.muli %iota3A, %mul3A_258 : vector<16xi32>
    %add3A_260 = arith.constant 8 : i32
    %add3A_261 = vector.broadcast %add3A_260 : i32 to vector<16xi32>
    %add3A_262 = arith.addi %mul3A_259, %add3A_261 : vector<16xi32>
    %mul3A_263 = arith.constant 0 : i32
    %mul3A_264 = vector.broadcast %mul3A_263 : i32 to vector<16xi32>
    %mul3A_265 = arith.muli %iota3A, %mul3A_264 : vector<16xi32>
    %add3A_266 = arith.constant 9 : i32
    %add3A_267 = vector.broadcast %add3A_266 : i32 to vector<16xi32>
    %add3A_268 = arith.addi %mul3A_265, %add3A_267 : vector<16xi32>
    %mul3A_269 = arith.constant 0 : i32
    %mul3A_270 = vector.broadcast %mul3A_269 : i32 to vector<16xi32>
    %mul3A_271 = arith.muli %iota3A, %mul3A_270 : vector<16xi32>
    %add3A_272 = arith.constant 10 : i32
    %add3A_273 = vector.broadcast %add3A_272 : i32 to vector<16xi32>
    %add3A_274 = arith.addi %mul3A_271, %add3A_273 : vector<16xi32>
    %mul3A_275 = arith.constant 0 : i32
    %mul3A_276 = vector.broadcast %mul3A_275 : i32 to vector<16xi32>
    %mul3A_277 = arith.muli %iota3A, %mul3A_276 : vector<16xi32>
    %add3A_278 = arith.constant 11 : i32
    %add3A_279 = vector.broadcast %add3A_278 : i32 to vector<16xi32>
    %add3A_280 = arith.addi %mul3A_277, %add3A_279 : vector<16xi32>
    %mul3A_281 = arith.constant 0 : i32
    %mul3A_282 = vector.broadcast %mul3A_281 : i32 to vector<16xi32>
    %mul3A_283 = arith.muli %iota3A, %mul3A_282 : vector<16xi32>
    %add3A_284 = arith.constant 12 : i32
    %add3A_285 = vector.broadcast %add3A_284 : i32 to vector<16xi32>
    %add3A_286 = arith.addi %mul3A_283, %add3A_285 : vector<16xi32>
    %mul3A_287 = arith.constant 0 : i32
    %mul3A_288 = vector.broadcast %mul3A_287 : i32 to vector<16xi32>
    %mul3A_289 = arith.muli %iota3A, %mul3A_288 : vector<16xi32>
    %add3A_290 = arith.constant 13 : i32
    %add3A_291 = vector.broadcast %add3A_290 : i32 to vector<16xi32>
    %add3A_292 = arith.addi %mul3A_289, %add3A_291 : vector<16xi32>
    %mul3A_293 = arith.constant 0 : i32
    %mul3A_294 = vector.broadcast %mul3A_293 : i32 to vector<16xi32>
    %mul3A_295 = arith.muli %iota3A, %mul3A_294 : vector<16xi32>
    %add3A_296 = arith.constant 14 : i32
    %add3A_297 = vector.broadcast %add3A_296 : i32 to vector<16xi32>
    %add3A_298 = arith.addi %mul3A_295, %add3A_297 : vector<16xi32>
    %mul3A_299 = arith.constant 0 : i32
    %mul3A_300 = vector.broadcast %mul3A_299 : i32 to vector<16xi32>
    %mul3A_301 = arith.muli %iota3A, %mul3A_300 : vector<16xi32>
    %add3A_302 = arith.constant 15 : i32
    %add3A_303 = vector.broadcast %add3A_302 : i32 to vector<16xi32>
    %add3A_304 = arith.addi %mul3A_301, %add3A_303 : vector<16xi32>
    %mul3A_305 = arith.constant 0 : i32
    %mul3A_306 = vector.broadcast %mul3A_305 : i32 to vector<16xi32>
    %mul3A_307 = arith.muli %iota3A, %mul3A_306 : vector<16xi32>
    %add3A_308 = arith.constant 16 : i32
    %add3A_309 = vector.broadcast %add3A_308 : i32 to vector<16xi32>
    %add3A_310 = arith.addi %mul3A_307, %add3A_309 : vector<16xi32>
    %mul3A_311 = arith.constant 0 : i32
    %mul3A_312 = vector.broadcast %mul3A_311 : i32 to vector<16xi32>
    %mul3A_313 = arith.muli %iota3A, %mul3A_312 : vector<16xi32>
    %add3A_314 = arith.constant 17 : i32
    %add3A_315 = vector.broadcast %add3A_314 : i32 to vector<16xi32>
    %add3A_316 = arith.addi %mul3A_313, %add3A_315 : vector<16xi32>
    %mul3A_317 = arith.constant 0 : i32
    %mul3A_318 = vector.broadcast %mul3A_317 : i32 to vector<16xi32>
    %mul3A_319 = arith.muli %iota3A, %mul3A_318 : vector<16xi32>
    %add3A_320 = arith.constant 18 : i32
    %add3A_321 = vector.broadcast %add3A_320 : i32 to vector<16xi32>
    %add3A_322 = arith.addi %mul3A_319, %add3A_321 : vector<16xi32>
    %mul3A_323 = arith.constant 0 : i32
    %mul3A_324 = vector.broadcast %mul3A_323 : i32 to vector<16xi32>
    %mul3A_325 = arith.muli %iota3A, %mul3A_324 : vector<16xi32>
    %add3A_326 = arith.constant 19 : i32
    %add3A_327 = vector.broadcast %add3A_326 : i32 to vector<16xi32>
    %add3A_328 = arith.addi %mul3A_325, %add3A_327 : vector<16xi32>
    %mul3A_329 = arith.constant 0 : i32
    %mul3A_330 = vector.broadcast %mul3A_329 : i32 to vector<16xi32>
    %mul3A_331 = arith.muli %iota3A, %mul3A_330 : vector<16xi32>
    %add3A_332 = arith.constant 20 : i32
    %add3A_333 = vector.broadcast %add3A_332 : i32 to vector<16xi32>
    %add3A_334 = arith.addi %mul3A_331, %add3A_333 : vector<16xi32>
    %mul3A_335 = arith.constant 0 : i32
    %mul3A_336 = vector.broadcast %mul3A_335 : i32 to vector<16xi32>
    %mul3A_337 = arith.muli %iota3A, %mul3A_336 : vector<16xi32>
    %add3A_338 = arith.constant 21 : i32
    %add3A_339 = vector.broadcast %add3A_338 : i32 to vector<16xi32>
    %add3A_340 = arith.addi %mul3A_337, %add3A_339 : vector<16xi32>
    %mul3A_341 = arith.constant 0 : i32
    %mul3A_342 = vector.broadcast %mul3A_341 : i32 to vector<16xi32>
    %mul3A_343 = arith.muli %iota3A, %mul3A_342 : vector<16xi32>
    %add3A_344 = arith.constant 22 : i32
    %add3A_345 = vector.broadcast %add3A_344 : i32 to vector<16xi32>
    %add3A_346 = arith.addi %mul3A_343, %add3A_345 : vector<16xi32>
    %mul3A_347 = arith.constant 0 : i32
    %mul3A_348 = vector.broadcast %mul3A_347 : i32 to vector<16xi32>
    %mul3A_349 = arith.muli %iota3A, %mul3A_348 : vector<16xi32>
    %add3A_350 = arith.constant 23 : i32
    %add3A_351 = vector.broadcast %add3A_350 : i32 to vector<16xi32>
    %add3A_352 = arith.addi %mul3A_349, %add3A_351 : vector<16xi32>
    %mul3A_353 = arith.constant 0 : i32
    %mul3A_354 = vector.broadcast %mul3A_353 : i32 to vector<16xi32>
    %mul3A_355 = arith.muli %iota3A, %mul3A_354 : vector<16xi32>
    %add3A_356 = arith.constant 24 : i32
    %add3A_357 = vector.broadcast %add3A_356 : i32 to vector<16xi32>
    %add3A_358 = arith.addi %mul3A_355, %add3A_357 : vector<16xi32>
    %mul3A_359 = arith.constant 0 : i32
    %mul3A_360 = vector.broadcast %mul3A_359 : i32 to vector<16xi32>
    %mul3A_361 = arith.muli %iota3A, %mul3A_360 : vector<16xi32>
    %add3A_362 = arith.constant 25 : i32
    %add3A_363 = vector.broadcast %add3A_362 : i32 to vector<16xi32>
    %add3A_364 = arith.addi %mul3A_361, %add3A_363 : vector<16xi32>
    %mul3A_365 = arith.constant 0 : i32
    %mul3A_366 = vector.broadcast %mul3A_365 : i32 to vector<16xi32>
    %mul3A_367 = arith.muli %iota3A, %mul3A_366 : vector<16xi32>
    %add3A_368 = arith.constant 26 : i32
    %add3A_369 = vector.broadcast %add3A_368 : i32 to vector<16xi32>
    %add3A_370 = arith.addi %mul3A_367, %add3A_369 : vector<16xi32>
    %mul3A_371 = arith.constant 0 : i32
    %mul3A_372 = vector.broadcast %mul3A_371 : i32 to vector<16xi32>
    %mul3A_373 = arith.muli %iota3A, %mul3A_372 : vector<16xi32>
    %add3A_374 = arith.constant 27 : i32
    %add3A_375 = vector.broadcast %add3A_374 : i32 to vector<16xi32>
    %add3A_376 = arith.addi %mul3A_373, %add3A_375 : vector<16xi32>
    %mul3A_377 = arith.constant 0 : i32
    %mul3A_378 = vector.broadcast %mul3A_377 : i32 to vector<16xi32>
    %mul3A_379 = arith.muli %iota3A, %mul3A_378 : vector<16xi32>
    %add3A_380 = arith.constant 28 : i32
    %add3A_381 = vector.broadcast %add3A_380 : i32 to vector<16xi32>
    %add3A_382 = arith.addi %mul3A_379, %add3A_381 : vector<16xi32>
    %mul3A_383 = arith.constant 0 : i32
    %mul3A_384 = vector.broadcast %mul3A_383 : i32 to vector<16xi32>
    %mul3A_385 = arith.muli %iota3A, %mul3A_384 : vector<16xi32>
    %add3A_386 = arith.constant 29 : i32
    %add3A_387 = vector.broadcast %add3A_386 : i32 to vector<16xi32>
    %add3A_388 = arith.addi %mul3A_385, %add3A_387 : vector<16xi32>
    %mul3A_389 = arith.constant 0 : i32
    %mul3A_390 = vector.broadcast %mul3A_389 : i32 to vector<16xi32>
    %mul3A_391 = arith.muli %iota3A, %mul3A_390 : vector<16xi32>
    %add3A_392 = arith.constant 30 : i32
    %add3A_393 = vector.broadcast %add3A_392 : i32 to vector<16xi32>
    %add3A_394 = arith.addi %mul3A_391, %add3A_393 : vector<16xi32>
    %mul3A_395 = arith.constant 0 : i32
    %mul3A_396 = vector.broadcast %mul3A_395 : i32 to vector<16xi32>
    %mul3A_397 = arith.muli %iota3A, %mul3A_396 : vector<16xi32>
    %add3A_398 = arith.constant 31 : i32
    %add3A_399 = vector.broadcast %add3A_398 : i32 to vector<16xi32>
    %add3A_400 = arith.addi %mul3A_397, %add3A_399 : vector<16xi32>
    %scan3A = arith.constant 0 : i32
    %scan3A_401 = arith.constant 0 : i32
    %scan3A_402 = arith.constant 32 : i32
    %scan3A_403 = arith.addi %scan3A_401, %scan3A_402 : i32
    %scan3A_404 = arith.constant 4 : i32
    scf.for %scan3A_408 = %scan3A_401 to %scan3A_403 step %scan3A_404  : i32 {
      %shift_right_arithmetic3A = arith.constant 3 : i32
      %shift_right_arithmetic3A_409 = arith.shrsi %scan3A_408, %shift_right_arithmetic3A : i32
      %and3A = arith.constant 7 : i32
      %and3A_410 = arith.andi %scan3A_408, %and3A : i32
      %mul3A_411 = arith.constant 16 : i32
      %mul3A_412 = arith.muli %scan3A_408, %mul3A_411 : i32
      %add3A_413 = vector.broadcast %mul3A_412 : i32 to vector<16xi32>
      %add3A_414 = arith.addi %add3A_413, %iota3A : vector<16xi32>
      %gather3A = tpu.vector_load_idx %arg12[%add3A_414, %add3A_214] : memref<512x32xf32, #tpu.memory_space<vmem>>[vector<16xi32>, vector<16xi32>], vector<16xf32>,
      %mul3A_415 = arith.constant 16 : i32
      %mul3A_416 = arith.muli %and3A_410, %mul3A_415 : i32
      %swap3A = arith.constant 0 : i32
      %swap3A_417 = arith.index_cast %swap3A : i32 to index
      %swap3A_418 = arith.index_cast %shift_right_arithmetic3A_409 : i32 to index
      %swap3A_419 = arith.index_cast %mul3A_416 : i32 to index
      %swap3A_420 = tpu.vector_load %arg13[%swap3A_417, %swap3A_418, %swap3A_419] {strides = array<i32>} : memref<32x4x128xf32, #tpu.memory_space<vmem>>, vector<16xf32>,
      tpu.vector_store %arg13[%swap3A_417, %swap3A_418, %swap3A_419], %gather3A {strides = array<i32>} : memref<32x4x128xf32, #tpu.memory_space<vmem>>, vector<16xf32>,
      %gather3A_421 = tpu.vector_load_idx %arg12[%add3A_414, %add3A_220] : memref<512x32xf32, #tpu.memory_space<vmem>>[vector<16xi32>, vector<16xi32>], vector<16xf32>,
      %mul3A_422 = arith.constant 16 : i32
      %mul3A_423 = arith.muli %and3A_410, %mul3A_422 : i32
      %swap3A_424 = arith.constant 1 : i32
      %swap3A_425 = arith.index_cast %swap3A_424 : i32 to index
      %swap3A_426 = arith.index_cast %shift_right_arithmetic3A_409 : i32 to index
      %swap3A_427 = arith.index_cast %mul3A_423 : i32 to index
      %swap3A_428 = tpu.vector_load %arg13[%swap3A_425, %swap3A_426, %swap3A_427] {strides = array<i32>} : memref<32x4x128xf32, #tpu.memory_space<vmem>>, vector<16xf32>,
      tpu.vector_store %arg13[%swap3A_425, %swap3A_426, %swap3A_427], %gather3A_421 {strides = array<i32>} : memref<32x4x128xf32, #tpu.memory_space<vmem>>, vector<16xf32>,
      %gather3A_429 = tpu.vector_load_idx %arg12[%add3A_414, %add3A_226] : memref<512x32xf32, #tpu.memory_space<vmem>>[vector<16xi32>, vector<16xi32>], vector<16xf32>,
      %mul3A_430 = arith.constant 16 : i32
      %mul3A_431 = arith.muli %and3A_410, %mul3A_430 : i32
      %swap3A_432 = arith.constant 2 : i32
      %swap3A_433 = arith.index_cast %swap3A_432 : i32 to index
      %swap3A_434 = arith.index_cast %shift_right_arithmetic3A_409 : i32 to index
      %swap3A_435 = arith.index_cast %mul3A_431 : i32 to index
      %swap3A_436 = tpu.vector_load %arg13[%swap3A_433, %swap3A_434, %swap3A_435] {strides = array<i32>} : memref<32x4x128xf32, #tpu.memory_space<vmem>>, vector<16xf32>,
      tpu.vector_store %arg13[%swap3A_433, %swap3A_434, %swap3A_435], %gather3A_429 {strides = array<i32>} : memref<32x4x128xf32, #tpu.memory_space<vmem>>, vector<16xf32>,
      %gather3A_437 = tpu.vector_load_idx %arg12[%add3A_414, %add3A_232] : memref<512x32xf32, #tpu.memory_space<vmem>>[vector<16xi32>, vector<16xi32>], vector<16xf32>,
      %mul3A_438 = arith.constant 16 : i32
      %mul3A_439 = arith.muli %and3A_410, %mul3A_438 : i32
      %swap3A_440 = arith.constant 3 : i32
      %swap3A_441 = arith.index_cast %swap3A_440 : i32 to index
      %swap3A_442 = arith.index_cast %shift_right_arithmetic3A_409 : i32 to index
      %swap3A_443 = arith.index_cast %mul3A_439 : i32 to index
      %swap3A_444 = tpu.vector_load %arg13[%swap3A_441, %swap3A_442, %swap3A_443] {strides = array<i32>} : memref<32x4x128xf32, #tpu.memory_space<vmem>>, vector<16xf32>,
      tpu.vector_store %arg13[%swap3A_441, %swap3A_442, %swap3A_443], %gather3A_437 {strides = array<i32>} : memref<32x4x128xf32, #tpu.memory_space<vmem>>, vector<16xf32>,
      %gather3A_445 = tpu.vector_load_idx %arg12[%add3A_414, %add3A_238] : memref<512x32xf32, #tpu.memory_space<vmem>>[vector<16xi32>, vector<16xi32>], vector<16xf32>,
      %mul3A_446 = arith.constant 16 : i32
      %mul3A_447 = arith.muli %and3A_410, %mul3A_446 : i32
      %swap3A_448 = arith.constant 4 : i32
      %swap3A_449 = arith.index_cast %swap3A_448 : i32 to index
      %swap3A_450 = arith.index_cast %shift_right_arithmetic3A_409 : i32 to index
      %swap3A_451 = arith.index_cast %mul3A_447 : i32 to index
      %swap3A_452 = tpu.vector_load %arg13[%swap3A_449, %swap3A_450, %swap3A_451] {strides = array<i32>} : memref<32x4x128xf32, #tpu.memory_space<vmem>>, vector<16xf32>,
      tpu.vector_store %arg13[%swap3A_449, %swap3A_450, %swap3A_451], %gather3A_445 {strides = array<i32>} : memref<32x4x128xf32, #tpu.memory_space<vmem>>, vector<16xf32>,
      %gather3A_453 = tpu.vector_load_idx %arg12[%add3A_414, %add3A_244] : memref<512x32xf32, #tpu.memory_space<vmem>>[vector<16xi32>, vector<16xi32>], vector<16xf32>,
      %mul3A_454 = arith.constant 16 : i32
      %mul3A_455 = arith.muli %and3A_410, %mul3A_454 : i32
      %swap3A_456 = arith.constant 5 : i32
      %swap3A_457 = arith.index_cast %swap3A_456 : i32 to index
      %swap3A_458 = arith.index_cast %shift_right_arithmetic3A_409 : i32 to index
      %swap3A_459 = arith.index_cast %mul3A_455 : i32 to index
      %swap3A_460 = tpu.vector_load %arg13[%swap3A_457, %swap3A_458, %swap3A_459] {strides = array<i32>} : memref<32x4x128xf32, #tpu.memory_space<vmem>>, vector<16xf32>,
      tpu.vector_store %arg13[%swap3A_457, %swap3A_458, %swap3A_459], %gather3A_453 {strides = array<i32>} : memref<32x4x128xf32, #tpu.memory_space<vmem>>, vector<16xf32>,
      %gather3A_461 = tpu.vector_load_idx %arg12[%add3A_414, %add3A_250] : memref<512x32xf32, #tpu.memory_space<vmem>>[vector<16xi32>, vector<16xi32>], vector<16xf32>,
      %mul3A_462 = arith.constant 16 : i32
      %mul3A_463 = arith.muli %and3A_410, %mul3A_462 : i32
      %swap3A_464 = arith.constant 6 : i32
      %swap3A_465 = arith.index_cast %swap3A_464 : i32 to index
      %swap3A_466 = arith.index_cast %shift_right_arithmetic3A_409 : i32 to index
      %swap3A_467 = arith.index_cast %mul3A_463 : i32 to index
      %swap3A_468 = tpu.vector_load %arg13[%swap3A_465, %swap3A_466, %swap3A_467] {strides = array<i32>} : memref<32x4x128xf32, #tpu.memory_space<vmem>>, vector<16xf32>,
      tpu.vector_store %arg13[%swap3A_465, %swap3A_466, %swap3A_467], %gather3A_461 {strides = array<i32>} : memref<32x4x128xf32, #tpu.memory_space<vmem>>, vector<16xf32>,
      %gather3A_469 = tpu.vector_load_idx %arg12[%add3A_414, %add3A_256] : memref<512x32xf32, #tpu.memory_space<vmem>>[vector<16xi32>, vector<16xi32>], vector<16xf32>,
      %mul3A_470 = arith.constant 16 : i32
      %mul3A_471 = arith.muli %and3A_410, %mul3A_470 : i32
      %swap3A_472 = arith.constant 7 : i32
      %swap3A_473 = arith.index_cast %swap3A_472 : i32 to index
      %swap3A_474 = arith.index_cast %shift_right_arithmetic3A_409 : i32 to index
      %swap3A_475 = arith.index_cast %mul3A_471 : i32 to index
      %swap3A_476 = tpu.vector_load %arg13[%swap3A_473, %swap3A_474, %swap3A_475] {strides = array<i32>} : memref<32x4x128xf32, #tpu.memory_space<vmem>>, vector<16xf32>,
      tpu.vector_store %arg13[%swap3A_473, %swap3A_474, %swap3A_475], %gather3A_469 {strides = array<i32>} : memref<32x4x128xf32, #tpu.memory_space<vmem>>, vector<16xf32>,
      %gather3A_477 = tpu.vector_load_idx %arg12[%add3A_414, %add3A_262] : memref<512x32xf32, #tpu.memory_space<vmem>>[vector<16xi32>, vector<16xi32>], vector<16xf32>,
      %mul3A_478 = arith.constant 16 : i32
      %mul3A_479 = arith.muli %and3A_410, %mul3A_478 : i32
      %swap3A_480 = arith.constant 8 : i32
      %swap3A_481 = arith.index_cast %swap3A_480 : i32 to index
      %swap3A_482 = arith.index_cast %shift_right_arithmetic3A_409 : i32 to index
      %swap3A_483 = arith.index_cast %mul3A_479 : i32 to index
      %swap3A_484 = tpu.vector_load %arg13[%swap3A_481, %swap3A_482, %swap3A_483] {strides = array<i32>} : memref<32x4x128xf32, #tpu.memory_space<vmem>>, vector<16xf32>,
      tpu.vector_store %arg13[%swap3A_481, %swap3A_482, %swap3A_483], %gather3A_477 {strides = array<i32>} : memref<32x4x128xf32, #tpu.memory_space<vmem>>, vector<16xf32>,
      %gather3A_485 = tpu.vector_load_idx %arg12[%add3A_414, %add3A_268] : memref<512x32xf32, #tpu.memory_space<vmem>>[vector<16xi32>, vector<16xi32>], vector<16xf32>,
      %mul3A_486 = arith.constant 16 : i32
      %mul3A_487 = arith.muli %and3A_410, %mul3A_486 : i32
      %swap3A_488 = arith.constant 9 : i32
      %swap3A_489 = arith.index_cast %swap3A_488 : i32 to index
      %swap3A_490 = arith.index_cast %shift_right_arithmetic3A_409 : i32 to index
      %swap3A_491 = arith.index_cast %mul3A_487 : i32 to index
      %swap3A_492 = tpu.vector_load %arg13[%swap3A_489, %swap3A_490, %swap3A_491] {strides = array<i32>} : memref<32x4x128xf32, #tpu.memory_space<vmem>>, vector<16xf32>,
      tpu.vector_store %arg13[%swap3A_489, %swap3A_490, %swap3A_491], %gather3A_485 {strides = array<i32>} : memref<32x4x128xf32, #tpu.memory_space<vmem>>, vector<16xf32>,
      %gather3A_493 = tpu.vector_load_idx %arg12[%add3A_414, %add3A_274] : memref<512x32xf32, #tpu.memory_space<vmem>>[vector<16xi32>, vector<16xi32>], vector<16xf32>,
      %mul3A_494 = arith.constant 16 : i32
      %mul3A_495 = arith.muli %and3A_410, %mul3A_494 : i32
      %swap3A_496 = arith.constant 10 : i32
      %swap3A_497 = arith.index_cast %swap3A_496 : i32 to index
      %swap3A_498 = arith.index_cast %shift_right_arithmetic3A_409 : i32 to index
      %swap3A_499 = arith.index_cast %mul3A_495 : i32 to index
      %swap3A_500 = tpu.vector_load %arg13[%swap3A_497, %swap3A_498, %swap3A_499] {strides = array<i32>} : memref<32x4x128xf32, #tpu.memory_space<vmem>>, vector<16xf32>,
      tpu.vector_store %arg13[%swap3A_497, %swap3A_498, %swap3A_499], %gather3A_493 {strides = array<i32>} : memref<32x4x128xf32, #tpu.memory_space<vmem>>, vector<16xf32>,
      %gather3A_501 = tpu.vector_load_idx %arg12[%add3A_414, %add3A_280] : memref<512x32xf32, #tpu.memory_space<vmem>>[vector<16xi32>, vector<16xi32>], vector<16xf32>,
      %mul3A_502 = arith.constant 16 : i32
      %mul3A_503 = arith.muli %and3A_410, %mul3A_502 : i32
      %swap3A_504 = arith.constant 11 : i32
      %swap3A_505 = arith.index_cast %swap3A_504 : i32 to index
      %swap3A_506 = arith.index_cast %shift_right_arithmetic3A_409 : i32 to index
      %swap3A_507 = arith.index_cast %mul3A_503 : i32 to index
      %swap3A_508 = tpu.vector_load %arg13[%swap3A_505, %swap3A_506, %swap3A_507] {strides = array<i32>} : memref<32x4x128xf32, #tpu.memory_space<vmem>>, vector<16xf32>,
      tpu.vector_store %arg13[%swap3A_505, %swap3A_506, %swap3A_507], %gather3A_501 {strides = array<i32>} : memref<32x4x128xf32, #tpu.memory_space<vmem>>, vector<16xf32>,
      %gather3A_509 = tpu.vector_load_idx %arg12[%add3A_414, %add3A_286] : memref<512x32xf32, #tpu.memory_space<vmem>>[vector<16xi32>, vector<16xi32>], vector<16xf32>,
      %mul3A_510 = arith.constant 16 : i32
      %mul3A_511 = arith.muli %and3A_410, %mul3A_510 : i32
      %swap3A_512 = arith.constant 12 : i32
      %swap3A_513 = arith.index_cast %swap3A_512 : i32 to index
      %swap3A_514 = arith.index_cast %shift_right_arithmetic3A_409 : i32 to index
      %swap3A_515 = arith.index_cast %mul3A_511 : i32 to index
      %swap3A_516 = tpu.vector_load %arg13[%swap3A_513, %swap3A_514, %swap3A_515] {strides = array<i32>} : memref<32x4x128xf32, #tpu.memory_space<vmem>>, vector<16xf32>,
      tpu.vector_store %arg13[%swap3A_513, %swap3A_514, %swap3A_515], %gather3A_509 {strides = array<i32>} : memref<32x4x128xf32, #tpu.memory_space<vmem>>, vector<16xf32>,
      %gather3A_517 = tpu.vector_load_idx %arg12[%add3A_414, %add3A_292] : memref<512x32xf32, #tpu.memory_space<vmem>>[vector<16xi32>, vector<16xi32>], vector<16xf32>,
      %mul3A_518 = arith.constant 16 : i32
      %mul3A_519 = arith.muli %and3A_410, %mul3A_518 : i32
      %swap3A_520 = arith.constant 13 : i32
      %swap3A_521 = arith.index_cast %swap3A_520 : i32 to index
      %swap3A_522 = arith.index_cast %shift_right_arithmetic3A_409 : i32 to index
      %swap3A_523 = arith.index_cast %mul3A_519 : i32 to index
      %swap3A_524 = tpu.vector_load %arg13[%swap3A_521, %swap3A_522, %swap3A_523] {strides = array<i32>} : memref<32x4x128xf32, #tpu.memory_space<vmem>>, vector<16xf32>,
      tpu.vector_store %arg13[%swap3A_521, %swap3A_522, %swap3A_523], %gather3A_517 {strides = array<i32>} : memref<32x4x128xf32, #tpu.memory_space<vmem>>, vector<16xf32>,
      %gather3A_525 = tpu.vector_load_idx %arg12[%add3A_414, %add3A_298] : memref<512x32xf32, #tpu.memory_space<vmem>>[vector<16xi32>, vector<16xi32>], vector<16xf32>,
      %mul3A_526 = arith.constant 16 : i32
      %mul3A_527 = arith.muli %and3A_410, %mul3A_526 : i32
      %swap3A_528 = arith.constant 14 : i32
      %swap3A_529 = arith.index_cast %swap3A_528 : i32 to index
      %swap3A_530 = arith.index_cast %shift_right_arithmetic3A_409 : i32 to index
      %swap3A_531 = arith.index_cast %mul3A_527 : i32 to index
      %swap3A_532 = tpu.vector_load %arg13[%swap3A_529, %swap3A_530, %swap3A_531] {strides = array<i32>} : memref<32x4x128xf32, #tpu.memory_space<vmem>>, vector<16xf32>,
      tpu.vector_store %arg13[%swap3A_529, %swap3A_530, %swap3A_531], %gather3A_525 {strides = array<i32>} : memref<32x4x128xf32, #tpu.memory_space<vmem>>, vector<16xf32>,
      %gather3A_533 = tpu.vector_load_idx %arg12[%add3A_414, %add3A_304] : memref<512x32xf32, #tpu.memory_space<vmem>>[vector<16xi32>, vector<16xi32>], vector<16xf32>,
      %mul3A_534 = arith.constant 16 : i32
      %mul3A_535 = arith.muli %and3A_410, %mul3A_534 : i32
      %swap3A_536 = arith.constant 15 : i32
      %swap3A_537 = arith.index_cast %swap3A_536 : i32 to index
      %swap3A_538 = arith.index_cast %shift_right_arithmetic3A_409 : i32 to index
      %swap3A_539 = arith.index_cast %mul3A_535 : i32 to index
      %swap3A_540 = tpu.vector_load %arg13[%swap3A_537, %swap3A_538, %swap3A_539] {strides = array<i32>} : memref<32x4x128xf32, #tpu.memory_space<vmem>>, vector<16xf32>,
      tpu.vector_store %arg13[%swap3A_537, %swap3A_538, %swap3A_539], %gather3A_533 {strides = array<i32>} : memref<32x4x128xf32, #tpu.memory_space<vmem>>, vector<16xf32>,
      %gather3A_541 = tpu.vector_load_idx %arg12[%add3A_414, %add3A_310] : memref<512x32xf32, #tpu.memory_space<vmem>>[vector<16xi32>, vector<16xi32>], vector<16xf32>,
      %mul3A_542 = arith.constant 16 : i32
      %mul3A_543 = arith.muli %and3A_410, %mul3A_542 : i32
      %swap3A_544 = arith.constant 16 : i32
      %swap3A_545 = arith.index_cast %swap3A_544 : i32 to index
      %swap3A_546 = arith.index_cast %shift_right_arithmetic3A_409 : i32 to index
      %swap3A_547 = arith.index_cast %mul3A_543 : i32 to index
      %swap3A_548 = tpu.vector_load %arg13[%swap3A_545, %swap3A_546, %swap3A_547] {strides = array<i32>} : memref<32x4x128xf32, #tpu.memory_space<vmem>>, vector<16xf32>,
      tpu.vector_store %arg13[%swap3A_545, %swap3A_546, %swap3A_547], %gather3A_541 {strides = array<i32>} : memref<32x4x128xf32, #tpu.memory_space<vmem>>, vector<16xf32>,
      %gather3A_549 = tpu.vector_load_idx %arg12[%add3A_414, %add3A_316] : memref<512x32xf32, #tpu.memory_space<vmem>>[vector<16xi32>, vector<16xi32>], vector<16xf32>,
      %mul3A_550 = arith.constant 16 : i32
      %mul3A_551 = arith.muli %and3A_410, %mul3A_550 : i32
      %swap3A_552 = arith.constant 17 : i32
      %swap3A_553 = arith.index_cast %swap3A_552 : i32 to index
      %swap3A_554 = arith.index_cast %shift_right_arithmetic3A_409 : i32 to index
      %swap3A_555 = arith.index_cast %mul3A_551 : i32 to index
      %swap3A_556 = tpu.vector_load %arg13[%swap3A_553, %swap3A_554, %swap3A_555] {strides = array<i32>} : memref<32x4x128xf32, #tpu.memory_space<vmem>>, vector<16xf32>,
      tpu.vector_store %arg13[%swap3A_553, %swap3A_554, %swap3A_555], %gather3A_549 {strides = array<i32>} : memref<32x4x128xf32, #tpu.memory_space<vmem>>, vector<16xf32>,
      %gather3A_557 = tpu.vector_load_idx %arg12[%add3A_414, %add3A_322] : memref<512x32xf32, #tpu.memory_space<vmem>>[vector<16xi32>, vector<16xi32>], vector<16xf32>,
      %mul3A_558 = arith.constant 16 : i32
      %mul3A_559 = arith.muli %and3A_410, %mul3A_558 : i32
      %swap3A_560 = arith.constant 18 : i32
      %swap3A_561 = arith.index_cast %swap3A_560 : i32 to index
      %swap3A_562 = arith.index_cast %shift_right_arithmetic3A_409 : i32 to index
      %swap3A_563 = arith.index_cast %mul3A_559 : i32 to index
      %swap3A_564 = tpu.vector_load %arg13[%swap3A_561, %swap3A_562, %swap3A_563] {strides = array<i32>} : memref<32x4x128xf32, #tpu.memory_space<vmem>>, vector<16xf32>,
      tpu.vector_store %arg13[%swap3A_561, %swap3A_562, %swap3A_563], %gather3A_557 {strides = array<i32>} : memref<32x4x128xf32, #tpu.memory_space<vmem>>, vector<16xf32>,
      %gather3A_565 = tpu.vector_load_idx %arg12[%add3A_414, %add3A_328] : memref<512x32xf32, #tpu.memory_space<vmem>>[vector<16xi32>, vector<16xi32>], vector<16xf32>,
      %mul3A_566 = arith.constant 16 : i32
      %mul3A_567 = arith.muli %and3A_410, %mul3A_566 : i32
      %swap3A_568 = arith.constant 19 : i32
      %swap3A_569 = arith.index_cast %swap3A_568 : i32 to index
      %swap3A_570 = arith.index_cast %shift_right_arithmetic3A_409 : i32 to index
      %swap3A_571 = arith.index_cast %mul3A_567 : i32 to index
      %swap3A_572 = tpu.vector_load %arg13[%swap3A_569, %swap3A_570, %swap3A_571] {strides = array<i32>} : memref<32x4x128xf32, #tpu.memory_space<vmem>>, vector<16xf32>,
      tpu.vector_store %arg13[%swap3A_569, %swap3A_570, %swap3A_571], %gather3A_565 {strides = array<i32>} : memref<32x4x128xf32, #tpu.memory_space<vmem>>, vector<16xf32>,
      %gather3A_573 = tpu.vector_load_idx %arg12[%add3A_414, %add3A_334] : memref<512x32xf32, #tpu.memory_space<vmem>>[vector<16xi32>, vector<16xi32>], vector<16xf32>,
      %mul3A_574 = arith.constant 16 : i32
      %mul3A_575 = arith.muli %and3A_410, %mul3A_574 : i32
      %swap3A_576 = arith.constant 20 : i32
      %swap3A_577 = arith.index_cast %swap3A_576 : i32 to index
      %swap3A_578 = arith.index_cast %shift_right_arithmetic3A_409 : i32 to index
      %swap3A_579 = arith.index_cast %mul3A_575 : i32 to index
      %swap3A_580 = tpu.vector_load %arg13[%swap3A_577, %swap3A_578, %swap3A_579] {strides = array<i32>} : memref<32x4x128xf32, #tpu.memory_space<vmem>>, vector<16xf32>,
      tpu.vector_store %arg13[%swap3A_577, %swap3A_578, %swap3A_579], %gather3A_573 {strides = array<i32>} : memref<32x4x128xf32, #tpu.memory_space<vmem>>, vector<16xf32>,
      %gather3A_581 = tpu.vector_load_idx %arg12[%add3A_414, %add3A_340] : memref<512x32xf32, #tpu.memory_space<vmem>>[vector<16xi32>, vector<16xi32>], vector<16xf32>,
      %mul3A_582 = arith.constant 16 : i32
      %mul3A_583 = arith.muli %and3A_410, %mul3A_582 : i32
      %swap3A_584 = arith.constant 21 : i32
      %swap3A_585 = arith.index_cast %swap3A_584 : i32 to index
      %swap3A_586 = arith.index_cast %shift_right_arithmetic3A_409 : i32 to index
      %swap3A_587 = arith.index_cast %mul3A_583 : i32 to index
      %swap3A_588 = tpu.vector_load %arg13[%swap3A_585, %swap3A_586, %swap3A_587] {strides = array<i32>} : memref<32x4x128xf32, #tpu.memory_space<vmem>>, vector<16xf32>,
      tpu.vector_store %arg13[%swap3A_585, %swap3A_586, %swap3A_587], %gather3A_581 {strides = array<i32>} : memref<32x4x128xf32, #tpu.memory_space<vmem>>, vector<16xf32>,
      %gather3A_589 = tpu.vector_load_idx %arg12[%add3A_414, %add3A_346] : memref<512x32xf32, #tpu.memory_space<vmem>>[vector<16xi32>, vector<16xi32>], vector<16xf32>,
      %mul3A_590 = arith.constant 16 : i32
      %mul3A_591 = arith.muli %and3A_410, %mul3A_590 : i32
      %swap3A_592 = arith.constant 22 : i32
      %swap3A_593 = arith.index_cast %swap3A_592 : i32 to index
      %swap3A_594 = arith.index_cast %shift_right_arithmetic3A_409 : i32 to index
      %swap3A_595 = arith.index_cast %mul3A_591 : i32 to index
      %swap3A_596 = tpu.vector_load %arg13[%swap3A_593, %swap3A_594, %swap3A_595] {strides = array<i32>} : memref<32x4x128xf32, #tpu.memory_space<vmem>>, vector<16xf32>,
      tpu.vector_store %arg13[%swap3A_593, %swap3A_594, %swap3A_595], %gather3A_589 {strides = array<i32>} : memref<32x4x128xf32, #tpu.memory_space<vmem>>, vector<16xf32>,
      %gather3A_597 = tpu.vector_load_idx %arg12[%add3A_414, %add3A_352] : memref<512x32xf32, #tpu.memory_space<vmem>>[vector<16xi32>, vector<16xi32>], vector<16xf32>,
      %mul3A_598 = arith.constant 16 : i32
      %mul3A_599 = arith.muli %and3A_410, %mul3A_598 : i32
      %swap3A_600 = arith.constant 23 : i32
      %swap3A_601 = arith.index_cast %swap3A_600 : i32 to index
      %swap3A_602 = arith.index_cast %shift_right_arithmetic3A_409 : i32 to index
      %swap3A_603 = arith.index_cast %mul3A_599 : i32 to index
      %swap3A_604 = tpu.vector_load %arg13[%swap3A_601, %swap3A_602, %swap3A_603] {strides = array<i32>} : memref<32x4x128xf32, #tpu.memory_space<vmem>>, vector<16xf32>,
      tpu.vector_store %arg13[%swap3A_601, %swap3A_602, %swap3A_603], %gather3A_597 {strides = array<i32>} : memref<32x4x128xf32, #tpu.memory_space<vmem>>, vector<16xf32>,
      %gather3A_605 = tpu.vector_load_idx %arg12[%add3A_414, %add3A_358] : memref<512x32xf32, #tpu.memory_space<vmem>>[vector<16xi32>, vector<16xi32>], vector<16xf32>,
      %mul3A_606 = arith.constant 16 : i32
      %mul3A_607 = arith.muli %and3A_410, %mul3A_606 : i32
      %swap3A_608 = arith.constant 24 : i32
      %swap3A_609 = arith.index_cast %swap3A_608 : i32 to index
      %swap3A_610 = arith.index_cast %shift_right_arithmetic3A_409 : i32 to index
      %swap3A_611 = arith.index_cast %mul3A_607 : i32 to index
      %swap3A_612 = tpu.vector_load %arg13[%swap3A_609, %swap3A_610, %swap3A_611] {strides = array<i32>} : memref<32x4x128xf32, #tpu.memory_space<vmem>>, vector<16xf32>,
      tpu.vector_store %arg13[%swap3A_609, %swap3A_610, %swap3A_611], %gather3A_605 {strides = array<i32>} : memref<32x4x128xf32, #tpu.memory_space<vmem>>, vector<16xf32>,
      %gather3A_613 = tpu.vector_load_idx %arg12[%add3A_414, %add3A_364] : memref<512x32xf32, #tpu.memory_space<vmem>>[vector<16xi32>, vector<16xi32>], vector<16xf32>,
      %mul3A_614 = arith.constant 16 : i32
      %mul3A_615 = arith.muli %and3A_410, %mul3A_614 : i32
      %swap3A_616 = arith.constant 25 : i32
      %swap3A_617 = arith.index_cast %swap3A_616 : i32 to index
      %swap3A_618 = arith.index_cast %shift_right_arithmetic3A_409 : i32 to index
      %swap3A_619 = arith.index_cast %mul3A_615 : i32 to index
      %swap3A_620 = tpu.vector_load %arg13[%swap3A_617, %swap3A_618, %swap3A_619] {strides = array<i32>} : memref<32x4x128xf32, #tpu.memory_space<vmem>>, vector<16xf32>,
      tpu.vector_store %arg13[%swap3A_617, %swap3A_618, %swap3A_619], %gather3A_613 {strides = array<i32>} : memref<32x4x128xf32, #tpu.memory_space<vmem>>, vector<16xf32>,
      %gather3A_621 = tpu.vector_load_idx %arg12[%add3A_414, %add3A_370] : memref<512x32xf32, #tpu.memory_space<vmem>>[vector<16xi32>, vector<16xi32>], vector<16xf32>,
      %mul3A_622 = arith.constant 16 : i32
      %mul3A_623 = arith.muli %and3A_410, %mul3A_622 : i32
      %swap3A_624 = arith.constant 26 : i32
      %swap3A_625 = arith.index_cast %swap3A_624 : i32 to index
      %swap3A_626 = arith.index_cast %shift_right_arithmetic3A_409 : i32 to index
      %swap3A_627 = arith.index_cast %mul3A_623 : i32 to index
      %swap3A_628 = tpu.vector_load %arg13[%swap3A_625, %swap3A_626, %swap3A_627] {strides = array<i32>} : memref<32x4x128xf32, #tpu.memory_space<vmem>>, vector<16xf32>,
      tpu.vector_store %arg13[%swap3A_625, %swap3A_626, %swap3A_627], %gather3A_621 {strides = array<i32>} : memref<32x4x128xf32, #tpu.memory_space<vmem>>, vector<16xf32>,
      %gather3A_629 = tpu.vector_load_idx %arg12[%add3A_414, %add3A_376] : memref<512x32xf32, #tpu.memory_space<vmem>>[vector<16xi32>, vector<16xi32>], vector<16xf32>,
      %mul3A_630 = arith.constant 16 : i32
      %mul3A_631 = arith.muli %and3A_410, %mul3A_630 : i32
      %swap3A_632 = arith.constant 27 : i32
      %swap3A_633 = arith.index_cast %swap3A_632 : i32 to index
      %swap3A_634 = arith.index_cast %shift_right_arithmetic3A_409 : i32 to index
      %swap3A_635 = arith.index_cast %mul3A_631 : i32 to index
      %swap3A_636 = tpu.vector_load %arg13[%swap3A_633, %swap3A_634, %swap3A_635] {strides = array<i32>} : memref<32x4x128xf32, #tpu.memory_space<vmem>>, vector<16xf32>,
      tpu.vector_store %arg13[%swap3A_633, %swap3A_634, %swap3A_635], %gather3A_629 {strides = array<i32>} : memref<32x4x128xf32, #tpu.memory_space<vmem>>, vector<16xf32>,
      %gather3A_637 = tpu.vector_load_idx %arg12[%add3A_414, %add3A_382] : memref<512x32xf32, #tpu.memory_space<vmem>>[vector<16xi32>, vector<16xi32>], vector<16xf32>,
      %mul3A_638 = arith.constant 16 : i32
      %mul3A_639 = arith.muli %and3A_410, %mul3A_638 : i32
      %swap3A_640 = arith.constant 28 : i32
      %swap3A_641 = arith.index_cast %swap3A_640 : i32 to index
      %swap3A_642 = arith.index_cast %shift_right_arithmetic3A_409 : i32 to index
      %swap3A_643 = arith.index_cast %mul3A_639 : i32 to index
      %swap3A_644 = tpu.vector_load %arg13[%swap3A_641, %swap3A_642, %swap3A_643] {strides = array<i32>} : memref<32x4x128xf32, #tpu.memory_space<vmem>>, vector<16xf32>,
      tpu.vector_store %arg13[%swap3A_641, %swap3A_642, %swap3A_643], %gather3A_637 {strides = array<i32>} : memref<32x4x128xf32, #tpu.memory_space<vmem>>, vector<16xf32>,
      %gather3A_645 = tpu.vector_load_idx %arg12[%add3A_414, %add3A_388] : memref<512x32xf32, #tpu.memory_space<vmem>>[vector<16xi32>, vector<16xi32>], vector<16xf32>,
      %mul3A_646 = arith.constant 16 : i32
      %mul3A_647 = arith.muli %and3A_410, %mul3A_646 : i32
      %swap3A_648 = arith.constant 29 : i32
      %swap3A_649 = arith.index_cast %swap3A_648 : i32 to index
      %swap3A_650 = arith.index_cast %shift_right_arithmetic3A_409 : i32 to index
      %swap3A_651 = arith.index_cast %mul3A_647 : i32 to index
      %swap3A_652 = tpu.vector_load %arg13[%swap3A_649, %swap3A_650, %swap3A_651] {strides = array<i32>} : memref<32x4x128xf32, #tpu.memory_space<vmem>>, vector<16xf32>,
      tpu.vector_store %arg13[%swap3A_649, %swap3A_650, %swap3A_651], %gather3A_645 {strides = array<i32>} : memref<32x4x128xf32, #tpu.memory_space<vmem>>, vector<16xf32>,
      %gather3A_653 = tpu.vector_load_idx %arg12[%add3A_414, %add3A_394] : memref<512x32xf32, #tpu.memory_space<vmem>>[vector<16xi32>, vector<16xi32>], vector<16xf32>,
      %mul3A_654 = arith.constant 16 : i32
      %mul3A_655 = arith.muli %and3A_410, %mul3A_654 : i32
      %swap3A_656 = arith.constant 30 : i32
      %swap3A_657 = arith.index_cast %swap3A_656 : i32 to index
      %swap3A_658 = arith.index_cast %shift_right_arithmetic3A_409 : i32 to index
      %swap3A_659 = arith.index_cast %mul3A_655 : i32 to index
      %swap3A_660 = tpu.vector_load %arg13[%swap3A_657, %swap3A_658, %swap3A_659] {strides = array<i32>} : memref<32x4x128xf32, #tpu.memory_space<vmem>>, vector<16xf32>,
      tpu.vector_store %arg13[%swap3A_657, %swap3A_658, %swap3A_659], %gather3A_653 {strides = array<i32>} : memref<32x4x128xf32, #tpu.memory_space<vmem>>, vector<16xf32>,
      %gather3A_661 = tpu.vector_load_idx %arg12[%add3A_414, %add3A_400] : memref<512x32xf32, #tpu.memory_space<vmem>>[vector<16xi32>, vector<16xi32>], vector<16xf32>,
      %mul3A_662 = arith.constant 16 : i32
      %mul3A_663 = arith.muli %and3A_410, %mul3A_662 : i32
      %swap3A_664 = arith.constant 31 : i32
      %swap3A_665 = arith.index_cast %swap3A_664 : i32 to index
      %swap3A_666 = arith.index_cast %shift_right_arithmetic3A_409 : i32 to index
      %swap3A_667 = arith.index_cast %mul3A_663 : i32 to index
      %swap3A_668 = tpu.vector_load %arg13[%swap3A_665, %swap3A_666, %swap3A_667] {strides = array<i32>} : memref<32x4x128xf32, #tpu.memory_space<vmem>>, vector<16xf32>,
      tpu.vector_store %arg13[%swap3A_665, %swap3A_666, %swap3A_667], %gather3A_661 {strides = array<i32>} : memref<32x4x128xf32, #tpu.memory_space<vmem>>, vector<16xf32>,
      %scan3A_669 = arith.constant 1 : i32
      %scan3A_670 = arith.addi %scan3A_408, %scan3A_669 : i32
      %shift_right_arithmetic3A_671 = arith.constant 3 : i32
      %shift_right_arithmetic3A_672 = arith.shrsi %scan3A_670, %shift_right_arithmetic3A_671 : i32
      %and3A_673 = arith.constant 7 : i32
      %and3A_674 = arith.andi %scan3A_670, %and3A_673 : i32
      %mul3A_675 = arith.constant 16 : i32
      %mul3A_676 = arith.muli %scan3A_670, %mul3A_675 : i32
      %add3A_677 = vector.broadcast %mul3A_676 : i32 to vector<16xi32>
      %add3A_678 = arith.addi %add3A_677, %iota3A : vector<16xi32>
      %gather3A_679 = tpu.vector_load_idx %arg12[%add3A_678, %add3A_214] : memref<512x32xf32, #tpu.memory_space<vmem>>[vector<16xi32>, vector<16xi32>], vector<16xf32>,
      %mul3A_680 = arith.constant 16 : i32
      %mul3A_681 = arith.muli %and3A_674, %mul3A_680 : i32
      %swap3A_682 = arith.constant 0 : i32
      %swap3A_683 = arith.index_cast %swap3A_682 : i32 to index
      %swap3A_684 = arith.index_cast %shift_right_arithmetic3A_672 : i32 to index
      %swap3A_685 = arith.index_cast %mul3A_681 : i32 to index
      %swap3A_686 = tpu.vector_load %arg13[%swap3A_683, %swap3A_684, %swap3A_685] {strides = array<i32>} : memref<32x4x128xf32, #tpu.memory_space<vmem>>, vector<16xf32>,
      tpu.vector_store %arg13[%swap3A_683, %swap3A_684, %swap3A_685], %gather3A_679 {strides = array<i32>} : memref<32x4x128xf32, #tpu.memory_space<vmem>>, vector<16xf32>,
      %gather3A_687 = tpu.vector_load_idx %arg12[%add3A_678, %add3A_220] : memref<512x32xf32, #tpu.memory_space<vmem>>[vector<16xi32>, vector<16xi32>], vector<16xf32>,
      %mul3A_688 = arith.constant 16 : i32
      %mul3A_689 = arith.muli %and3A_674, %mul3A_688 : i32
      %swap3A_690 = arith.constant 1 : i32
      %swap3A_691 = arith.index_cast %swap3A_690 : i32 to index
      %swap3A_692 = arith.index_cast %shift_right_arithmetic3A_672 : i32 to index
      %swap3A_693 = arith.index_cast %mul3A_689 : i32 to index
      %swap3A_694 = tpu.vector_load %arg13[%swap3A_691, %swap3A_692, %swap3A_693] {strides = array<i32>} : memref<32x4x128xf32, #tpu.memory_space<vmem>>, vector<16xf32>,
      tpu.vector_store %arg13[%swap3A_691, %swap3A_692, %swap3A_693], %gather3A_687 {strides = array<i32>} : memref<32x4x128xf32, #tpu.memory_space<vmem>>, vector<16xf32>,
      %gather3A_695 = tpu.vector_load_idx %arg12[%add3A_678, %add3A_226] : memref<512x32xf32, #tpu.memory_space<vmem>>[vector<16xi32>, vector<16xi32>], vector<16xf32>,
      %mul3A_696 = arith.constant 16 : i32
      %mul3A_697 = arith.muli %and3A_674, %mul3A_696 : i32
      %swap3A_698 = arith.constant 2 : i32
      %swap3A_699 = arith.index_cast %swap3A_698 : i32 to index
      %swap3A_700 = arith.index_cast %shift_right_arithmetic3A_672 : i32 to index
      %swap3A_701 = arith.index_cast %mul3A_697 : i32 to index
      %swap3A_702 = tpu.vector_load %arg13[%swap3A_699, %swap3A_700, %swap3A_701] {strides = array<i32>} : memref<32x4x128xf32, #tpu.memory_space<vmem>>, vector<16xf32>,
      tpu.vector_store %arg13[%swap3A_699, %swap3A_700, %swap3A_701], %gather3A_695 {strides = array<i32>} : memref<32x4x128xf32, #tpu.memory_space<vmem>>, vector<16xf32>,
      %gather3A_703 = tpu.vector_load_idx %arg12[%add3A_678, %add3A_232] : memref<512x32xf32, #tpu.memory_space<vmem>>[vector<16xi32>, vector<16xi32>], vector<16xf32>,
      %mul3A_704 = arith.constant 16 : i32
      %mul3A_705 = arith.muli %and3A_674, %mul3A_704 : i32
      %swap3A_706 = arith.constant 3 : i32
      %swap3A_707 = arith.index_cast %swap3A_706 : i32 to index
      %swap3A_708 = arith.index_cast %shift_right_arithmetic3A_672 : i32 to index
      %swap3A_709 = arith.index_cast %mul3A_705 : i32 to index
      %swap3A_710 = tpu.vector_load %arg13[%swap3A_707, %swap3A_708, %swap3A_709] {strides = array<i32>} : memref<32x4x128xf32, #tpu.memory_space<vmem>>, vector<16xf32>,
      tpu.vector_store %arg13[%swap3A_707, %swap3A_708, %swap3A_709], %gather3A_703 {strides = array<i32>} : memref<32x4x128xf32, #tpu.memory_space<vmem>>, vector<16xf32>,
      %gather3A_711 = tpu.vector_load_idx %arg12[%add3A_678, %add3A_238] : memref<512x32xf32, #tpu.memory_space<vmem>>[vector<16xi32>, vector<16xi32>], vector<16xf32>,
      %mul3A_712 = arith.constant 16 : i32
      %mul3A_713 = arith.muli %and3A_674, %mul3A_712 : i32
      %swap3A_714 = arith.constant 4 : i32
      %swap3A_715 = arith.index_cast %swap3A_714 : i32 to index
      %swap3A_716 = arith.index_cast %shift_right_arithmetic3A_672 : i32 to index
      %swap3A_717 = arith.index_cast %mul3A_713 : i32 to index
      %swap3A_718 = tpu.vector_load %arg13[%swap3A_715, %swap3A_716, %swap3A_717] {strides = array<i32>} : memref<32x4x128xf32, #tpu.memory_space<vmem>>, vector<16xf32>,
      tpu.vector_store %arg13[%swap3A_715, %swap3A_716, %swap3A_717], %gather3A_711 {strides = array<i32>} : memref<32x4x128xf32, #tpu.memory_space<vmem>>, vector<16xf32>,
      %gather3A_719 = tpu.vector_load_idx %arg12[%add3A_678, %add3A_244] : memref<512x32xf32, #tpu.memory_space<vmem>>[vector<16xi32>, vector<16xi32>], vector<16xf32>,
      %mul3A_720 = arith.constant 16 : i32
      %mul3A_721 = arith.muli %and3A_674, %mul3A_720 : i32
      %swap3A_722 = arith.constant 5 : i32
      %swap3A_723 = arith.index_cast %swap3A_722 : i32 to index
      %swap3A_724 = arith.index_cast %shift_right_arithmetic3A_672 : i32 to index
      %swap3A_725 = arith.index_cast %mul3A_721 : i32 to index
      %swap3A_726 = tpu.vector_load %arg13[%swap3A_723, %swap3A_724, %swap3A_725] {strides = array<i32>} : memref<32x4x128xf32, #tpu.memory_space<vmem>>, vector<16xf32>,
      tpu.vector_store %arg13[%swap3A_723, %swap3A_724, %swap3A_725], %gather3A_719 {strides = array<i32>} : memref<32x4x128xf32, #tpu.memory_space<vmem>>, vector<16xf32>,
      %gather3A_727 = tpu.vector_load_idx %arg12[%add3A_678, %add3A_250] : memref<512x32xf32, #tpu.memory_space<vmem>>[vector<16xi32>, vector<16xi32>], vector<16xf32>,
      %mul3A_728 = arith.constant 16 : i32
      %mul3A_729 = arith.muli %and3A_674, %mul3A_728 : i32
      %swap3A_730 = arith.constant 6 : i32
      %swap3A_731 = arith.index_cast %swap3A_730 : i32 to index
      %swap3A_732 = arith.index_cast %shift_right_arithmetic3A_672 : i32 to index
      %swap3A_733 = arith.index_cast %mul3A_729 : i32 to index
      %swap3A_734 = tpu.vector_load %arg13[%swap3A_731, %swap3A_732, %swap3A_733] {strides = array<i32>} : memref<32x4x128xf32, #tpu.memory_space<vmem>>, vector<16xf32>,
      tpu.vector_store %arg13[%swap3A_731, %swap3A_732, %swap3A_733], %gather3A_727 {strides = array<i32>} : memref<32x4x128xf32, #tpu.memory_space<vmem>>, vector<16xf32>,
      %gather3A_735 = tpu.vector_load_idx %arg12[%add3A_678, %add3A_256] : memref<512x32xf32, #tpu.memory_space<vmem>>[vector<16xi32>, vector<16xi32>], vector<16xf32>,
      %mul3A_736 = arith.constant 16 : i32
      %mul3A_737 = arith.muli %and3A_674, %mul3A_736 : i32
      %swap3A_738 = arith.constant 7 : i32
      %swap3A_739 = arith.index_cast %swap3A_738 : i32 to index
      %swap3A_740 = arith.index_cast %shift_right_arithmetic3A_672 : i32 to index
      %swap3A_741 = arith.index_cast %mul3A_737 : i32 to index
      %swap3A_742 = tpu.vector_load %arg13[%swap3A_739, %swap3A_740, %swap3A_741] {strides = array<i32>} : memref<32x4x128xf32, #tpu.memory_space<vmem>>, vector<16xf32>,
      tpu.vector_store %arg13[%swap3A_739, %swap3A_740, %swap3A_741], %gather3A_735 {strides = array<i32>} : memref<32x4x128xf32, #tpu.memory_space<vmem>>, vector<16xf32>,
      %gather3A_743 = tpu.vector_load_idx %arg12[%add3A_678, %add3A_262] : memref<512x32xf32, #tpu.memory_space<vmem>>[vector<16xi32>, vector<16xi32>], vector<16xf32>,
      %mul3A_744 = arith.constant 16 : i32
      %mul3A_745 = arith.muli %and3A_674, %mul3A_744 : i32
      %swap3A_746 = arith.constant 8 : i32
      %swap3A_747 = arith.index_cast %swap3A_746 : i32 to index
      %swap3A_748 = arith.index_cast %shift_right_arithmetic3A_672 : i32 to index
      %swap3A_749 = arith.index_cast %mul3A_745 : i32 to index
      %swap3A_750 = tpu.vector_load %arg13[%swap3A_747, %swap3A_748, %swap3A_749] {strides = array<i32>} : memref<32x4x128xf32, #tpu.memory_space<vmem>>, vector<16xf32>,
      tpu.vector_store %arg13[%swap3A_747, %swap3A_748, %swap3A_749], %gather3A_743 {strides = array<i32>} : memref<32x4x128xf32, #tpu.memory_space<vmem>>, vector<16xf32>,
      %gather3A_751 = tpu.vector_load_idx %arg12[%add3A_678, %add3A_268] : memref<512x32xf32, #tpu.memory_space<vmem>>[vector<16xi32>, vector<16xi32>], vector<16xf32>,
      %mul3A_752 = arith.constant 16 : i32
      %mul3A_753 = arith.muli %and3A_674, %mul3A_752 : i32
      %swap3A_754 = arith.constant 9 : i32
      %swap3A_755 = arith.index_cast %swap3A_754 : i32 to index
      %swap3A_756 = arith.index_cast %shift_right_arithmetic3A_672 : i32 to index
      %swap3A_757 = arith.index_cast %mul3A_753 : i32 to index
      %swap3A_758 = tpu.vector_load %arg13[%swap3A_755, %swap3A_756, %swap3A_757] {strides = array<i32>} : memref<32x4x128xf32, #tpu.memory_space<vmem>>, vector<16xf32>,
      tpu.vector_store %arg13[%swap3A_755, %swap3A_756, %swap3A_757], %gather3A_751 {strides = array<i32>} : memref<32x4x128xf32, #tpu.memory_space<vmem>>, vector<16xf32>,
      %gather3A_759 = tpu.vector_load_idx %arg12[%add3A_678, %add3A_274] : memref<512x32xf32, #tpu.memory_space<vmem>>[vector<16xi32>, vector<16xi32>], vector<16xf32>,
      %mul3A_760 = arith.constant 16 : i32
      %mul3A_761 = arith.muli %and3A_674, %mul3A_760 : i32
      %swap3A_762 = arith.constant 10 : i32
      %swap3A_763 = arith.index_cast %swap3A_762 : i32 to index
      %swap3A_764 = arith.index_cast %shift_right_arithmetic3A_672 : i32 to index
      %swap3A_765 = arith.index_cast %mul3A_761 : i32 to index
      %swap3A_766 = tpu.vector_load %arg13[%swap3A_763, %swap3A_764, %swap3A_765] {strides = array<i32>} : memref<32x4x128xf32, #tpu.memory_space<vmem>>, vector<16xf32>,
      tpu.vector_store %arg13[%swap3A_763, %swap3A_764, %swap3A_765], %gather3A_759 {strides = array<i32>} : memref<32x4x128xf32, #tpu.memory_space<vmem>>, vector<16xf32>,
      %gather3A_767 = tpu.vector_load_idx %arg12[%add3A_678, %add3A_280] : memref<512x32xf32, #tpu.memory_space<vmem>>[vector<16xi32>, vector<16xi32>], vector<16xf32>,
      %mul3A_768 = arith.constant 16 : i32
      %mul3A_769 = arith.muli %and3A_674, %mul3A_768 : i32
      %swap3A_770 = arith.constant 11 : i32
      %swap3A_771 = arith.index_cast %swap3A_770 : i32 to index
      %swap3A_772 = arith.index_cast %shift_right_arithmetic3A_672 : i32 to index
      %swap3A_773 = arith.index_cast %mul3A_769 : i32 to index
      %swap3A_774 = tpu.vector_load %arg13[%swap3A_771, %swap3A_772, %swap3A_773] {strides = array<i32>} : memref<32x4x128xf32, #tpu.memory_space<vmem>>, vector<16xf32>,
      tpu.vector_store %arg13[%swap3A_771, %swap3A_772, %swap3A_773], %gather3A_767 {strides = array<i32>} : memref<32x4x128xf32, #tpu.memory_space<vmem>>, vector<16xf32>,
      %gather3A_775 = tpu.vector_load_idx %arg12[%add3A_678, %add3A_286] : memref<512x32xf32, #tpu.memory_space<vmem>>[vector<16xi32>, vector<16xi32>], vector<16xf32>,
      %mul3A_776 = arith.constant 16 : i32
      %mul3A_777 = arith.muli %and3A_674, %mul3A_776 : i32
      %swap3A_778 = arith.constant 12 : i32
      %swap3A_779 = arith.index_cast %swap3A_778 : i32 to index
      %swap3A_780 = arith.index_cast %shift_right_arithmetic3A_672 : i32 to index
      %swap3A_781 = arith.index_cast %mul3A_777 : i32 to index
      %swap3A_782 = tpu.vector_load %arg13[%swap3A_779, %swap3A_780, %swap3A_781] {strides = array<i32>} : memref<32x4x128xf32, #tpu.memory_space<vmem>>, vector<16xf32>,
      tpu.vector_store %arg13[%swap3A_779, %swap3A_780, %swap3A_781], %gather3A_775 {strides = array<i32>} : memref<32x4x128xf32, #tpu.memory_space<vmem>>, vector<16xf32>,
      %gather3A_783 = tpu.vector_load_idx %arg12[%add3A_678, %add3A_292] : memref<512x32xf32, #tpu.memory_space<vmem>>[vector<16xi32>, vector<16xi32>], vector<16xf32>,
      %mul3A_784 = arith.constant 16 : i32
      %mul3A_785 = arith.muli %and3A_674, %mul3A_784 : i32
      %swap3A_786 = arith.constant 13 : i32
      %swap3A_787 = arith.index_cast %swap3A_786 : i32 to index
      %swap3A_788 = arith.index_cast %shift_right_arithmetic3A_672 : i32 to index
      %swap3A_789 = arith.index_cast %mul3A_785 : i32 to index
      %swap3A_790 = tpu.vector_load %arg13[%swap3A_787, %swap3A_788, %swap3A_789] {strides = array<i32>} : memref<32x4x128xf32, #tpu.memory_space<vmem>>, vector<16xf32>,
      tpu.vector_store %arg13[%swap3A_787, %swap3A_788, %swap3A_789], %gather3A_783 {strides = array<i32>} : memref<32x4x128xf32, #tpu.memory_space<vmem>>, vector<16xf32>,
      %gather3A_791 = tpu.vector_load_idx %arg12[%add3A_678, %add3A_298] : memref<512x32xf32, #tpu.memory_space<vmem>>[vector<16xi32>, vector<16xi32>], vector<16xf32>,
      %mul3A_792 = arith.constant 16 : i32
      %mul3A_793 = arith.muli %and3A_674, %mul3A_792 : i32
      %swap3A_794 = arith.constant 14 : i32
      %swap3A_795 = arith.index_cast %swap3A_794 : i32 to index
      %swap3A_796 = arith.index_cast %shift_right_arithmetic3A_672 : i32 to index
      %swap3A_797 = arith.index_cast %mul3A_793 : i32 to index
      %swap3A_798 = tpu.vector_load %arg13[%swap3A_795, %swap3A_796, %swap3A_797] {strides = array<i32>} : memref<32x4x128xf32, #tpu.memory_space<vmem>>, vector<16xf32>,
      tpu.vector_store %arg13[%swap3A_795, %swap3A_796, %swap3A_797], %gather3A_791 {strides = array<i32>} : memref<32x4x128xf32, #tpu.memory_space<vmem>>, vector<16xf32>,
      %gather3A_799 = tpu.vector_load_idx %arg12[%add3A_678, %add3A_304] : memref<512x32xf32, #tpu.memory_space<vmem>>[vector<16xi32>, vector<16xi32>], vector<16xf32>,
      %mul3A_800 = arith.constant 16 : i32
      %mul3A_801 = arith.muli %and3A_674, %mul3A_800 : i32
      %swap3A_802 = arith.constant 15 : i32
      %swap3A_803 = arith.index_cast %swap3A_802 : i32 to index
      %swap3A_804 = arith.index_cast %shift_right_arithmetic3A_672 : i32 to index
      %swap3A_805 = arith.index_cast %mul3A_801 : i32 to index
      %swap3A_806 = tpu.vector_load %arg13[%swap3A_803, %swap3A_804, %swap3A_805] {strides = array<i32>} : memref<32x4x128xf32, #tpu.memory_space<vmem>>, vector<16xf32>,
      tpu.vector_store %arg13[%swap3A_803, %swap3A_804, %swap3A_805], %gather3A_799 {strides = array<i32>} : memref<32x4x128xf32, #tpu.memory_space<vmem>>, vector<16xf32>,
      %gather3A_807 = tpu.vector_load_idx %arg12[%add3A_678, %add3A_310] : memref<512x32xf32, #tpu.memory_space<vmem>>[vector<16xi32>, vector<16xi32>], vector<16xf32>,
      %mul3A_808 = arith.constant 16 : i32
      %mul3A_809 = arith.muli %and3A_674, %mul3A_808 : i32
      %swap3A_810 = arith.constant 16 : i32
      %swap3A_811 = arith.index_cast %swap3A_810 : i32 to index
      %swap3A_812 = arith.index_cast %shift_right_arithmetic3A_672 : i32 to index
      %swap3A_813 = arith.index_cast %mul3A_809 : i32 to index
      %swap3A_814 = tpu.vector_load %arg13[%swap3A_811, %swap3A_812, %swap3A_813] {strides = array<i32>} : memref<32x4x128xf32, #tpu.memory_space<vmem>>, vector<16xf32>,
      tpu.vector_store %arg13[%swap3A_811, %swap3A_812, %swap3A_813], %gather3A_807 {strides = array<i32>} : memref<32x4x128xf32, #tpu.memory_space<vmem>>, vector<16xf32>,
      %gather3A_815 = tpu.vector_load_idx %arg12[%add3A_678, %add3A_316] : memref<512x32xf32, #tpu.memory_space<vmem>>[vector<16xi32>, vector<16xi32>], vector<16xf32>,
      %mul3A_816 = arith.constant 16 : i32
      %mul3A_817 = arith.muli %and3A_674, %mul3A_816 : i32
      %swap3A_818 = arith.constant 17 : i32
      %swap3A_819 = arith.index_cast %swap3A_818 : i32 to index
      %swap3A_820 = arith.index_cast %shift_right_arithmetic3A_672 : i32 to index
      %swap3A_821 = arith.index_cast %mul3A_817 : i32 to index
      %swap3A_822 = tpu.vector_load %arg13[%swap3A_819, %swap3A_820, %swap3A_821] {strides = array<i32>} : memref<32x4x128xf32, #tpu.memory_space<vmem>>, vector<16xf32>,
      tpu.vector_store %arg13[%swap3A_819, %swap3A_820, %swap3A_821], %gather3A_815 {strides = array<i32>} : memref<32x4x128xf32, #tpu.memory_space<vmem>>, vector<16xf32>,
      %gather3A_823 = tpu.vector_load_idx %arg12[%add3A_678, %add3A_322] : memref<512x32xf32, #tpu.memory_space<vmem>>[vector<16xi32>, vector<16xi32>], vector<16xf32>,
      %mul3A_824 = arith.constant 16 : i32
      %mul3A_825 = arith.muli %and3A_674, %mul3A_824 : i32
      %swap3A_826 = arith.constant 18 : i32
      %swap3A_827 = arith.index_cast %swap3A_826 : i32 to index
      %swap3A_828 = arith.index_cast %shift_right_arithmetic3A_672 : i32 to index
      %swap3A_829 = arith.index_cast %mul3A_825 : i32 to index
      %swap3A_830 = tpu.vector_load %arg13[%swap3A_827, %swap3A_828, %swap3A_829] {strides = array<i32>} : memref<32x4x128xf32, #tpu.memory_space<vmem>>, vector<16xf32>,
      tpu.vector_store %arg13[%swap3A_827, %swap3A_828, %swap3A_829], %gather3A_823 {strides = array<i32>} : memref<32x4x128xf32, #tpu.memory_space<vmem>>, vector<16xf32>,
      %gather3A_831 = tpu.vector_load_idx %arg12[%add3A_678, %add3A_328] : memref<512x32xf32, #tpu.memory_space<vmem>>[vector<16xi32>, vector<16xi32>], vector<16xf32>,
      %mul3A_832 = arith.constant 16 : i32
      %mul3A_833 = arith.muli %and3A_674, %mul3A_832 : i32
      %swap3A_834 = arith.constant 19 : i32
      %swap3A_835 = arith.index_cast %swap3A_834 : i32 to index
      %swap3A_836 = arith.index_cast %shift_right_arithmetic3A_672 : i32 to index
      %swap3A_837 = arith.index_cast %mul3A_833 : i32 to index
      %swap3A_838 = tpu.vector_load %arg13[%swap3A_835, %swap3A_836, %swap3A_837] {strides = array<i32>} : memref<32x4x128xf32, #tpu.memory_space<vmem>>, vector<16xf32>,
      tpu.vector_store %arg13[%swap3A_835, %swap3A_836, %swap3A_837], %gather3A_831 {strides = array<i32>} : memref<32x4x128xf32, #tpu.memory_space<vmem>>, vector<16xf32>,
      %gather3A_839 = tpu.vector_load_idx %arg12[%add3A_678, %add3A_334] : memref<512x32xf32, #tpu.memory_space<vmem>>[vector<16xi32>, vector<16xi32>], vector<16xf32>,
      %mul3A_840 = arith.constant 16 : i32
      %mul3A_841 = arith.muli %and3A_674, %mul3A_840 : i32
      %swap3A_842 = arith.constant 20 : i32
      %swap3A_843 = arith.index_cast %swap3A_842 : i32 to index
      %swap3A_844 = arith.index_cast %shift_right_arithmetic3A_672 : i32 to index
      %swap3A_845 = arith.index_cast %mul3A_841 : i32 to index
      %swap3A_846 = tpu.vector_load %arg13[%swap3A_843, %swap3A_844, %swap3A_845] {strides = array<i32>} : memref<32x4x128xf32, #tpu.memory_space<vmem>>, vector<16xf32>,
      tpu.vector_store %arg13[%swap3A_843, %swap3A_844, %swap3A_845], %gather3A_839 {strides = array<i32>} : memref<32x4x128xf32, #tpu.memory_space<vmem>>, vector<16xf32>,
      %gather3A_847 = tpu.vector_load_idx %arg12[%add3A_678, %add3A_340] : memref<512x32xf32, #tpu.memory_space<vmem>>[vector<16xi32>, vector<16xi32>], vector<16xf32>,
      %mul3A_848 = arith.constant 16 : i32
      %mul3A_849 = arith.muli %and3A_674, %mul3A_848 : i32
      %swap3A_850 = arith.constant 21 : i32
      %swap3A_851 = arith.index_cast %swap3A_850 : i32 to index
      %swap3A_852 = arith.index_cast %shift_right_arithmetic3A_672 : i32 to index
      %swap3A_853 = arith.index_cast %mul3A_849 : i32 to index
      %swap3A_854 = tpu.vector_load %arg13[%swap3A_851, %swap3A_852, %swap3A_853] {strides = array<i32>} : memref<32x4x128xf32, #tpu.memory_space<vmem>>, vector<16xf32>,
      tpu.vector_store %arg13[%swap3A_851, %swap3A_852, %swap3A_853], %gather3A_847 {strides = array<i32>} : memref<32x4x128xf32, #tpu.memory_space<vmem>>, vector<16xf32>,
      %gather3A_855 = tpu.vector_load_idx %arg12[%add3A_678, %add3A_346] : memref<512x32xf32, #tpu.memory_space<vmem>>[vector<16xi32>, vector<16xi32>], vector<16xf32>,
      %mul3A_856 = arith.constant 16 : i32
      %mul3A_857 = arith.muli %and3A_674, %mul3A_856 : i32
      %swap3A_858 = arith.constant 22 : i32
      %swap3A_859 = arith.index_cast %swap3A_858 : i32 to index
      %swap3A_860 = arith.index_cast %shift_right_arithmetic3A_672 : i32 to index
      %swap3A_861 = arith.index_cast %mul3A_857 : i32 to index
      %swap3A_862 = tpu.vector_load %arg13[%swap3A_859, %swap3A_860, %swap3A_861] {strides = array<i32>} : memref<32x4x128xf32, #tpu.memory_space<vmem>>, vector<16xf32>,
      tpu.vector_store %arg13[%swap3A_859, %swap3A_860, %swap3A_861], %gather3A_855 {strides = array<i32>} : memref<32x4x128xf32, #tpu.memory_space<vmem>>, vector<16xf32>,
      %gather3A_863 = tpu.vector_load_idx %arg12[%add3A_678, %add3A_352] : memref<512x32xf32, #tpu.memory_space<vmem>>[vector<16xi32>, vector<16xi32>], vector<16xf32>,
      %mul3A_864 = arith.constant 16 : i32
      %mul3A_865 = arith.muli %and3A_674, %mul3A_864 : i32
      %swap3A_866 = arith.constant 23 : i32
      %swap3A_867 = arith.index_cast %swap3A_866 : i32 to index
      %swap3A_868 = arith.index_cast %shift_right_arithmetic3A_672 : i32 to index
      %swap3A_869 = arith.index_cast %mul3A_865 : i32 to index
      %swap3A_870 = tpu.vector_load %arg13[%swap3A_867, %swap3A_868, %swap3A_869] {strides = array<i32>} : memref<32x4x128xf32, #tpu.memory_space<vmem>>, vector<16xf32>,
      tpu.vector_store %arg13[%swap3A_867, %swap3A_868, %swap3A_869], %gather3A_863 {strides = array<i32>} : memref<32x4x128xf32, #tpu.memory_space<vmem>>, vector<16xf32>,
      %gather3A_871 = tpu.vector_load_idx %arg12[%add3A_678, %add3A_358] : memref<512x32xf32, #tpu.memory_space<vmem>>[vector<16xi32>, vector<16xi32>], vector<16xf32>,
      %mul3A_872 = arith.constant 16 : i32
      %mul3A_873 = arith.muli %and3A_674, %mul3A_872 : i32
      %swap3A_874 = arith.constant 24 : i32
      %swap3A_875 = arith.index_cast %swap3A_874 : i32 to index
      %swap3A_876 = arith.index_cast %shift_right_arithmetic3A_672 : i32 to index
      %swap3A_877 = arith.index_cast %mul3A_873 : i32 to index
      %swap3A_878 = tpu.vector_load %arg13[%swap3A_875, %swap3A_876, %swap3A_877] {strides = array<i32>} : memref<32x4x128xf32, #tpu.memory_space<vmem>>, vector<16xf32>,
      tpu.vector_store %arg13[%swap3A_875, %swap3A_876, %swap3A_877], %gather3A_871 {strides = array<i32>} : memref<32x4x128xf32, #tpu.memory_space<vmem>>, vector<16xf32>,
      %gather3A_879 = tpu.vector_load_idx %arg12[%add3A_678, %add3A_364] : memref<512x32xf32, #tpu.memory_space<vmem>>[vector<16xi32>, vector<16xi32>], vector<16xf32>,
      %mul3A_880 = arith.constant 16 : i32
      %mul3A_881 = arith.muli %and3A_674, %mul3A_880 : i32
      %swap3A_882 = arith.constant 25 : i32
      %swap3A_883 = arith.index_cast %swap3A_882 : i32 to index
      %swap3A_884 = arith.index_cast %shift_right_arithmetic3A_672 : i32 to index
      %swap3A_885 = arith.index_cast %mul3A_881 : i32 to index
      %swap3A_886 = tpu.vector_load %arg13[%swap3A_883, %swap3A_884, %swap3A_885] {strides = array<i32>} : memref<32x4x128xf32, #tpu.memory_space<vmem>>, vector<16xf32>,
      tpu.vector_store %arg13[%swap3A_883, %swap3A_884, %swap3A_885], %gather3A_879 {strides = array<i32>} : memref<32x4x128xf32, #tpu.memory_space<vmem>>, vector<16xf32>,
      %gather3A_887 = tpu.vector_load_idx %arg12[%add3A_678, %add3A_370] : memref<512x32xf32, #tpu.memory_space<vmem>>[vector<16xi32>, vector<16xi32>], vector<16xf32>,
      %mul3A_888 = arith.constant 16 : i32
      %mul3A_889 = arith.muli %and3A_674, %mul3A_888 : i32
      %swap3A_890 = arith.constant 26 : i32
      %swap3A_891 = arith.index_cast %swap3A_890 : i32 to index
      %swap3A_892 = arith.index_cast %shift_right_arithmetic3A_672 : i32 to index
      %swap3A_893 = arith.index_cast %mul3A_889 : i32 to index
      %swap3A_894 = tpu.vector_load %arg13[%swap3A_891, %swap3A_892, %swap3A_893] {strides = array<i32>} : memref<32x4x128xf32, #tpu.memory_space<vmem>>, vector<16xf32>,
      tpu.vector_store %arg13[%swap3A_891, %swap3A_892, %swap3A_893], %gather3A_887 {strides = array<i32>} : memref<32x4x128xf32, #tpu.memory_space<vmem>>, vector<16xf32>,
      %gather3A_895 = tpu.vector_load_idx %arg12[%add3A_678, %add3A_376] : memref<512x32xf32, #tpu.memory_space<vmem>>[vector<16xi32>, vector<16xi32>], vector<16xf32>,
      %mul3A_896 = arith.constant 16 : i32
      %mul3A_897 = arith.muli %and3A_674, %mul3A_896 : i32
      %swap3A_898 = arith.constant 27 : i32
      %swap3A_899 = arith.index_cast %swap3A_898 : i32 to index
      %swap3A_900 = arith.index_cast %shift_right_arithmetic3A_672 : i32 to index
      %swap3A_901 = arith.index_cast %mul3A_897 : i32 to index
      %swap3A_902 = tpu.vector_load %arg13[%swap3A_899, %swap3A_900, %swap3A_901] {strides = array<i32>} : memref<32x4x128xf32, #tpu.memory_space<vmem>>, vector<16xf32>,
      tpu.vector_store %arg13[%swap3A_899, %swap3A_900, %swap3A_901], %gather3A_895 {strides = array<i32>} : memref<32x4x128xf32, #tpu.memory_space<vmem>>, vector<16xf32>,
      %gather3A_903 = tpu.vector_load_idx %arg12[%add3A_678, %add3A_382] : memref<512x32xf32, #tpu.memory_space<vmem>>[vector<16xi32>, vector<16xi32>], vector<16xf32>,
      %mul3A_904 = arith.constant 16 : i32
      %mul3A_905 = arith.muli %and3A_674, %mul3A_904 : i32
      %swap3A_906 = arith.constant 28 : i32
      %swap3A_907 = arith.index_cast %swap3A_906 : i32 to index
      %swap3A_908 = arith.index_cast %shift_right_arithmetic3A_672 : i32 to index
      %swap3A_909 = arith.index_cast %mul3A_905 : i32 to index
      %swap3A_910 = tpu.vector_load %arg13[%swap3A_907, %swap3A_908, %swap3A_909] {strides = array<i32>} : memref<32x4x128xf32, #tpu.memory_space<vmem>>, vector<16xf32>,
      tpu.vector_store %arg13[%swap3A_907, %swap3A_908, %swap3A_909], %gather3A_903 {strides = array<i32>} : memref<32x4x128xf32, #tpu.memory_space<vmem>>, vector<16xf32>,
      %gather3A_911 = tpu.vector_load_idx %arg12[%add3A_678, %add3A_388] : memref<512x32xf32, #tpu.memory_space<vmem>>[vector<16xi32>, vector<16xi32>], vector<16xf32>,
      %mul3A_912 = arith.constant 16 : i32
      %mul3A_913 = arith.muli %and3A_674, %mul3A_912 : i32
      %swap3A_914 = arith.constant 29 : i32
      %swap3A_915 = arith.index_cast %swap3A_914 : i32 to index
      %swap3A_916 = arith.index_cast %shift_right_arithmetic3A_672 : i32 to index
      %swap3A_917 = arith.index_cast %mul3A_913 : i32 to index
      %swap3A_918 = tpu.vector_load %arg13[%swap3A_915, %swap3A_916, %swap3A_917] {strides = array<i32>} : memref<32x4x128xf32, #tpu.memory_space<vmem>>, vector<16xf32>,
      tpu.vector_store %arg13[%swap3A_915, %swap3A_916, %swap3A_917], %gather3A_911 {strides = array<i32>} : memref<32x4x128xf32, #tpu.memory_space<vmem>>, vector<16xf32>,
      %gather3A_919 = tpu.vector_load_idx %arg12[%add3A_678, %add3A_394] : memref<512x32xf32, #tpu.memory_space<vmem>>[vector<16xi32>, vector<16xi32>], vector<16xf32>,
      %mul3A_920 = arith.constant 16 : i32
      %mul3A_921 = arith.muli %and3A_674, %mul3A_920 : i32
      %swap3A_922 = arith.constant 30 : i32
      %swap3A_923 = arith.index_cast %swap3A_922 : i32 to index
      %swap3A_924 = arith.index_cast %shift_right_arithmetic3A_672 : i32 to index
      %swap3A_925 = arith.index_cast %mul3A_921 : i32 to index
      %swap3A_926 = tpu.vector_load %arg13[%swap3A_923, %swap3A_924, %swap3A_925] {strides = array<i32>} : memref<32x4x128xf32, #tpu.memory_space<vmem>>, vector<16xf32>,
      tpu.vector_store %arg13[%swap3A_923, %swap3A_924, %swap3A_925], %gather3A_919 {strides = array<i32>} : memref<32x4x128xf32, #tpu.memory_space<vmem>>, vector<16xf32>,
      %gather3A_927 = tpu.vector_load_idx %arg12[%add3A_678, %add3A_400] : memref<512x32xf32, #tpu.memory_space<vmem>>[vector<16xi32>, vector<16xi32>], vector<16xf32>,
      %mul3A_928 = arith.constant 16 : i32
      %mul3A_929 = arith.muli %and3A_674, %mul3A_928 : i32
      %swap3A_930 = arith.constant 31 : i32
      %swap3A_931 = arith.index_cast %swap3A_930 : i32 to index
      %swap3A_932 = arith.index_cast %shift_right_arithmetic3A_672 : i32 to index
      %swap3A_933 = arith.index_cast %mul3A_929 : i32 to index
      %swap3A_934 = tpu.vector_load %arg13[%swap3A_931, %swap3A_932, %swap3A_933] {strides = array<i32>} : memref<32x4x128xf32, #tpu.memory_space<vmem>>, vector<16xf32>,
      tpu.vector_store %arg13[%swap3A_931, %swap3A_932, %swap3A_933], %gather3A_927 {strides = array<i32>} : memref<32x4x128xf32, #tpu.memory_space<vmem>>, vector<16xf32>,
      %scan3A_935 = arith.constant 2 : i32
      %scan3A_936 = arith.addi %scan3A_408, %scan3A_935 : i32
      %shift_right_arithmetic3A_937 = arith.constant 3 : i32
      %shift_right_arithmetic3A_938 = arith.shrsi %scan3A_936, %shift_right_arithmetic3A_937 : i32
      %and3A_939 = arith.constant 7 : i32
      %and3A_940 = arith.andi %scan3A_936, %and3A_939 : i32
      %mul3A_941 = arith.constant 16 : i32
      %mul3A_942 = arith.muli %scan3A_936, %mul3A_941 : i32
      %add3A_943 = vector.broadcast %mul3A_942 : i32 to vector<16xi32>
      %add3A_944 = arith.addi %add3A_943, %iota3A : vector<16xi32>
      %gather3A_945 = tpu.vector_load_idx %arg12[%add3A_944, %add3A_214] : memref<512x32xf32, #tpu.memory_space<vmem>>[vector<16xi32>, vector<16xi32>], vector<16xf32>,
      %mul3A_946 = arith.constant 16 : i32
      %mul3A_947 = arith.muli %and3A_940, %mul3A_946 : i32
      %swap3A_948 = arith.constant 0 : i32
      %swap3A_949 = arith.index_cast %swap3A_948 : i32 to index
      %swap3A_950 = arith.index_cast %shift_right_arithmetic3A_938 : i32 to index
      %swap3A_951 = arith.index_cast %mul3A_947 : i32 to index
      %swap3A_952 = tpu.vector_load %arg13[%swap3A_949, %swap3A_950, %swap3A_951] {strides = array<i32>} : memref<32x4x128xf32, #tpu.memory_space<vmem>>, vector<16xf32>,
      tpu.vector_store %arg13[%swap3A_949, %swap3A_950, %swap3A_951], %gather3A_945 {strides = array<i32>} : memref<32x4x128xf32, #tpu.memory_space<vmem>>, vector<16xf32>,
      %gather3A_953 = tpu.vector_load_idx %arg12[%add3A_944, %add3A_220] : memref<512x32xf32, #tpu.memory_space<vmem>>[vector<16xi32>, vector<16xi32>], vector<16xf32>,
      %mul3A_954 = arith.constant 16 : i32
      %mul3A_955 = arith.muli %and3A_940, %mul3A_954 : i32
      %swap3A_956 = arith.constant 1 : i32
      %swap3A_957 = arith.index_cast %swap3A_956 : i32 to index
      %swap3A_958 = arith.index_cast %shift_right_arithmetic3A_938 : i32 to index
      %swap3A_959 = arith.index_cast %mul3A_955 : i32 to index
      %swap3A_960 = tpu.vector_load %arg13[%swap3A_957, %swap3A_958, %swap3A_959] {strides = array<i32>} : memref<32x4x128xf32, #tpu.memory_space<vmem>>, vector<16xf32>,
      tpu.vector_store %arg13[%swap3A_957, %swap3A_958, %swap3A_959], %gather3A_953 {strides = array<i32>} : memref<32x4x128xf32, #tpu.memory_space<vmem>>, vector<16xf32>,
      %gather3A_961 = tpu.vector_load_idx %arg12[%add3A_944, %add3A_226] : memref<512x32xf32, #tpu.memory_space<vmem>>[vector<16xi32>, vector<16xi32>], vector<16xf32>,
      %mul3A_962 = arith.constant 16 : i32
      %mul3A_963 = arith.muli %and3A_940, %mul3A_962 : i32
      %swap3A_964 = arith.constant 2 : i32
      %swap3A_965 = arith.index_cast %swap3A_964 : i32 to index
      %swap3A_966 = arith.index_cast %shift_right_arithmetic3A_938 : i32 to index
      %swap3A_967 = arith.index_cast %mul3A_963 : i32 to index
      %swap3A_968 = tpu.vector_load %arg13[%swap3A_965, %swap3A_966, %swap3A_967] {strides = array<i32>} : memref<32x4x128xf32, #tpu.memory_space<vmem>>, vector<16xf32>,
      tpu.vector_store %arg13[%swap3A_965, %swap3A_966, %swap3A_967], %gather3A_961 {strides = array<i32>} : memref<32x4x128xf32, #tpu.memory_space<vmem>>, vector<16xf32>,
      %gather3A_969 = tpu.vector_load_idx %arg12[%add3A_944, %add3A_232] : memref<512x32xf32, #tpu.memory_space<vmem>>[vector<16xi32>, vector<16xi32>], vector<16xf32>,
      %mul3A_970 = arith.constant 16 : i32
      %mul3A_971 = arith.muli %and3A_940, %mul3A_970 : i32
      %swap3A_972 = arith.constant 3 : i32
      %swap3A_973 = arith.index_cast %swap3A_972 : i32 to index
      %swap3A_974 = arith.index_cast %shift_right_arithmetic3A_938 : i32 to index
      %swap3A_975 = arith.index_cast %mul3A_971 : i32 to index
      %swap3A_976 = tpu.vector_load %arg13[%swap3A_973, %swap3A_974, %swap3A_975] {strides = array<i32>} : memref<32x4x128xf32, #tpu.memory_space<vmem>>, vector<16xf32>,
      tpu.vector_store %arg13[%swap3A_973, %swap3A_974, %swap3A_975], %gather3A_969 {strides = array<i32>} : memref<32x4x128xf32, #tpu.memory_space<vmem>>, vector<16xf32>,
      %gather3A_977 = tpu.vector_load_idx %arg12[%add3A_944, %add3A_238] : memref<512x32xf32, #tpu.memory_space<vmem>>[vector<16xi32>, vector<16xi32>], vector<16xf32>,
      %mul3A_978 = arith.constant 16 : i32
      %mul3A_979 = arith.muli %and3A_940, %mul3A_978 : i32
      %swap3A_980 = arith.constant 4 : i32
      %swap3A_981 = arith.index_cast %swap3A_980 : i32 to index
      %swap3A_982 = arith.index_cast %shift_right_arithmetic3A_938 : i32 to index
      %swap3A_983 = arith.index_cast %mul3A_979 : i32 to index
      %swap3A_984 = tpu.vector_load %arg13[%swap3A_981, %swap3A_982, %swap3A_983] {strides = array<i32>} : memref<32x4x128xf32, #tpu.memory_space<vmem>>, vector<16xf32>,
      tpu.vector_store %arg13[%swap3A_981, %swap3A_982, %swap3A_983], %gather3A_977 {strides = array<i32>} : memref<32x4x128xf32, #tpu.memory_space<vmem>>, vector<16xf32>,
      %gather3A_985 = tpu.vector_load_idx %arg12[%add3A_944, %add3A_244] : memref<512x32xf32, #tpu.memory_space<vmem>>[vector<16xi32>, vector<16xi32>], vector<16xf32>,
      %mul3A_986 = arith.constant 16 : i32
      %mul3A_987 = arith.muli %and3A_940, %mul3A_986 : i32
      %swap3A_988 = arith.constant 5 : i32
      %swap3A_989 = arith.index_cast %swap3A_988 : i32 to index
      %swap3A_990 = arith.index_cast %shift_right_arithmetic3A_938 : i32 to index
      %swap3A_991 = arith.index_cast %mul3A_987 : i32 to index
      %swap3A_992 = tpu.vector_load %arg13[%swap3A_989, %swap3A_990, %swap3A_991] {strides = array<i32>} : memref<32x4x128xf32, #tpu.memory_space<vmem>>, vector<16xf32>,
      tpu.vector_store %arg13[%swap3A_989, %swap3A_990, %swap3A_991], %gather3A_985 {strides = array<i32>} : memref<32x4x128xf32, #tpu.memory_space<vmem>>, vector<16xf32>,
      %gather3A_993 = tpu.vector_load_idx %arg12[%add3A_944, %add3A_250] : memref<512x32xf32, #tpu.memory_space<vmem>>[vector<16xi32>, vector<16xi32>], vector<16xf32>,
      %mul3A_994 = arith.constant 16 : i32
      %mul3A_995 = arith.muli %and3A_940, %mul3A_994 : i32
      %swap3A_996 = arith.constant 6 : i32
      %swap3A_997 = arith.index_cast %swap3A_996 : i32 to index
      %swap3A_998 = arith.index_cast %shift_right_arithmetic3A_938 : i32 to index
      %swap3A_999 = arith.index_cast %mul3A_995 : i32 to index
      %swap3A_1000 = tpu.vector_load %arg13[%swap3A_997, %swap3A_998, %swap3A_999] {strides = array<i32>} : memref<32x4x128xf32, #tpu.memory_space<vmem>>, vector<16xf32>,
      tpu.vector_store %arg13[%swap3A_997, %swap3A_998, %swap3A_999], %gather3A_993 {strides = array<i32>} : memref<32x4x128xf32, #tpu.memory_space<vmem>>, vector<16xf32>,
      %gather3A_1001 = tpu.vector_load_idx %arg12[%add3A_944, %add3A_256] : memref<512x32xf32, #tpu.memory_space<vmem>>[vector<16xi32>, vector<16xi32>], vector<16xf32>,
      %mul3A_1002 = arith.constant 16 : i32
      %mul3A_1003 = arith.muli %and3A_940, %mul3A_1002 : i32
      %swap3A_1004 = arith.constant 7 : i32
      %swap3A_1005 = arith.index_cast %swap3A_1004 : i32 to index
      %swap3A_1006 = arith.index_cast %shift_right_arithmetic3A_938 : i32 to index
      %swap3A_1007 = arith.index_cast %mul3A_1003 : i32 to index
      %swap3A_1008 = tpu.vector_load %arg13[%swap3A_1005, %swap3A_1006, %swap3A_1007] {strides = array<i32>} : memref<32x4x128xf32, #tpu.memory_space<vmem>>, vector<16xf32>,
      tpu.vector_store %arg13[%swap3A_1005, %swap3A_1006, %swap3A_1007], %gather3A_1001 {strides = array<i32>} : memref<32x4x128xf32, #tpu.memory_space<vmem>>, vector<16xf32>,
      %gather3A_1009 = tpu.vector_load_idx %arg12[%add3A_944, %add3A_262] : memref<512x32xf32, #tpu.memory_space<vmem>>[vector<16xi32>, vector<16xi32>], vector<16xf32>,
      %mul3A_1010 = arith.constant 16 : i32
      %mul3A_1011 = arith.muli %and3A_940, %mul3A_1010 : i32
      %swap3A_1012 = arith.constant 8 : i32
      %swap3A_1013 = arith.index_cast %swap3A_1012 : i32 to index
      %swap3A_1014 = arith.index_cast %shift_right_arithmetic3A_938 : i32 to index
      %swap3A_1015 = arith.index_cast %mul3A_1011 : i32 to index
      %swap3A_1016 = tpu.vector_load %arg13[%swap3A_1013, %swap3A_1014, %swap3A_1015] {strides = array<i32>} : memref<32x4x128xf32, #tpu.memory_space<vmem>>, vector<16xf32>,
      tpu.vector_store %arg13[%swap3A_1013, %swap3A_1014, %swap3A_1015], %gather3A_1009 {strides = array<i32>} : memref<32x4x128xf32, #tpu.memory_space<vmem>>, vector<16xf32>,
      %gather3A_1017 = tpu.vector_load_idx %arg12[%add3A_944, %add3A_268] : memref<512x32xf32, #tpu.memory_space<vmem>>[vector<16xi32>, vector<16xi32>], vector<16xf32>,
      %mul3A_1018 = arith.constant 16 : i32
      %mul3A_1019 = arith.muli %and3A_940, %mul3A_1018 : i32
      %swap3A_1020 = arith.constant 9 : i32
      %swap3A_1021 = arith.index_cast %swap3A_1020 : i32 to index
      %swap3A_1022 = arith.index_cast %shift_right_arithmetic3A_938 : i32 to index
      %swap3A_1023 = arith.index_cast %mul3A_1019 : i32 to index
      %swap3A_1024 = tpu.vector_load %arg13[%swap3A_1021, %swap3A_1022, %swap3A_1023] {strides = array<i32>} : memref<32x4x128xf32, #tpu.memory_space<vmem>>, vector<16xf32>,
      tpu.vector_store %arg13[%swap3A_1021, %swap3A_1022, %swap3A_1023], %gather3A_1017 {strides = array<i32>} : memref<32x4x128xf32, #tpu.memory_space<vmem>>, vector<16xf32>,
      %gather3A_1025 = tpu.vector_load_idx %arg12[%add3A_944, %add3A_274] : memref<512x32xf32, #tpu.memory_space<vmem>>[vector<16xi32>, vector<16xi32>], vector<16xf32>,
      %mul3A_1026 = arith.constant 16 : i32
      %mul3A_1027 = arith.muli %and3A_940, %mul3A_1026 : i32
      %swap3A_1028 = arith.constant 10 : i32
      %swap3A_1029 = arith.index_cast %swap3A_1028 : i32 to index
      %swap3A_1030 = arith.index_cast %shift_right_arithmetic3A_938 : i32 to index
      %swap3A_1031 = arith.index_cast %mul3A_1027 : i32 to index
      %swap3A_1032 = tpu.vector_load %arg13[%swap3A_1029, %swap3A_1030, %swap3A_1031] {strides = array<i32>} : memref<32x4x128xf32, #tpu.memory_space<vmem>>, vector<16xf32>,
      tpu.vector_store %arg13[%swap3A_1029, %swap3A_1030, %swap3A_1031], %gather3A_1025 {strides = array<i32>} : memref<32x4x128xf32, #tpu.memory_space<vmem>>, vector<16xf32>,
      %gather3A_1033 = tpu.vector_load_idx %arg12[%add3A_944, %add3A_280] : memref<512x32xf32, #tpu.memory_space<vmem>>[vector<16xi32>, vector<16xi32>], vector<16xf32>,
      %mul3A_1034 = arith.constant 16 : i32
      %mul3A_1035 = arith.muli %and3A_940, %mul3A_1034 : i32
      %swap3A_1036 = arith.constant 11 : i32
      %swap3A_1037 = arith.index_cast %swap3A_1036 : i32 to index
      %swap3A_1038 = arith.index_cast %shift_right_arithmetic3A_938 : i32 to index
      %swap3A_1039 = arith.index_cast %mul3A_1035 : i32 to index
      %swap3A_1040 = tpu.vector_load %arg13[%swap3A_1037, %swap3A_1038, %swap3A_1039] {strides = array<i32>} : memref<32x4x128xf32, #tpu.memory_space<vmem>>, vector<16xf32>,
      tpu.vector_store %arg13[%swap3A_1037, %swap3A_1038, %swap3A_1039], %gather3A_1033 {strides = array<i32>} : memref<32x4x128xf32, #tpu.memory_space<vmem>>, vector<16xf32>,
      %gather3A_1041 = tpu.vector_load_idx %arg12[%add3A_944, %add3A_286] : memref<512x32xf32, #tpu.memory_space<vmem>>[vector<16xi32>, vector<16xi32>], vector<16xf32>,
      %mul3A_1042 = arith.constant 16 : i32
      %mul3A_1043 = arith.muli %and3A_940, %mul3A_1042 : i32
      %swap3A_1044 = arith.constant 12 : i32
      %swap3A_1045 = arith.index_cast %swap3A_1044 : i32 to index
      %swap3A_1046 = arith.index_cast %shift_right_arithmetic3A_938 : i32 to index
      %swap3A_1047 = arith.index_cast %mul3A_1043 : i32 to index
      %swap3A_1048 = tpu.vector_load %arg13[%swap3A_1045, %swap3A_1046, %swap3A_1047] {strides = array<i32>} : memref<32x4x128xf32, #tpu.memory_space<vmem>>, vector<16xf32>,
      tpu.vector_store %arg13[%swap3A_1045, %swap3A_1046, %swap3A_1047], %gather3A_1041 {strides = array<i32>} : memref<32x4x128xf32, #tpu.memory_space<vmem>>, vector<16xf32>,
      %gather3A_1049 = tpu.vector_load_idx %arg12[%add3A_944, %add3A_292] : memref<512x32xf32, #tpu.memory_space<vmem>>[vector<16xi32>, vector<16xi32>], vector<16xf32>,
      %mul3A_1050 = arith.constant 16 : i32
      %mul3A_1051 = arith.muli %and3A_940, %mul3A_1050 : i32
      %swap3A_1052 = arith.constant 13 : i32
      %swap3A_1053 = arith.index_cast %swap3A_1052 : i32 to index
      %swap3A_1054 = arith.index_cast %shift_right_arithmetic3A_938 : i32 to index
      %swap3A_1055 = arith.index_cast %mul3A_1051 : i32 to index
      %swap3A_1056 = tpu.vector_load %arg13[%swap3A_1053, %swap3A_1054, %swap3A_1055] {strides = array<i32>} : memref<32x4x128xf32, #tpu.memory_space<vmem>>, vector<16xf32>,
      tpu.vector_store %arg13[%swap3A_1053, %swap3A_1054, %swap3A_1055], %gather3A_1049 {strides = array<i32>} : memref<32x4x128xf32, #tpu.memory_space<vmem>>, vector<16xf32>,
      %gather3A_1057 = tpu.vector_load_idx %arg12[%add3A_944, %add3A_298] : memref<512x32xf32, #tpu.memory_space<vmem>>[vector<16xi32>, vector<16xi32>], vector<16xf32>,
      %mul3A_1058 = arith.constant 16 : i32
      %mul3A_1059 = arith.muli %and3A_940, %mul3A_1058 : i32
      %swap3A_1060 = arith.constant 14 : i32
      %swap3A_1061 = arith.index_cast %swap3A_1060 : i32 to index
      %swap3A_1062 = arith.index_cast %shift_right_arithmetic3A_938 : i32 to index
      %swap3A_1063 = arith.index_cast %mul3A_1059 : i32 to index
      %swap3A_1064 = tpu.vector_load %arg13[%swap3A_1061, %swap3A_1062, %swap3A_1063] {strides = array<i32>} : memref<32x4x128xf32, #tpu.memory_space<vmem>>, vector<16xf32>,
      tpu.vector_store %arg13[%swap3A_1061, %swap3A_1062, %swap3A_1063], %gather3A_1057 {strides = array<i32>} : memref<32x4x128xf32, #tpu.memory_space<vmem>>, vector<16xf32>,
      %gather3A_1065 = tpu.vector_load_idx %arg12[%add3A_944, %add3A_304] : memref<512x32xf32, #tpu.memory_space<vmem>>[vector<16xi32>, vector<16xi32>], vector<16xf32>,
      %mul3A_1066 = arith.constant 16 : i32
      %mul3A_1067 = arith.muli %and3A_940, %mul3A_1066 : i32
      %swap3A_1068 = arith.constant 15 : i32
      %swap3A_1069 = arith.index_cast %swap3A_1068 : i32 to index
      %swap3A_1070 = arith.index_cast %shift_right_arithmetic3A_938 : i32 to index
      %swap3A_1071 = arith.index_cast %mul3A_1067 : i32 to index
      %swap3A_1072 = tpu.vector_load %arg13[%swap3A_1069, %swap3A_1070, %swap3A_1071] {strides = array<i32>} : memref<32x4x128xf32, #tpu.memory_space<vmem>>, vector<16xf32>,
      tpu.vector_store %arg13[%swap3A_1069, %swap3A_1070, %swap3A_1071], %gather3A_1065 {strides = array<i32>} : memref<32x4x128xf32, #tpu.memory_space<vmem>>, vector<16xf32>,
      %gather3A_1073 = tpu.vector_load_idx %arg12[%add3A_944, %add3A_310] : memref<512x32xf32, #tpu.memory_space<vmem>>[vector<16xi32>, vector<16xi32>], vector<16xf32>,
      %mul3A_1074 = arith.constant 16 : i32
      %mul3A_1075 = arith.muli %and3A_940, %mul3A_1074 : i32
      %swap3A_1076 = arith.constant 16 : i32
      %swap3A_1077 = arith.index_cast %swap3A_1076 : i32 to index
      %swap3A_1078 = arith.index_cast %shift_right_arithmetic3A_938 : i32 to index
      %swap3A_1079 = arith.index_cast %mul3A_1075 : i32 to index
      %swap3A_1080 = tpu.vector_load %arg13[%swap3A_1077, %swap3A_1078, %swap3A_1079] {strides = array<i32>} : memref<32x4x128xf32, #tpu.memory_space<vmem>>, vector<16xf32>,
      tpu.vector_store %arg13[%swap3A_1077, %swap3A_1078, %swap3A_1079], %gather3A_1073 {strides = array<i32>} : memref<32x4x128xf32, #tpu.memory_space<vmem>>, vector<16xf32>,
      %gather3A_1081 = tpu.vector_load_idx %arg12[%add3A_944, %add3A_316] : memref<512x32xf32, #tpu.memory_space<vmem>>[vector<16xi32>, vector<16xi32>], vector<16xf32>,
      %mul3A_1082 = arith.constant 16 : i32
      %mul3A_1083 = arith.muli %and3A_940, %mul3A_1082 : i32
      %swap3A_1084 = arith.constant 17 : i32
      %swap3A_1085 = arith.index_cast %swap3A_1084 : i32 to index
      %swap3A_1086 = arith.index_cast %shift_right_arithmetic3A_938 : i32 to index
      %swap3A_1087 = arith.index_cast %mul3A_1083 : i32 to index
      %swap3A_1088 = tpu.vector_load %arg13[%swap3A_1085, %swap3A_1086, %swap3A_1087] {strides = array<i32>} : memref<32x4x128xf32, #tpu.memory_space<vmem>>, vector<16xf32>,
      tpu.vector_store %arg13[%swap3A_1085, %swap3A_1086, %swap3A_1087], %gather3A_1081 {strides = array<i32>} : memref<32x4x128xf32, #tpu.memory_space<vmem>>, vector<16xf32>,
      %gather3A_1089 = tpu.vector_load_idx %arg12[%add3A_944, %add3A_322] : memref<512x32xf32, #tpu.memory_space<vmem>>[vector<16xi32>, vector<16xi32>], vector<16xf32>,
      %mul3A_1090 = arith.constant 16 : i32
      %mul3A_1091 = arith.muli %and3A_940, %mul3A_1090 : i32
      %swap3A_1092 = arith.constant 18 : i32
      %swap3A_1093 = arith.index_cast %swap3A_1092 : i32 to index
      %swap3A_1094 = arith.index_cast %shift_right_arithmetic3A_938 : i32 to index
      %swap3A_1095 = arith.index_cast %mul3A_1091 : i32 to index
      %swap3A_1096 = tpu.vector_load %arg13[%swap3A_1093, %swap3A_1094, %swap3A_1095] {strides = array<i32>} : memref<32x4x128xf32, #tpu.memory_space<vmem>>, vector<16xf32>,
      tpu.vector_store %arg13[%swap3A_1093, %swap3A_1094, %swap3A_1095], %gather3A_1089 {strides = array<i32>} : memref<32x4x128xf32, #tpu.memory_space<vmem>>, vector<16xf32>,
      %gather3A_1097 = tpu.vector_load_idx %arg12[%add3A_944, %add3A_328] : memref<512x32xf32, #tpu.memory_space<vmem>>[vector<16xi32>, vector<16xi32>], vector<16xf32>,
      %mul3A_1098 = arith.constant 16 : i32
      %mul3A_1099 = arith.muli %and3A_940, %mul3A_1098 : i32
      %swap3A_1100 = arith.constant 19 : i32
      %swap3A_1101 = arith.index_cast %swap3A_1100 : i32 to index
      %swap3A_1102 = arith.index_cast %shift_right_arithmetic3A_938 : i32 to index
      %swap3A_1103 = arith.index_cast %mul3A_1099 : i32 to index
      %swap3A_1104 = tpu.vector_load %arg13[%swap3A_1101, %swap3A_1102, %swap3A_1103] {strides = array<i32>} : memref<32x4x128xf32, #tpu.memory_space<vmem>>, vector<16xf32>,
      tpu.vector_store %arg13[%swap3A_1101, %swap3A_1102, %swap3A_1103], %gather3A_1097 {strides = array<i32>} : memref<32x4x128xf32, #tpu.memory_space<vmem>>, vector<16xf32>,
      %gather3A_1105 = tpu.vector_load_idx %arg12[%add3A_944, %add3A_334] : memref<512x32xf32, #tpu.memory_space<vmem>>[vector<16xi32>, vector<16xi32>], vector<16xf32>,
      %mul3A_1106 = arith.constant 16 : i32
      %mul3A_1107 = arith.muli %and3A_940, %mul3A_1106 : i32
      %swap3A_1108 = arith.constant 20 : i32
      %swap3A_1109 = arith.index_cast %swap3A_1108 : i32 to index
      %swap3A_1110 = arith.index_cast %shift_right_arithmetic3A_938 : i32 to index
      %swap3A_1111 = arith.index_cast %mul3A_1107 : i32 to index
      %swap3A_1112 = tpu.vector_load %arg13[%swap3A_1109, %swap3A_1110, %swap3A_1111] {strides = array<i32>} : memref<32x4x128xf32, #tpu.memory_space<vmem>>, vector<16xf32>,
      tpu.vector_store %arg13[%swap3A_1109, %swap3A_1110, %swap3A_1111], %gather3A_1105 {strides = array<i32>} : memref<32x4x128xf32, #tpu.memory_space<vmem>>, vector<16xf32>,
      %gather3A_1113 = tpu.vector_load_idx %arg12[%add3A_944, %add3A_340] : memref<512x32xf32, #tpu.memory_space<vmem>>[vector<16xi32>, vector<16xi32>], vector<16xf32>,
      %mul3A_1114 = arith.constant 16 : i32
      %mul3A_1115 = arith.muli %and3A_940, %mul3A_1114 : i32
      %swap3A_1116 = arith.constant 21 : i32
      %swap3A_1117 = arith.index_cast %swap3A_1116 : i32 to index
      %swap3A_1118 = arith.index_cast %shift_right_arithmetic3A_938 : i32 to index
      %swap3A_1119 = arith.index_cast %mul3A_1115 : i32 to index
      %swap3A_1120 = tpu.vector_load %arg13[%swap3A_1117, %swap3A_1118, %swap3A_1119] {strides = array<i32>} : memref<32x4x128xf32, #tpu.memory_space<vmem>>, vector<16xf32>,
      tpu.vector_store %arg13[%swap3A_1117, %swap3A_1118, %swap3A_1119], %gather3A_1113 {strides = array<i32>} : memref<32x4x128xf32, #tpu.memory_space<vmem>>, vector<16xf32>,
      %gather3A_1121 = tpu.vector_load_idx %arg12[%add3A_944, %add3A_346] : memref<512x32xf32, #tpu.memory_space<vmem>>[vector<16xi32>, vector<16xi32>], vector<16xf32>,
      %mul3A_1122 = arith.constant 16 : i32
      %mul3A_1123 = arith.muli %and3A_940, %mul3A_1122 : i32
      %swap3A_1124 = arith.constant 22 : i32
      %swap3A_1125 = arith.index_cast %swap3A_1124 : i32 to index
      %swap3A_1126 = arith.index_cast %shift_right_arithmetic3A_938 : i32 to index
      %swap3A_1127 = arith.index_cast %mul3A_1123 : i32 to index
      %swap3A_1128 = tpu.vector_load %arg13[%swap3A_1125, %swap3A_1126, %swap3A_1127] {strides = array<i32>} : memref<32x4x128xf32, #tpu.memory_space<vmem>>, vector<16xf32>,
      tpu.vector_store %arg13[%swap3A_1125, %swap3A_1126, %swap3A_1127], %gather3A_1121 {strides = array<i32>} : memref<32x4x128xf32, #tpu.memory_space<vmem>>, vector<16xf32>,
      %gather3A_1129 = tpu.vector_load_idx %arg12[%add3A_944, %add3A_352] : memref<512x32xf32, #tpu.memory_space<vmem>>[vector<16xi32>, vector<16xi32>], vector<16xf32>,
      %mul3A_1130 = arith.constant 16 : i32
      %mul3A_1131 = arith.muli %and3A_940, %mul3A_1130 : i32
      %swap3A_1132 = arith.constant 23 : i32
      %swap3A_1133 = arith.index_cast %swap3A_1132 : i32 to index
      %swap3A_1134 = arith.index_cast %shift_right_arithmetic3A_938 : i32 to index
      %swap3A_1135 = arith.index_cast %mul3A_1131 : i32 to index
      %swap3A_1136 = tpu.vector_load %arg13[%swap3A_1133, %swap3A_1134, %swap3A_1135] {strides = array<i32>} : memref<32x4x128xf32, #tpu.memory_space<vmem>>, vector<16xf32>,
      tpu.vector_store %arg13[%swap3A_1133, %swap3A_1134, %swap3A_1135], %gather3A_1129 {strides = array<i32>} : memref<32x4x128xf32, #tpu.memory_space<vmem>>, vector<16xf32>,
      %gather3A_1137 = tpu.vector_load_idx %arg12[%add3A_944, %add3A_358] : memref<512x32xf32, #tpu.memory_space<vmem>>[vector<16xi32>, vector<16xi32>], vector<16xf32>,
      %mul3A_1138 = arith.constant 16 : i32
      %mul3A_1139 = arith.muli %and3A_940, %mul3A_1138 : i32
      %swap3A_1140 = arith.constant 24 : i32
      %swap3A_1141 = arith.index_cast %swap3A_1140 : i32 to index
      %swap3A_1142 = arith.index_cast %shift_right_arithmetic3A_938 : i32 to index
      %swap3A_1143 = arith.index_cast %mul3A_1139 : i32 to index
      %swap3A_1144 = tpu.vector_load %arg13[%swap3A_1141, %swap3A_1142, %swap3A_1143] {strides = array<i32>} : memref<32x4x128xf32, #tpu.memory_space<vmem>>, vector<16xf32>,
      tpu.vector_store %arg13[%swap3A_1141, %swap3A_1142, %swap3A_1143], %gather3A_1137 {strides = array<i32>} : memref<32x4x128xf32, #tpu.memory_space<vmem>>, vector<16xf32>,
      %gather3A_1145 = tpu.vector_load_idx %arg12[%add3A_944, %add3A_364] : memref<512x32xf32, #tpu.memory_space<vmem>>[vector<16xi32>, vector<16xi32>], vector<16xf32>,
      %mul3A_1146 = arith.constant 16 : i32
      %mul3A_1147 = arith.muli %and3A_940, %mul3A_1146 : i32
      %swap3A_1148 = arith.constant 25 : i32
      %swap3A_1149 = arith.index_cast %swap3A_1148 : i32 to index
      %swap3A_1150 = arith.index_cast %shift_right_arithmetic3A_938 : i32 to index
      %swap3A_1151 = arith.index_cast %mul3A_1147 : i32 to index
      %swap3A_1152 = tpu.vector_load %arg13[%swap3A_1149, %swap3A_1150, %swap3A_1151] {strides = array<i32>} : memref<32x4x128xf32, #tpu.memory_space<vmem>>, vector<16xf32>,
      tpu.vector_store %arg13[%swap3A_1149, %swap3A_1150, %swap3A_1151], %gather3A_1145 {strides = array<i32>} : memref<32x4x128xf32, #tpu.memory_space<vmem>>, vector<16xf32>,
      %gather3A_1153 = tpu.vector_load_idx %arg12[%add3A_944, %add3A_370] : memref<512x32xf32, #tpu.memory_space<vmem>>[vector<16xi32>, vector<16xi32>], vector<16xf32>,
      %mul3A_1154 = arith.constant 16 : i32
      %mul3A_1155 = arith.muli %and3A_940, %mul3A_1154 : i32
      %swap3A_1156 = arith.constant 26 : i32
      %swap3A_1157 = arith.index_cast %swap3A_1156 : i32 to index
      %swap3A_1158 = arith.index_cast %shift_right_arithmetic3A_938 : i32 to index
      %swap3A_1159 = arith.index_cast %mul3A_1155 : i32 to index
      %swap3A_1160 = tpu.vector_load %arg13[%swap3A_1157, %swap3A_1158, %swap3A_1159] {strides = array<i32>} : memref<32x4x128xf32, #tpu.memory_space<vmem>>, vector<16xf32>,
      tpu.vector_store %arg13[%swap3A_1157, %swap3A_1158, %swap3A_1159], %gather3A_1153 {strides = array<i32>} : memref<32x4x128xf32, #tpu.memory_space<vmem>>, vector<16xf32>,
      %gather3A_1161 = tpu.vector_load_idx %arg12[%add3A_944, %add3A_376] : memref<512x32xf32, #tpu.memory_space<vmem>>[vector<16xi32>, vector<16xi32>], vector<16xf32>,
      %mul3A_1162 = arith.constant 16 : i32
      %mul3A_1163 = arith.muli %and3A_940, %mul3A_1162 : i32
      %swap3A_1164 = arith.constant 27 : i32
      %swap3A_1165 = arith.index_cast %swap3A_1164 : i32 to index
      %swap3A_1166 = arith.index_cast %shift_right_arithmetic3A_938 : i32 to index
      %swap3A_1167 = arith.index_cast %mul3A_1163 : i32 to index
      %swap3A_1168 = tpu.vector_load %arg13[%swap3A_1165, %swap3A_1166, %swap3A_1167] {strides = array<i32>} : memref<32x4x128xf32, #tpu.memory_space<vmem>>, vector<16xf32>,
      tpu.vector_store %arg13[%swap3A_1165, %swap3A_1166, %swap3A_1167], %gather3A_1161 {strides = array<i32>} : memref<32x4x128xf32, #tpu.memory_space<vmem>>, vector<16xf32>,
      %gather3A_1169 = tpu.vector_load_idx %arg12[%add3A_944, %add3A_382] : memref<512x32xf32, #tpu.memory_space<vmem>>[vector<16xi32>, vector<16xi32>], vector<16xf32>,
      %mul3A_1170 = arith.constant 16 : i32
      %mul3A_1171 = arith.muli %and3A_940, %mul3A_1170 : i32
      %swap3A_1172 = arith.constant 28 : i32
      %swap3A_1173 = arith.index_cast %swap3A_1172 : i32 to index
      %swap3A_1174 = arith.index_cast %shift_right_arithmetic3A_938 : i32 to index
      %swap3A_1175 = arith.index_cast %mul3A_1171 : i32 to index
      %swap3A_1176 = tpu.vector_load %arg13[%swap3A_1173, %swap3A_1174, %swap3A_1175] {strides = array<i32>} : memref<32x4x128xf32, #tpu.memory_space<vmem>>, vector<16xf32>,
      tpu.vector_store %arg13[%swap3A_1173, %swap3A_1174, %swap3A_1175], %gather3A_1169 {strides = array<i32>} : memref<32x4x128xf32, #tpu.memory_space<vmem>>, vector<16xf32>,
      %gather3A_1177 = tpu.vector_load_idx %arg12[%add3A_944, %add3A_388] : memref<512x32xf32, #tpu.memory_space<vmem>>[vector<16xi32>, vector<16xi32>], vector<16xf32>,
      %mul3A_1178 = arith.constant 16 : i32
      %mul3A_1179 = arith.muli %and3A_940, %mul3A_1178 : i32
      %swap3A_1180 = arith.constant 29 : i32
      %swap3A_1181 = arith.index_cast %swap3A_1180 : i32 to index
      %swap3A_1182 = arith.index_cast %shift_right_arithmetic3A_938 : i32 to index
      %swap3A_1183 = arith.index_cast %mul3A_1179 : i32 to index
      %swap3A_1184 = tpu.vector_load %arg13[%swap3A_1181, %swap3A_1182, %swap3A_1183] {strides = array<i32>} : memref<32x4x128xf32, #tpu.memory_space<vmem>>, vector<16xf32>,
      tpu.vector_store %arg13[%swap3A_1181, %swap3A_1182, %swap3A_1183], %gather3A_1177 {strides = array<i32>} : memref<32x4x128xf32, #tpu.memory_space<vmem>>, vector<16xf32>,
      %gather3A_1185 = tpu.vector_load_idx %arg12[%add3A_944, %add3A_394] : memref<512x32xf32, #tpu.memory_space<vmem>>[vector<16xi32>, vector<16xi32>], vector<16xf32>,
      %mul3A_1186 = arith.constant 16 : i32
      %mul3A_1187 = arith.muli %and3A_940, %mul3A_1186 : i32
      %swap3A_1188 = arith.constant 30 : i32
      %swap3A_1189 = arith.index_cast %swap3A_1188 : i32 to index
      %swap3A_1190 = arith.index_cast %shift_right_arithmetic3A_938 : i32 to index
      %swap3A_1191 = arith.index_cast %mul3A_1187 : i32 to index
      %swap3A_1192 = tpu.vector_load %arg13[%swap3A_1189, %swap3A_1190, %swap3A_1191] {strides = array<i32>} : memref<32x4x128xf32, #tpu.memory_space<vmem>>, vector<16xf32>,
      tpu.vector_store %arg13[%swap3A_1189, %swap3A_1190, %swap3A_1191], %gather3A_1185 {strides = array<i32>} : memref<32x4x128xf32, #tpu.memory_space<vmem>>, vector<16xf32>,
      %gather3A_1193 = tpu.vector_load_idx %arg12[%add3A_944, %add3A_400] : memref<512x32xf32, #tpu.memory_space<vmem>>[vector<16xi32>, vector<16xi32>], vector<16xf32>,
      %mul3A_1194 = arith.constant 16 : i32
      %mul3A_1195 = arith.muli %and3A_940, %mul3A_1194 : i32
      %swap3A_1196 = arith.constant 31 : i32
      %swap3A_1197 = arith.index_cast %swap3A_1196 : i32 to index
      %swap3A_1198 = arith.index_cast %shift_right_arithmetic3A_938 : i32 to index
      %swap3A_1199 = arith.index_cast %mul3A_1195 : i32 to index
      %swap3A_1200 = tpu.vector_load %arg13[%swap3A_1197, %swap3A_1198, %swap3A_1199] {strides = array<i32>} : memref<32x4x128xf32, #tpu.memory_space<vmem>>, vector<16xf32>,
      tpu.vector_store %arg13[%swap3A_1197, %swap3A_1198, %swap3A_1199], %gather3A_1193 {strides = array<i32>} : memref<32x4x128xf32, #tpu.memory_space<vmem>>, vector<16xf32>,
      %scan3A_1201 = arith.constant 3 : i32
      %scan3A_1202 = arith.addi %scan3A_408, %scan3A_1201 : i32
      %shift_right_arithmetic3A_1203 = arith.constant 3 : i32
      %shift_right_arithmetic3A_1204 = arith.shrsi %scan3A_1202, %shift_right_arithmetic3A_1203 : i32
      %and3A_1205 = arith.constant 7 : i32
      %and3A_1206 = arith.andi %scan3A_1202, %and3A_1205 : i32
      %mul3A_1207 = arith.constant 16 : i32
      %mul3A_1208 = arith.muli %scan3A_1202, %mul3A_1207 : i32
      %add3A_1209 = vector.broadcast %mul3A_1208 : i32 to vector<16xi32>
      %add3A_1210 = arith.addi %add3A_1209, %iota3A : vector<16xi32>
      %gather3A_1211 = tpu.vector_load_idx %arg12[%add3A_1210, %add3A_214] : memref<512x32xf32, #tpu.memory_space<vmem>>[vector<16xi32>, vector<16xi32>], vector<16xf32>,
      %mul3A_1212 = arith.constant 16 : i32
      %mul3A_1213 = arith.muli %and3A_1206, %mul3A_1212 : i32
      %swap3A_1214 = arith.constant 0 : i32
      %swap3A_1215 = arith.index_cast %swap3A_1214 : i32 to index
      %swap3A_1216 = arith.index_cast %shift_right_arithmetic3A_1204 : i32 to index
      %swap3A_1217 = arith.index_cast %mul3A_1213 : i32 to index
      %swap3A_1218 = tpu.vector_load %arg13[%swap3A_1215, %swap3A_1216, %swap3A_1217] {strides = array<i32>} : memref<32x4x128xf32, #tpu.memory_space<vmem>>, vector<16xf32>,
      tpu.vector_store %arg13[%swap3A_1215, %swap3A_1216, %swap3A_1217], %gather3A_1211 {strides = array<i32>} : memref<32x4x128xf32, #tpu.memory_space<vmem>>, vector<16xf32>,
      %gather3A_1219 = tpu.vector_load_idx %arg12[%add3A_1210, %add3A_220] : memref<512x32xf32, #tpu.memory_space<vmem>>[vector<16xi32>, vector<16xi32>], vector<16xf32>,
      %mul3A_1220 = arith.constant 16 : i32
      %mul3A_1221 = arith.muli %and3A_1206, %mul3A_1220 : i32
      %swap3A_1222 = arith.constant 1 : i32
      %swap3A_1223 = arith.index_cast %swap3A_1222 : i32 to index
      %swap3A_1224 = arith.index_cast %shift_right_arithmetic3A_1204 : i32 to index
      %swap3A_1225 = arith.index_cast %mul3A_1221 : i32 to index
      %swap3A_1226 = tpu.vector_load %arg13[%swap3A_1223, %swap3A_1224, %swap3A_1225] {strides = array<i32>} : memref<32x4x128xf32, #tpu.memory_space<vmem>>, vector<16xf32>,
      tpu.vector_store %arg13[%swap3A_1223, %swap3A_1224, %swap3A_1225], %gather3A_1219 {strides = array<i32>} : memref<32x4x128xf32, #tpu.memory_space<vmem>>, vector<16xf32>,
      %gather3A_1227 = tpu.vector_load_idx %arg12[%add3A_1210, %add3A_226] : memref<512x32xf32, #tpu.memory_space<vmem>>[vector<16xi32>, vector<16xi32>], vector<16xf32>,
      %mul3A_1228 = arith.constant 16 : i32
      %mul3A_1229 = arith.muli %and3A_1206, %mul3A_1228 : i32
      %swap3A_1230 = arith.constant 2 : i32
      %swap3A_1231 = arith.index_cast %swap3A_1230 : i32 to index
      %swap3A_1232 = arith.index_cast %shift_right_arithmetic3A_1204 : i32 to index
      %swap3A_1233 = arith.index_cast %mul3A_1229 : i32 to index
      %swap3A_1234 = tpu.vector_load %arg13[%swap3A_1231, %swap3A_1232, %swap3A_1233] {strides = array<i32>} : memref<32x4x128xf32, #tpu.memory_space<vmem>>, vector<16xf32>,
      tpu.vector_store %arg13[%swap3A_1231, %swap3A_1232, %swap3A_1233], %gather3A_1227 {strides = array<i32>} : memref<32x4x128xf32, #tpu.memory_space<vmem>>, vector<16xf32>,
      %gather3A_1235 = tpu.vector_load_idx %arg12[%add3A_1210, %add3A_232] : memref<512x32xf32, #tpu.memory_space<vmem>>[vector<16xi32>, vector<16xi32>], vector<16xf32>,
      %mul3A_1236 = arith.constant 16 : i32
      %mul3A_1237 = arith.muli %and3A_1206, %mul3A_1236 : i32
      %swap3A_1238 = arith.constant 3 : i32
      %swap3A_1239 = arith.index_cast %swap3A_1238 : i32 to index
      %swap3A_1240 = arith.index_cast %shift_right_arithmetic3A_1204 : i32 to index
      %swap3A_1241 = arith.index_cast %mul3A_1237 : i32 to index
      %swap3A_1242 = tpu.vector_load %arg13[%swap3A_1239, %swap3A_1240, %swap3A_1241] {strides = array<i32>} : memref<32x4x128xf32, #tpu.memory_space<vmem>>, vector<16xf32>,
      tpu.vector_store %arg13[%swap3A_1239, %swap3A_1240, %swap3A_1241], %gather3A_1235 {strides = array<i32>} : memref<32x4x128xf32, #tpu.memory_space<vmem>>, vector<16xf32>,
      %gather3A_1243 = tpu.vector_load_idx %arg12[%add3A_1210, %add3A_238] : memref<512x32xf32, #tpu.memory_space<vmem>>[vector<16xi32>, vector<16xi32>], vector<16xf32>,
      %mul3A_1244 = arith.constant 16 : i32
      %mul3A_1245 = arith.muli %and3A_1206, %mul3A_1244 : i32
      %swap3A_1246 = arith.constant 4 : i32
      %swap3A_1247 = arith.index_cast %swap3A_1246 : i32 to index
      %swap3A_1248 = arith.index_cast %shift_right_arithmetic3A_1204 : i32 to index
      %swap3A_1249 = arith.index_cast %mul3A_1245 : i32 to index
      %swap3A_1250 = tpu.vector_load %arg13[%swap3A_1247, %swap3A_1248, %swap3A_1249] {strides = array<i32>} : memref<32x4x128xf32, #tpu.memory_space<vmem>>, vector<16xf32>,
      tpu.vector_store %arg13[%swap3A_1247, %swap3A_1248, %swap3A_1249], %gather3A_1243 {strides = array<i32>} : memref<32x4x128xf32, #tpu.memory_space<vmem>>, vector<16xf32>,
      %gather3A_1251 = tpu.vector_load_idx %arg12[%add3A_1210, %add3A_244] : memref<512x32xf32, #tpu.memory_space<vmem>>[vector<16xi32>, vector<16xi32>], vector<16xf32>,
      %mul3A_1252 = arith.constant 16 : i32
      %mul3A_1253 = arith.muli %and3A_1206, %mul3A_1252 : i32
      %swap3A_1254 = arith.constant 5 : i32
      %swap3A_1255 = arith.index_cast %swap3A_1254 : i32 to index
      %swap3A_1256 = arith.index_cast %shift_right_arithmetic3A_1204 : i32 to index
      %swap3A_1257 = arith.index_cast %mul3A_1253 : i32 to index
      %swap3A_1258 = tpu.vector_load %arg13[%swap3A_1255, %swap3A_1256, %swap3A_1257] {strides = array<i32>} : memref<32x4x128xf32, #tpu.memory_space<vmem>>, vector<16xf32>,
      tpu.vector_store %arg13[%swap3A_1255, %swap3A_1256, %swap3A_1257], %gather3A_1251 {strides = array<i32>} : memref<32x4x128xf32, #tpu.memory_space<vmem>>, vector<16xf32>,
      %gather3A_1259 = tpu.vector_load_idx %arg12[%add3A_1210, %add3A_250] : memref<512x32xf32, #tpu.memory_space<vmem>>[vector<16xi32>, vector<16xi32>], vector<16xf32>,
      %mul3A_1260 = arith.constant 16 : i32
      %mul3A_1261 = arith.muli %and3A_1206, %mul3A_1260 : i32
      %swap3A_1262 = arith.constant 6 : i32
      %swap3A_1263 = arith.index_cast %swap3A_1262 : i32 to index
      %swap3A_1264 = arith.index_cast %shift_right_arithmetic3A_1204 : i32 to index
      %swap3A_1265 = arith.index_cast %mul3A_1261 : i32 to index
      %swap3A_1266 = tpu.vector_load %arg13[%swap3A_1263, %swap3A_1264, %swap3A_1265] {strides = array<i32>} : memref<32x4x128xf32, #tpu.memory_space<vmem>>, vector<16xf32>,
      tpu.vector_store %arg13[%swap3A_1263, %swap3A_1264, %swap3A_1265], %gather3A_1259 {strides = array<i32>} : memref<32x4x128xf32, #tpu.memory_space<vmem>>, vector<16xf32>,
      %gather3A_1267 = tpu.vector_load_idx %arg12[%add3A_1210, %add3A_256] : memref<512x32xf32, #tpu.memory_space<vmem>>[vector<16xi32>, vector<16xi32>], vector<16xf32>,
      %mul3A_1268 = arith.constant 16 : i32
      %mul3A_1269 = arith.muli %and3A_1206, %mul3A_1268 : i32
      %swap3A_1270 = arith.constant 7 : i32
      %swap3A_1271 = arith.index_cast %swap3A_1270 : i32 to index
      %swap3A_1272 = arith.index_cast %shift_right_arithmetic3A_1204 : i32 to index
      %swap3A_1273 = arith.index_cast %mul3A_1269 : i32 to index
      %swap3A_1274 = tpu.vector_load %arg13[%swap3A_1271, %swap3A_1272, %swap3A_1273] {strides = array<i32>} : memref<32x4x128xf32, #tpu.memory_space<vmem>>, vector<16xf32>,
      tpu.vector_store %arg13[%swap3A_1271, %swap3A_1272, %swap3A_1273], %gather3A_1267 {strides = array<i32>} : memref<32x4x128xf32, #tpu.memory_space<vmem>>, vector<16xf32>,
      %gather3A_1275 = tpu.vector_load_idx %arg12[%add3A_1210, %add3A_262] : memref<512x32xf32, #tpu.memory_space<vmem>>[vector<16xi32>, vector<16xi32>], vector<16xf32>,
      %mul3A_1276 = arith.constant 16 : i32
      %mul3A_1277 = arith.muli %and3A_1206, %mul3A_1276 : i32
      %swap3A_1278 = arith.constant 8 : i32
      %swap3A_1279 = arith.index_cast %swap3A_1278 : i32 to index
      %swap3A_1280 = arith.index_cast %shift_right_arithmetic3A_1204 : i32 to index
      %swap3A_1281 = arith.index_cast %mul3A_1277 : i32 to index
      %swap3A_1282 = tpu.vector_load %arg13[%swap3A_1279, %swap3A_1280, %swap3A_1281] {strides = array<i32>} : memref<32x4x128xf32, #tpu.memory_space<vmem>>, vector<16xf32>,
      tpu.vector_store %arg13[%swap3A_1279, %swap3A_1280, %swap3A_1281], %gather3A_1275 {strides = array<i32>} : memref<32x4x128xf32, #tpu.memory_space<vmem>>, vector<16xf32>,
      %gather3A_1283 = tpu.vector_load_idx %arg12[%add3A_1210, %add3A_268] : memref<512x32xf32, #tpu.memory_space<vmem>>[vector<16xi32>, vector<16xi32>], vector<16xf32>,
      %mul3A_1284 = arith.constant 16 : i32
      %mul3A_1285 = arith.muli %and3A_1206, %mul3A_1284 : i32
      %swap3A_1286 = arith.constant 9 : i32
      %swap3A_1287 = arith.index_cast %swap3A_1286 : i32 to index
      %swap3A_1288 = arith.index_cast %shift_right_arithmetic3A_1204 : i32 to index
      %swap3A_1289 = arith.index_cast %mul3A_1285 : i32 to index
      %swap3A_1290 = tpu.vector_load %arg13[%swap3A_1287, %swap3A_1288, %swap3A_1289] {strides = array<i32>} : memref<32x4x128xf32, #tpu.memory_space<vmem>>, vector<16xf32>,
      tpu.vector_store %arg13[%swap3A_1287, %swap3A_1288, %swap3A_1289], %gather3A_1283 {strides = array<i32>} : memref<32x4x128xf32, #tpu.memory_space<vmem>>, vector<16xf32>,
      %gather3A_1291 = tpu.vector_load_idx %arg12[%add3A_1210, %add3A_274] : memref<512x32xf32, #tpu.memory_space<vmem>>[vector<16xi32>, vector<16xi32>], vector<16xf32>,
      %mul3A_1292 = arith.constant 16 : i32
      %mul3A_1293 = arith.muli %and3A_1206, %mul3A_1292 : i32
      %swap3A_1294 = arith.constant 10 : i32
      %swap3A_1295 = arith.index_cast %swap3A_1294 : i32 to index
      %swap3A_1296 = arith.index_cast %shift_right_arithmetic3A_1204 : i32 to index
      %swap3A_1297 = arith.index_cast %mul3A_1293 : i32 to index
      %swap3A_1298 = tpu.vector_load %arg13[%swap3A_1295, %swap3A_1296, %swap3A_1297] {strides = array<i32>} : memref<32x4x128xf32, #tpu.memory_space<vmem>>, vector<16xf32>,
      tpu.vector_store %arg13[%swap3A_1295, %swap3A_1296, %swap3A_1297], %gather3A_1291 {strides = array<i32>} : memref<32x4x128xf32, #tpu.memory_space<vmem>>, vector<16xf32>,
      %gather3A_1299 = tpu.vector_load_idx %arg12[%add3A_1210, %add3A_280] : memref<512x32xf32, #tpu.memory_space<vmem>>[vector<16xi32>, vector<16xi32>], vector<16xf32>,
      %mul3A_1300 = arith.constant 16 : i32
      %mul3A_1301 = arith.muli %and3A_1206, %mul3A_1300 : i32
      %swap3A_1302 = arith.constant 11 : i32
      %swap3A_1303 = arith.index_cast %swap3A_1302 : i32 to index
      %swap3A_1304 = arith.index_cast %shift_right_arithmetic3A_1204 : i32 to index
      %swap3A_1305 = arith.index_cast %mul3A_1301 : i32 to index
      %swap3A_1306 = tpu.vector_load %arg13[%swap3A_1303, %swap3A_1304, %swap3A_1305] {strides = array<i32>} : memref<32x4x128xf32, #tpu.memory_space<vmem>>, vector<16xf32>,
      tpu.vector_store %arg13[%swap3A_1303, %swap3A_1304, %swap3A_1305], %gather3A_1299 {strides = array<i32>} : memref<32x4x128xf32, #tpu.memory_space<vmem>>, vector<16xf32>,
      %gather3A_1307 = tpu.vector_load_idx %arg12[%add3A_1210, %add3A_286] : memref<512x32xf32, #tpu.memory_space<vmem>>[vector<16xi32>, vector<16xi32>], vector<16xf32>,
      %mul3A_1308 = arith.constant 16 : i32
      %mul3A_1309 = arith.muli %and3A_1206, %mul3A_1308 : i32
      %swap3A_1310 = arith.constant 12 : i32
      %swap3A_1311 = arith.index_cast %swap3A_1310 : i32 to index
      %swap3A_1312 = arith.index_cast %shift_right_arithmetic3A_1204 : i32 to index
      %swap3A_1313 = arith.index_cast %mul3A_1309 : i32 to index
      %swap3A_1314 = tpu.vector_load %arg13[%swap3A_1311, %swap3A_1312, %swap3A_1313] {strides = array<i32>} : memref<32x4x128xf32, #tpu.memory_space<vmem>>, vector<16xf32>,
      tpu.vector_store %arg13[%swap3A_1311, %swap3A_1312, %swap3A_1313], %gather3A_1307 {strides = array<i32>} : memref<32x4x128xf32, #tpu.memory_space<vmem>>, vector<16xf32>,
      %gather3A_1315 = tpu.vector_load_idx %arg12[%add3A_1210, %add3A_292] : memref<512x32xf32, #tpu.memory_space<vmem>>[vector<16xi32>, vector<16xi32>], vector<16xf32>,
      %mul3A_1316 = arith.constant 16 : i32
      %mul3A_1317 = arith.muli %and3A_1206, %mul3A_1316 : i32
      %swap3A_1318 = arith.constant 13 : i32
      %swap3A_1319 = arith.index_cast %swap3A_1318 : i32 to index
      %swap3A_1320 = arith.index_cast %shift_right_arithmetic3A_1204 : i32 to index
      %swap3A_1321 = arith.index_cast %mul3A_1317 : i32 to index
      %swap3A_1322 = tpu.vector_load %arg13[%swap3A_1319, %swap3A_1320, %swap3A_1321] {strides = array<i32>} : memref<32x4x128xf32, #tpu.memory_space<vmem>>, vector<16xf32>,
      tpu.vector_store %arg13[%swap3A_1319, %swap3A_1320, %swap3A_1321], %gather3A_1315 {strides = array<i32>} : memref<32x4x128xf32, #tpu.memory_space<vmem>>, vector<16xf32>,
      %gather3A_1323 = tpu.vector_load_idx %arg12[%add3A_1210, %add3A_298] : memref<512x32xf32, #tpu.memory_space<vmem>>[vector<16xi32>, vector<16xi32>], vector<16xf32>,
      %mul3A_1324 = arith.constant 16 : i32
      %mul3A_1325 = arith.muli %and3A_1206, %mul3A_1324 : i32
      %swap3A_1326 = arith.constant 14 : i32
      %swap3A_1327 = arith.index_cast %swap3A_1326 : i32 to index
      %swap3A_1328 = arith.index_cast %shift_right_arithmetic3A_1204 : i32 to index
      %swap3A_1329 = arith.index_cast %mul3A_1325 : i32 to index
      %swap3A_1330 = tpu.vector_load %arg13[%swap3A_1327, %swap3A_1328, %swap3A_1329] {strides = array<i32>} : memref<32x4x128xf32, #tpu.memory_space<vmem>>, vector<16xf32>,
      tpu.vector_store %arg13[%swap3A_1327, %swap3A_1328, %swap3A_1329], %gather3A_1323 {strides = array<i32>} : memref<32x4x128xf32, #tpu.memory_space<vmem>>, vector<16xf32>,
      %gather3A_1331 = tpu.vector_load_idx %arg12[%add3A_1210, %add3A_304] : memref<512x32xf32, #tpu.memory_space<vmem>>[vector<16xi32>, vector<16xi32>], vector<16xf32>,
      %mul3A_1332 = arith.constant 16 : i32
      %mul3A_1333 = arith.muli %and3A_1206, %mul3A_1332 : i32
      %swap3A_1334 = arith.constant 15 : i32
      %swap3A_1335 = arith.index_cast %swap3A_1334 : i32 to index
      %swap3A_1336 = arith.index_cast %shift_right_arithmetic3A_1204 : i32 to index
      %swap3A_1337 = arith.index_cast %mul3A_1333 : i32 to index
      %swap3A_1338 = tpu.vector_load %arg13[%swap3A_1335, %swap3A_1336, %swap3A_1337] {strides = array<i32>} : memref<32x4x128xf32, #tpu.memory_space<vmem>>, vector<16xf32>,
      tpu.vector_store %arg13[%swap3A_1335, %swap3A_1336, %swap3A_1337], %gather3A_1331 {strides = array<i32>} : memref<32x4x128xf32, #tpu.memory_space<vmem>>, vector<16xf32>,
      %gather3A_1339 = tpu.vector_load_idx %arg12[%add3A_1210, %add3A_310] : memref<512x32xf32, #tpu.memory_space<vmem>>[vector<16xi32>, vector<16xi32>], vector<16xf32>,
      %mul3A_1340 = arith.constant 16 : i32
      %mul3A_1341 = arith.muli %and3A_1206, %mul3A_1340 : i32
      %swap3A_1342 = arith.constant 16 : i32
      %swap3A_1343 = arith.index_cast %swap3A_1342 : i32 to index
      %swap3A_1344 = arith.index_cast %shift_right_arithmetic3A_1204 : i32 to index
      %swap3A_1345 = arith.index_cast %mul3A_1341 : i32 to index
      %swap3A_1346 = tpu.vector_load %arg13[%swap3A_1343, %swap3A_1344, %swap3A_1345] {strides = array<i32>} : memref<32x4x128xf32, #tpu.memory_space<vmem>>, vector<16xf32>,
      tpu.vector_store %arg13[%swap3A_1343, %swap3A_1344, %swap3A_1345], %gather3A_1339 {strides = array<i32>} : memref<32x4x128xf32, #tpu.memory_space<vmem>>, vector<16xf32>,
      %gather3A_1347 = tpu.vector_load_idx %arg12[%add3A_1210, %add3A_316] : memref<512x32xf32, #tpu.memory_space<vmem>>[vector<16xi32>, vector<16xi32>], vector<16xf32>,
      %mul3A_1348 = arith.constant 16 : i32
      %mul3A_1349 = arith.muli %and3A_1206, %mul3A_1348 : i32
      %swap3A_1350 = arith.constant 17 : i32
      %swap3A_1351 = arith.index_cast %swap3A_1350 : i32 to index
      %swap3A_1352 = arith.index_cast %shift_right_arithmetic3A_1204 : i32 to index
      %swap3A_1353 = arith.index_cast %mul3A_1349 : i32 to index
      %swap3A_1354 = tpu.vector_load %arg13[%swap3A_1351, %swap3A_1352, %swap3A_1353] {strides = array<i32>} : memref<32x4x128xf32, #tpu.memory_space<vmem>>, vector<16xf32>,
      tpu.vector_store %arg13[%swap3A_1351, %swap3A_1352, %swap3A_1353], %gather3A_1347 {strides = array<i32>} : memref<32x4x128xf32, #tpu.memory_space<vmem>>, vector<16xf32>,
      %gather3A_1355 = tpu.vector_load_idx %arg12[%add3A_1210, %add3A_322] : memref<512x32xf32, #tpu.memory_space<vmem>>[vector<16xi32>, vector<16xi32>], vector<16xf32>,
      %mul3A_1356 = arith.constant 16 : i32
      %mul3A_1357 = arith.muli %and3A_1206, %mul3A_1356 : i32
      %swap3A_1358 = arith.constant 18 : i32
      %swap3A_1359 = arith.index_cast %swap3A_1358 : i32 to index
      %swap3A_1360 = arith.index_cast %shift_right_arithmetic3A_1204 : i32 to index
      %swap3A_1361 = arith.index_cast %mul3A_1357 : i32 to index
      %swap3A_1362 = tpu.vector_load %arg13[%swap3A_1359, %swap3A_1360, %swap3A_1361] {strides = array<i32>} : memref<32x4x128xf32, #tpu.memory_space<vmem>>, vector<16xf32>,
      tpu.vector_store %arg13[%swap3A_1359, %swap3A_1360, %swap3A_1361], %gather3A_1355 {strides = array<i32>} : memref<32x4x128xf32, #tpu.memory_space<vmem>>, vector<16xf32>,
      %gather3A_1363 = tpu.vector_load_idx %arg12[%add3A_1210, %add3A_328] : memref<512x32xf32, #tpu.memory_space<vmem>>[vector<16xi32>, vector<16xi32>], vector<16xf32>,
      %mul3A_1364 = arith.constant 16 : i32
      %mul3A_1365 = arith.muli %and3A_1206, %mul3A_1364 : i32
      %swap3A_1366 = arith.constant 19 : i32
      %swap3A_1367 = arith.index_cast %swap3A_1366 : i32 to index
      %swap3A_1368 = arith.index_cast %shift_right_arithmetic3A_1204 : i32 to index
      %swap3A_1369 = arith.index_cast %mul3A_1365 : i32 to index
      %swap3A_1370 = tpu.vector_load %arg13[%swap3A_1367, %swap3A_1368, %swap3A_1369] {strides = array<i32>} : memref<32x4x128xf32, #tpu.memory_space<vmem>>, vector<16xf32>,
      tpu.vector_store %arg13[%swap3A_1367, %swap3A_1368, %swap3A_1369], %gather3A_1363 {strides = array<i32>} : memref<32x4x128xf32, #tpu.memory_space<vmem>>, vector<16xf32>,
      %gather3A_1371 = tpu.vector_load_idx %arg12[%add3A_1210, %add3A_334] : memref<512x32xf32, #tpu.memory_space<vmem>>[vector<16xi32>, vector<16xi32>], vector<16xf32>,
      %mul3A_1372 = arith.constant 16 : i32
      %mul3A_1373 = arith.muli %and3A_1206, %mul3A_1372 : i32
      %swap3A_1374 = arith.constant 20 : i32
      %swap3A_1375 = arith.index_cast %swap3A_1374 : i32 to index
      %swap3A_1376 = arith.index_cast %shift_right_arithmetic3A_1204 : i32 to index
      %swap3A_1377 = arith.index_cast %mul3A_1373 : i32 to index
      %swap3A_1378 = tpu.vector_load %arg13[%swap3A_1375, %swap3A_1376, %swap3A_1377] {strides = array<i32>} : memref<32x4x128xf32, #tpu.memory_space<vmem>>, vector<16xf32>,
      tpu.vector_store %arg13[%swap3A_1375, %swap3A_1376, %swap3A_1377], %gather3A_1371 {strides = array<i32>} : memref<32x4x128xf32, #tpu.memory_space<vmem>>, vector<16xf32>,
      %gather3A_1379 = tpu.vector_load_idx %arg12[%add3A_1210, %add3A_340] : memref<512x32xf32, #tpu.memory_space<vmem>>[vector<16xi32>, vector<16xi32>], vector<16xf32>,
      %mul3A_1380 = arith.constant 16 : i32
      %mul3A_1381 = arith.muli %and3A_1206, %mul3A_1380 : i32
      %swap3A_1382 = arith.constant 21 : i32
      %swap3A_1383 = arith.index_cast %swap3A_1382 : i32 to index
      %swap3A_1384 = arith.index_cast %shift_right_arithmetic3A_1204 : i32 to index
      %swap3A_1385 = arith.index_cast %mul3A_1381 : i32 to index
      %swap3A_1386 = tpu.vector_load %arg13[%swap3A_1383, %swap3A_1384, %swap3A_1385] {strides = array<i32>} : memref<32x4x128xf32, #tpu.memory_space<vmem>>, vector<16xf32>,
      tpu.vector_store %arg13[%swap3A_1383, %swap3A_1384, %swap3A_1385], %gather3A_1379 {strides = array<i32>} : memref<32x4x128xf32, #tpu.memory_space<vmem>>, vector<16xf32>,
      %gather3A_1387 = tpu.vector_load_idx %arg12[%add3A_1210, %add3A_346] : memref<512x32xf32, #tpu.memory_space<vmem>>[vector<16xi32>, vector<16xi32>], vector<16xf32>,
      %mul3A_1388 = arith.constant 16 : i32
      %mul3A_1389 = arith.muli %and3A_1206, %mul3A_1388 : i32
      %swap3A_1390 = arith.constant 22 : i32
      %swap3A_1391 = arith.index_cast %swap3A_1390 : i32 to index
      %swap3A_1392 = arith.index_cast %shift_right_arithmetic3A_1204 : i32 to index
      %swap3A_1393 = arith.index_cast %mul3A_1389 : i32 to index
      %swap3A_1394 = tpu.vector_load %arg13[%swap3A_1391, %swap3A_1392, %swap3A_1393] {strides = array<i32>} : memref<32x4x128xf32, #tpu.memory_space<vmem>>, vector<16xf32>,
      tpu.vector_store %arg13[%swap3A_1391, %swap3A_1392, %swap3A_1393], %gather3A_1387 {strides = array<i32>} : memref<32x4x128xf32, #tpu.memory_space<vmem>>, vector<16xf32>,
      %gather3A_1395 = tpu.vector_load_idx %arg12[%add3A_1210, %add3A_352] : memref<512x32xf32, #tpu.memory_space<vmem>>[vector<16xi32>, vector<16xi32>], vector<16xf32>,
      %mul3A_1396 = arith.constant 16 : i32
      %mul3A_1397 = arith.muli %and3A_1206, %mul3A_1396 : i32
      %swap3A_1398 = arith.constant 23 : i32
      %swap3A_1399 = arith.index_cast %swap3A_1398 : i32 to index
      %swap3A_1400 = arith.index_cast %shift_right_arithmetic3A_1204 : i32 to index
      %swap3A_1401 = arith.index_cast %mul3A_1397 : i32 to index
      %swap3A_1402 = tpu.vector_load %arg13[%swap3A_1399, %swap3A_1400, %swap3A_1401] {strides = array<i32>} : memref<32x4x128xf32, #tpu.memory_space<vmem>>, vector<16xf32>,
      tpu.vector_store %arg13[%swap3A_1399, %swap3A_1400, %swap3A_1401], %gather3A_1395 {strides = array<i32>} : memref<32x4x128xf32, #tpu.memory_space<vmem>>, vector<16xf32>,
      %gather3A_1403 = tpu.vector_load_idx %arg12[%add3A_1210, %add3A_358] : memref<512x32xf32, #tpu.memory_space<vmem>>[vector<16xi32>, vector<16xi32>], vector<16xf32>,
      %mul3A_1404 = arith.constant 16 : i32
      %mul3A_1405 = arith.muli %and3A_1206, %mul3A_1404 : i32
      %swap3A_1406 = arith.constant 24 : i32
      %swap3A_1407 = arith.index_cast %swap3A_1406 : i32 to index
      %swap3A_1408 = arith.index_cast %shift_right_arithmetic3A_1204 : i32 to index
      %swap3A_1409 = arith.index_cast %mul3A_1405 : i32 to index
      %swap3A_1410 = tpu.vector_load %arg13[%swap3A_1407, %swap3A_1408, %swap3A_1409] {strides = array<i32>} : memref<32x4x128xf32, #tpu.memory_space<vmem>>, vector<16xf32>,
      tpu.vector_store %arg13[%swap3A_1407, %swap3A_1408, %swap3A_1409], %gather3A_1403 {strides = array<i32>} : memref<32x4x128xf32, #tpu.memory_space<vmem>>, vector<16xf32>,
      %gather3A_1411 = tpu.vector_load_idx %arg12[%add3A_1210, %add3A_364] : memref<512x32xf32, #tpu.memory_space<vmem>>[vector<16xi32>, vector<16xi32>], vector<16xf32>,
      %mul3A_1412 = arith.constant 16 : i32
      %mul3A_1413 = arith.muli %and3A_1206, %mul3A_1412 : i32
      %swap3A_1414 = arith.constant 25 : i32
      %swap3A_1415 = arith.index_cast %swap3A_1414 : i32 to index
      %swap3A_1416 = arith.index_cast %shift_right_arithmetic3A_1204 : i32 to index
      %swap3A_1417 = arith.index_cast %mul3A_1413 : i32 to index
      %swap3A_1418 = tpu.vector_load %arg13[%swap3A_1415, %swap3A_1416, %swap3A_1417] {strides = array<i32>} : memref<32x4x128xf32, #tpu.memory_space<vmem>>, vector<16xf32>,
      tpu.vector_store %arg13[%swap3A_1415, %swap3A_1416, %swap3A_1417], %gather3A_1411 {strides = array<i32>} : memref<32x4x128xf32, #tpu.memory_space<vmem>>, vector<16xf32>,
      %gather3A_1419 = tpu.vector_load_idx %arg12[%add3A_1210, %add3A_370] : memref<512x32xf32, #tpu.memory_space<vmem>>[vector<16xi32>, vector<16xi32>], vector<16xf32>,
      %mul3A_1420 = arith.constant 16 : i32
      %mul3A_1421 = arith.muli %and3A_1206, %mul3A_1420 : i32
      %swap3A_1422 = arith.constant 26 : i32
      %swap3A_1423 = arith.index_cast %swap3A_1422 : i32 to index
      %swap3A_1424 = arith.index_cast %shift_right_arithmetic3A_1204 : i32 to index
      %swap3A_1425 = arith.index_cast %mul3A_1421 : i32 to index
      %swap3A_1426 = tpu.vector_load %arg13[%swap3A_1423, %swap3A_1424, %swap3A_1425] {strides = array<i32>} : memref<32x4x128xf32, #tpu.memory_space<vmem>>, vector<16xf32>,
      tpu.vector_store %arg13[%swap3A_1423, %swap3A_1424, %swap3A_1425], %gather3A_1419 {strides = array<i32>} : memref<32x4x128xf32, #tpu.memory_space<vmem>>, vector<16xf32>,
      %gather3A_1427 = tpu.vector_load_idx %arg12[%add3A_1210, %add3A_376] : memref<512x32xf32, #tpu.memory_space<vmem>>[vector<16xi32>, vector<16xi32>], vector<16xf32>,
      %mul3A_1428 = arith.constant 16 : i32
      %mul3A_1429 = arith.muli %and3A_1206, %mul3A_1428 : i32
      %swap3A_1430 = arith.constant 27 : i32
      %swap3A_1431 = arith.index_cast %swap3A_1430 : i32 to index
      %swap3A_1432 = arith.index_cast %shift_right_arithmetic3A_1204 : i32 to index
      %swap3A_1433 = arith.index_cast %mul3A_1429 : i32 to index
      %swap3A_1434 = tpu.vector_load %arg13[%swap3A_1431, %swap3A_1432, %swap3A_1433] {strides = array<i32>} : memref<32x4x128xf32, #tpu.memory_space<vmem>>, vector<16xf32>,
      tpu.vector_store %arg13[%swap3A_1431, %swap3A_1432, %swap3A_1433], %gather3A_1427 {strides = array<i32>} : memref<32x4x128xf32, #tpu.memory_space<vmem>>, vector<16xf32>,
      %gather3A_1435 = tpu.vector_load_idx %arg12[%add3A_1210, %add3A_382] : memref<512x32xf32, #tpu.memory_space<vmem>>[vector<16xi32>, vector<16xi32>], vector<16xf32>,
      %mul3A_1436 = arith.constant 16 : i32
      %mul3A_1437 = arith.muli %and3A_1206, %mul3A_1436 : i32
      %swap3A_1438 = arith.constant 28 : i32
      %swap3A_1439 = arith.index_cast %swap3A_1438 : i32 to index
      %swap3A_1440 = arith.index_cast %shift_right_arithmetic3A_1204 : i32 to index
      %swap3A_1441 = arith.index_cast %mul3A_1437 : i32 to index
      %swap3A_1442 = tpu.vector_load %arg13[%swap3A_1439, %swap3A_1440, %swap3A_1441] {strides = array<i32>} : memref<32x4x128xf32, #tpu.memory_space<vmem>>, vector<16xf32>,
      tpu.vector_store %arg13[%swap3A_1439, %swap3A_1440, %swap3A_1441], %gather3A_1435 {strides = array<i32>} : memref<32x4x128xf32, #tpu.memory_space<vmem>>, vector<16xf32>,
      %gather3A_1443 = tpu.vector_load_idx %arg12[%add3A_1210, %add3A_388] : memref<512x32xf32, #tpu.memory_space<vmem>>[vector<16xi32>, vector<16xi32>], vector<16xf32>,
      %mul3A_1444 = arith.constant 16 : i32
      %mul3A_1445 = arith.muli %and3A_1206, %mul3A_1444 : i32
      %swap3A_1446 = arith.constant 29 : i32
      %swap3A_1447 = arith.index_cast %swap3A_1446 : i32 to index
      %swap3A_1448 = arith.index_cast %shift_right_arithmetic3A_1204 : i32 to index
      %swap3A_1449 = arith.index_cast %mul3A_1445 : i32 to index
      %swap3A_1450 = tpu.vector_load %arg13[%swap3A_1447, %swap3A_1448, %swap3A_1449] {strides = array<i32>} : memref<32x4x128xf32, #tpu.memory_space<vmem>>, vector<16xf32>,
      tpu.vector_store %arg13[%swap3A_1447, %swap3A_1448, %swap3A_1449], %gather3A_1443 {strides = array<i32>} : memref<32x4x128xf32, #tpu.memory_space<vmem>>, vector<16xf32>,
      %gather3A_1451 = tpu.vector_load_idx %arg12[%add3A_1210, %add3A_394] : memref<512x32xf32, #tpu.memory_space<vmem>>[vector<16xi32>, vector<16xi32>], vector<16xf32>,
      %mul3A_1452 = arith.constant 16 : i32
      %mul3A_1453 = arith.muli %and3A_1206, %mul3A_1452 : i32
      %swap3A_1454 = arith.constant 30 : i32
      %swap3A_1455 = arith.index_cast %swap3A_1454 : i32 to index
      %swap3A_1456 = arith.index_cast %shift_right_arithmetic3A_1204 : i32 to index
      %swap3A_1457 = arith.index_cast %mul3A_1453 : i32 to index
      %swap3A_1458 = tpu.vector_load %arg13[%swap3A_1455, %swap3A_1456, %swap3A_1457] {strides = array<i32>} : memref<32x4x128xf32, #tpu.memory_space<vmem>>, vector<16xf32>,
      tpu.vector_store %arg13[%swap3A_1455, %swap3A_1456, %swap3A_1457], %gather3A_1451 {strides = array<i32>} : memref<32x4x128xf32, #tpu.memory_space<vmem>>, vector<16xf32>,
      %gather3A_1459 = tpu.vector_load_idx %arg12[%add3A_1210, %add3A_400] : memref<512x32xf32, #tpu.memory_space<vmem>>[vector<16xi32>, vector<16xi32>], vector<16xf32>,
      %mul3A_1460 = arith.constant 16 : i32
      %mul3A_1461 = arith.muli %and3A_1206, %mul3A_1460 : i32
      %swap3A_1462 = arith.constant 31 : i32
      %swap3A_1463 = arith.index_cast %swap3A_1462 : i32 to index
      %swap3A_1464 = arith.index_cast %shift_right_arithmetic3A_1204 : i32 to index
      %swap3A_1465 = arith.index_cast %mul3A_1461 : i32 to index
      %swap3A_1466 = tpu.vector_load %arg13[%swap3A_1463, %swap3A_1464, %swap3A_1465] {strides = array<i32>} : memref<32x4x128xf32, #tpu.memory_space<vmem>>, vector<16xf32>,
      tpu.vector_store %arg13[%swap3A_1463, %swap3A_1464, %swap3A_1465], %gather3A_1459 {strides = array<i32>} : memref<32x4x128xf32, #tpu.memory_space<vmem>>, vector<16xf32>,
    }
    %scan3A_405 = arith.constant 32 : i32
    %mul3A_406 = arith.constant 4 : i32
    %mul3A_407 = arith.muli %add3A, %mul3A_406 : i32
    "tpu.region"() ({
      %run_scoped3A = tpu.sem_alloc : memref<!tpu.dma_semaphore, #tpu.memory_space<semaphore_mem>>
      %dma_start3A_408 = arith.constant 0 : i32
      %dma_start3A_409 = arith.constant 0 : i32
      %dma_start3A_410 = tpu.memref_slice %arg7[%dma_start3A_408, %mul3A_407, %dma_start3A_409] : memref<32x128x128xf32, #tpu.memory_space<hbm>> -> memref<32x4x128xf32, #tpu.memory_space<hbm>>
      %dma_start3A_411 = arith.constant 0 : i32
      %dma_start3A_412 = arith.constant 0 : i32
      %dma_start3A_413 = tpu.memref_slice %arg7[%dma_start3A_411, %mul3A_407, %dma_start3A_412] : memref<32x128x128xf32, #tpu.memory_space<hbm>> -> memref<32x4x128xf32, #tpu.memory_space<hbm>>
      tpu.enqueue_dma source(%arg13 : memref<32x4x128xf32, #tpu.memory_space<vmem>>) target(%dma_start3A_413 : memref<32x4x128xf32, #tpu.memory_space<hbm>>) target_semaphore(%run_scoped3A : memref<!tpu.dma_semaphore, #tpu.memory_space<semaphore_mem>>)
      %dma_wait3A_414 = arith.constant 0 : i32
      %dma_wait3A_415 = arith.constant 0 : i32
      %dma_wait3A_416 = tpu.memref_slice %arg7[%dma_wait3A_414, %mul3A_407, %dma_wait3A_415] : memref<32x128x128xf32, #tpu.memory_space<hbm>> -> memref<32x4x128xf32, #tpu.memory_space<hbm>>
      %dma_wait3A_417 = arith.constant 0 : i32
      %dma_wait3A_418 = arith.constant 0 : i32
      %dma_wait3A_419 = tpu.memref_slice %arg7[%dma_wait3A_417, %mul3A_407, %dma_wait3A_418] : memref<32x128x128xf32, #tpu.memory_space<hbm>> -> memref<32x4x128xf32, #tpu.memory_space<hbm>>
      tpu.wait_dma2 semaphore(%run_scoped3A : memref<!tpu.dma_semaphore, #tpu.memory_space<semaphore_mem>>) src(%arg13 : memref<32x4x128xf32, #tpu.memory_space<vmem>>) dst(%dma_wait3A_419 : memref<32x4x128xf32, #tpu.memory_space<hbm>>)
      tpu.yield
    }) : () -> ()
    "tpu.region"() ({
      %run_scoped3A = tpu.sem_alloc : memref<!tpu.dma_semaphore, #tpu.memory_space<semaphore_mem>>
      %dma_start3A_408 = tpu.memref_slice %arg8[%mul3A_2] : memref<16384xf32, #tpu.memory_space<hbm>> -> memref<512xf32, #tpu.memory_space<hbm>>
      %dma_start3A_409 = tpu.memref_slice %arg8[%mul3A_2] : memref<16384xf32, #tpu.memory_space<hbm>> -> memref<512xf32, #tpu.memory_space<hbm>>
      tpu.enqueue_dma source(%arg14 : memref<512xf32, #tpu.memory_space<vmem>>) target(%dma_start3A_409 : memref<512xf32, #tpu.memory_space<hbm>>) target_semaphore(%run_scoped3A : memref<!tpu.dma_semaphore, #tpu.memory_space<semaphore_mem>>)
      %dma_wait3A_410 = tpu.memref_slice %arg8[%mul3A_2] : memref<16384xf32, #tpu.memory_space<hbm>> -> memref<512xf32, #tpu.memory_space<hbm>>
      %dma_wait3A_411 = tpu.memref_slice %arg8[%mul3A_2] : memref<16384xf32, #tpu.memory_space<hbm>> -> memref<512xf32, #tpu.memory_space<hbm>>
      tpu.wait_dma2 semaphore(%run_scoped3A : memref<!tpu.dma_semaphore, #tpu.memory_space<semaphore_mem>>) src(%arg14 : memref<512xf32, #tpu.memory_space<vmem>>) dst(%dma_wait3A_411 : memref<512xf32, #tpu.memory_space<hbm>>)
      tpu.yield
    }) : () -> ()
    "tpu.region"() ({
      %run_scoped3A = tpu.sem_alloc : memref<!tpu.dma_semaphore, #tpu.memory_space<semaphore_mem>>
      %dma_start3A_408 = tpu.memref_slice %arg9[%mul3A_2] : memref<16384xf32, #tpu.memory_space<hbm>> -> memref<512xf32, #tpu.memory_space<hbm>>
      %dma_start3A_409 = tpu.memref_slice %arg9[%mul3A_2] : memref<16384xf32, #tpu.memory_space<hbm>> -> memref<512xf32, #tpu.memory_space<hbm>>
      tpu.enqueue_dma source(%arg15 : memref<512xf32, #tpu.memory_space<vmem>>) target(%dma_start3A_409 : memref<512xf32, #tpu.memory_space<hbm>>) target_semaphore(%run_scoped3A : memref<!tpu.dma_semaphore, #tpu.memory_space<semaphore_mem>>)
      %dma_wait3A_410 = tpu.memref_slice %arg9[%mul3A_2] : memref<16384xf32, #tpu.memory_space<hbm>> -> memref<512xf32, #tpu.memory_space<hbm>>
      %dma_wait3A_411 = tpu.memref_slice %arg9[%mul3A_2] : memref<16384xf32, #tpu.memory_space<hbm>> -> memref<512xf32, #tpu.memory_space<hbm>>
      tpu.wait_dma2 semaphore(%run_scoped3A : memref<!tpu.dma_semaphore, #tpu.memory_space<semaphore_mem>>) src(%arg15 : memref<512xf32, #tpu.memory_space<vmem>>) dst(%dma_wait3A_411 : memref<512xf32, #tpu.memory_space<hbm>>)
      tpu.yield
    }) : () -> ()
    return
  }
}

module attributes {stable_mosaic.version = 14 : i64} {
  func.func @_tc_body(%arg0: i32, %arg1: memref<32x2048xf32, #tpu.memory_space<vmem>>, %arg2: memref<32x16x128xf32, #tpu.memory_space<vmem>>, %arg3: memref<20x2048xf32, #tpu.memory_space<vmem>>, %arg4: memref<2048xf32, #tpu.memory_space<vmem>>, %arg5: memref<2048xf32, #tpu.memory_space<vmem>>, %arg6: memref<32x20xf32, #tpu.memory_space<vmem>>, %arg7: memref<32x1xf32, #tpu.memory_space<vmem>>, %arg8: memref<64x96xf32, #tpu.memory_space<vmem>>, %arg9: memref<64x1xf32, #tpu.memory_space<vmem>>, %arg10: memref<1x64xf32, #tpu.memory_space<vmem>>, %arg11: memref<1x1xf32, #tpu.memory_space<vmem>>, %arg12: memref<2048xf32, #tpu.memory_space<vmem>>) attributes {dimension_semantics = [#tpu.dimension_semantics<arbitrary>], iteration_bounds = array<i64: 8>, scalar_prefetch = 0 : i64, scratch_operands = 0 : i64, tpu.core_type = #tpu.core_type<tc>, window_params = [{transform_indices = @transform_0, window_bounds = array<i64: 32, 2048>}, {transform_indices = @transform_1, window_bounds = array<i64: 32, 16, 128>}, {transform_indices = @transform_2, window_bounds = array<i64: 20, 2048>}, {transform_indices = @transform_3, window_bounds = array<i64: 2048>}, {transform_indices = @transform_4, window_bounds = array<i64: 2048>}, {pipeline_mode = #tpu.pipeline_mode<synchronous>, transform_indices = @transform_5, window_bounds = array<i64: 32, 20>}, {pipeline_mode = #tpu.pipeline_mode<synchronous>, transform_indices = @transform_6, window_bounds = array<i64: 32, 1>}, {pipeline_mode = #tpu.pipeline_mode<synchronous>, transform_indices = @transform_7, window_bounds = array<i64: 64, 96>}, {pipeline_mode = #tpu.pipeline_mode<synchronous>, transform_indices = @transform_8, window_bounds = array<i64: 64, 1>}, {pipeline_mode = #tpu.pipeline_mode<synchronous>, transform_indices = @transform_9, window_bounds = array<i64: 1, 64>}, {pipeline_mode = #tpu.pipeline_mode<synchronous>, transform_indices = @transform_10, window_bounds = array<i64: 1, 1>}, {transform_indices = @transform_11, window_bounds = array<i64: 2048>}]} {
    %get3A = arith.constant 0 : index
    %get3A_0 = arith.constant 0 : index
    %get3A_1 = vector.load %arg1[%get3A, %get3A_0] : memref<32x2048xf32, #tpu.memory_space<vmem>>, vector<32x2048xf32>
    %get3A_2 = arith.constant 0 : index
    %get3A_3 = arith.constant 0 : index
    %get3A_4 = arith.constant 0 : index
    %get3A_5 = vector.load %arg2[%get3A_2, %get3A_3, %get3A_4] : memref<32x16x128xf32, #tpu.memory_space<vmem>>, vector<32x16x128xf32>
    %reshape3A = vector.shape_cast %get3A_5 : vector<32x16x128xf32> to vector<32x2048xf32>
    %get3A_6 = arith.constant 0 : index
    %get3A_7 = arith.constant 0 : index
    %get3A_8 = vector.load %arg8[%get3A_6, %get3A_7] : memref<64x96xf32, #tpu.memory_space<vmem>>, vector<64x96xf32>
    %get3A_9 = arith.constant 0 : index
    %get3A_10 = arith.constant 0 : index
    %get3A_11 = vector.load %arg6[%get3A_9, %get3A_10] : memref<32x20xf32, #tpu.memory_space<vmem>>, vector<32x20xf32>
    %get3A_12 = arith.constant 0 : index
    %get3A_13 = arith.constant 0 : index
    %get3A_14 = vector.load %arg3[%get3A_12, %get3A_13] : memref<20x2048xf32, #tpu.memory_space<vmem>>, vector<20x2048xf32>
    %dot_general3A = arith.constant dense<0.000000e+00> : vector<32x2048xf32>
    %dot_general3A_15 = tpu.matmul %get3A_11, %get3A_14, %dot_general3A {dimension_numbers = #tpu.dot_dimension_numbers<[1], [0], [0], [1], [0, 0, 1, 1], [], []>, transpose_lhs_hint = false} : vector<32x20xf32>, vector<20x2048xf32>, vector<32x2048xf32> -> vector<32x2048xf32>
    %get3A_16 = arith.constant 0 : index
    %get3A_17 = arith.constant 0 : index
    %get3A_18 = vector.load %arg7[%get3A_16, %get3A_17] : memref<32x1xf32, #tpu.memory_space<vmem>>, vector<32x1xf32>
    %add3A = vector.broadcast %get3A_18 : vector<32x1xf32> to vector<32x2048xf32>
    %add3A_19 = arith.addf %dot_general3A_15, %add3A : vector<32x2048xf32>
    %slice3A = vector.extract_strided_slice %get3A_8 {offsets = [0, 0], sizes = [64, 32], strides = [1, 1]} : vector<64x96xf32> to vector<64x32xf32>
    %dot_general3A_20 = arith.constant dense<0.000000e+00> : vector<64x2048xf32>
    %dot_general3A_21 = tpu.matmul %slice3A, %get3A_1, %dot_general3A_20 {dimension_numbers = #tpu.dot_dimension_numbers<[1], [0], [0], [1], [0, 0, 1, 1], [], []>, transpose_lhs_hint = false} : vector<64x32xf32>, vector<32x2048xf32>, vector<64x2048xf32> -> vector<64x2048xf32>
    %slice3A_22 = vector.extract_strided_slice %get3A_8 {offsets = [0, 32], sizes = [64, 32], strides = [1, 1]} : vector<64x96xf32> to vector<64x32xf32>
    %dot_general3A_23 = arith.constant dense<0.000000e+00> : vector<64x2048xf32>
    %dot_general3A_24 = tpu.matmul %slice3A_22, %reshape3A, %dot_general3A_23 {dimension_numbers = #tpu.dot_dimension_numbers<[1], [0], [0], [1], [0, 0, 1, 1], [], []>, transpose_lhs_hint = false} : vector<64x32xf32>, vector<32x2048xf32>, vector<64x2048xf32> -> vector<64x2048xf32>
    %add3A_25 = arith.addf %dot_general3A_21, %dot_general3A_24 : vector<64x2048xf32>
    %slice3A_26 = vector.extract_strided_slice %get3A_8 {offsets = [0, 64], sizes = [64, 32], strides = [1, 1]} : vector<64x96xf32> to vector<64x32xf32>
    %dot_general3A_27 = arith.constant dense<0.000000e+00> : vector<64x2048xf32>
    %dot_general3A_28 = tpu.matmul %slice3A_26, %add3A_19, %dot_general3A_27 {dimension_numbers = #tpu.dot_dimension_numbers<[1], [0], [0], [1], [0, 0, 1, 1], [], []>, transpose_lhs_hint = false} : vector<64x32xf32>, vector<32x2048xf32>, vector<64x2048xf32> -> vector<64x2048xf32>
    %add3A_29 = arith.addf %add3A_25, %dot_general3A_28 : vector<64x2048xf32>
    %get3A_30 = arith.constant 0 : index
    %get3A_31 = arith.constant 0 : index
    %get3A_32 = vector.load %arg9[%get3A_30, %get3A_31] : memref<64x1xf32, #tpu.memory_space<vmem>>, vector<64x1xf32>
    %add3A_33 = vector.broadcast %get3A_32 : vector<64x1xf32> to vector<64x2048xf32>
    %add3A_34 = arith.addf %add3A_29, %add3A_33 : vector<64x2048xf32>
    %max3A = arith.constant 0.000000e+00 : f32
    %max3A_35 = vector.broadcast %max3A : f32 to vector<64x2048xf32>
    %max3A_36 = arith.maximumf %add3A_34, %max3A_35 : vector<64x2048xf32>
    %get3A_37 = arith.constant 0 : index
    %get3A_38 = arith.constant 0 : index
    %get3A_39 = vector.load %arg10[%get3A_37, %get3A_38] : memref<1x64xf32, #tpu.memory_space<vmem>>, vector<1x64xf32>
    %dot_general3A_40 = arith.constant dense<0.000000e+00> : vector<1x2048xf32>
    %dot_general3A_41 = tpu.matmul %get3A_39, %max3A_36, %dot_general3A_40 {dimension_numbers = #tpu.dot_dimension_numbers<[1], [0], [0], [1], [0, 0, 1, 1], [], []>, transpose_lhs_hint = false} : vector<1x64xf32>, vector<64x2048xf32>, vector<1x2048xf32> -> vector<1x2048xf32>
    %mul3A = arith.mulf %get3A_1, %reshape3A : vector<32x2048xf32>
    %reduce_sum3A = arith.constant dense<0.000000e+00> : vector<2048xf32>
    %reduce_sum3A_42 = vector.multi_reduction <add>, %mul3A, %reduce_sum3A [0] : vector<32x2048xf32> to vector<2048xf32>
    %squeeze3A = vector.shape_cast %dot_general3A_41 : vector<1x2048xf32> to vector<2048xf32>
    %add3A_43 = arith.addf %reduce_sum3A_42, %squeeze3A : vector<2048xf32>
    %get3A_44 = arith.constant 0 : index
    %get3A_45 = vector.load %arg4[%get3A_44] : memref<2048xf32, #tpu.memory_space<vmem>>, vector<2048xf32>
    %add3A_46 = arith.addf %add3A_43, %get3A_45 : vector<2048xf32>
    %get3A_47 = arith.constant 0 : index
    %get3A_48 = vector.load %arg5[%get3A_47] : memref<2048xf32, #tpu.memory_space<vmem>>, vector<2048xf32>
    %add3A_49 = arith.addf %add3A_46, %get3A_48 : vector<2048xf32>
    %get3A_50 = arith.constant 0 : index
    %get3A_51 = arith.constant 0 : index
    %get3A_52 = vector.load %arg11[%get3A_50, %get3A_51] : memref<1x1xf32, #tpu.memory_space<vmem>>, vector<1x1xf32>
    %get3A_53 = vector.extract %get3A_52[0, 0] : f32 from vector<1x1xf32>
    %add3A_54 = vector.broadcast %get3A_53 : f32 to vector<2048xf32>
    %add3A_55 = arith.addf %add3A_49, %add3A_54 : vector<2048xf32>
    %swap3A = arith.constant 0 : index
    %swap3A_56 = vector.load %arg12[%swap3A] : memref<2048xf32, #tpu.memory_space<vmem>>, vector<2048xf32>
    tpu.vector_store %arg12[%swap3A], %add3A_55 {strides = array<i32>} : memref<2048xf32, #tpu.memory_space<vmem>>, vector<2048xf32>,
    return
  }
  func.func @transform_0(%arg0: i32) -> (i32, i32) {
    %c0_i32 = arith.constant 0 : i32
    %c0_i32_0 = arith.constant 0 : i32
    return %c0_i32, %arg0 : i32, i32
  }
  func.func @transform_1(%arg0: i32) -> (i32, i32, i32) {
    %c0_i32 = arith.constant 0 : i32
    %c0_i32_0 = arith.constant 0 : i32
    %c0_i32_1 = arith.constant 0 : i32
    return %c0_i32, %arg0, %c0_i32_0 : i32, i32, i32
  }
  func.func @transform_2(%arg0: i32) -> (i32, i32) {
    %c0_i32 = arith.constant 0 : i32
    %c0_i32_0 = arith.constant 0 : i32
    return %c0_i32, %arg0 : i32, i32
  }
  func.func @transform_3(%arg0: i32) -> i32 {
    %c0_i32 = arith.constant 0 : i32
    return %arg0 : i32
  }
  func.func @transform_4(%arg0: i32) -> i32 {
    %c0_i32 = arith.constant 0 : i32
    return %arg0 : i32
  }
  func.func @transform_5(%arg0: i32) -> (i32, i32) {
    %c0_i32 = arith.constant 0 : i32
    %c0_i32_0 = arith.constant 0 : i32
    %c0_i32_1 = arith.constant 0 : i32
    return %c0_i32, %c0_i32_0 : i32, i32
  }
  func.func @transform_6(%arg0: i32) -> (i32, i32) {
    %c0_i32 = arith.constant 0 : i32
    %c0_i32_0 = arith.constant 0 : i32
    %c0_i32_1 = arith.constant 0 : i32
    return %c0_i32, %c0_i32_0 : i32, i32
  }
  func.func @transform_7(%arg0: i32) -> (i32, i32) {
    %c0_i32 = arith.constant 0 : i32
    %c0_i32_0 = arith.constant 0 : i32
    %c0_i32_1 = arith.constant 0 : i32
    return %c0_i32, %c0_i32_0 : i32, i32
  }
  func.func @transform_8(%arg0: i32) -> (i32, i32) {
    %c0_i32 = arith.constant 0 : i32
    %c0_i32_0 = arith.constant 0 : i32
    %c0_i32_1 = arith.constant 0 : i32
    return %c0_i32, %c0_i32_0 : i32, i32
  }
  func.func @transform_9(%arg0: i32) -> (i32, i32) {
    %c0_i32 = arith.constant 0 : i32
    %c0_i32_0 = arith.constant 0 : i32
    %c0_i32_1 = arith.constant 0 : i32
    return %c0_i32, %c0_i32_0 : i32, i32
  }
  func.func @transform_10(%arg0: i32) -> (i32, i32) {
    %c0_i32 = arith.constant 0 : i32
    %c0_i32_0 = arith.constant 0 : i32
    %c0_i32_1 = arith.constant 0 : i32
    return %c0_i32, %c0_i32_0 : i32, i32
  }
  func.func @transform_11(%arg0: i32) -> i32 {
    %c0_i32 = arith.constant 0 : i32
    return %arg0 : i32
  }
}

</mosaic_0001>

<sc_bundles>
// kernel: gather_offload_async_start
scs
__scs_entry_jumppad:
0x0: {  	(pc) =	sbr.rel $0x88, $3  }
0x1: {  	(tag) =	ssettag $0x0;
	lr =	simm.s32 $0x1  }
0x2: {  	[smem:$0x3F93] =	sst lr;
	_ =	strace $0xD0000000  }
0x3: {  	_ = 	snop  }
0x4: {  	_ = 	snop  }
0x5: {  	_ = 	snop  }
0x6: {  	_ = 	snop  }
0x7: {  	_ = 	snop  }
__scs_overlays_trampoline_lowered:
0x8: {  	[smem:$0x3FA2] =	sst s0  }
0x9: {  	[smem:$0x3FA3] =	sst s1  }
0xa: {  	[smem:$0x3FA4] =	sst s2  }
0xb: {  	[smem:$0x3FA5] =	sst s3  }
0xc: {  	[smem:$0x3FA6] =	sst s4  }
0xd: {  	[smem:$0x3FA7] =	sst s5  }
0xe: {  	[smem:$0x3FA8] =	sst s6  }
0xf: {  	[smem:$0x3FA9] =	sst s7  }
0x10: {  	[smem:$0x3FAA] =	sst s8  }
0x11: {  	[smem:$0x3FAB] =	sst s9;
	s0 =	simm.s32 @!p0 $0x0  }
0x12: {  	s1 =	sld [smem:$0x3F91];
	s0 =	simm.s32 @p0 $0x1  }
0x13: {  	[smem:$0x3FAC] =	sst s0;
	s0 =	simm.s32 @!p1 $0x0  }
0x14: {  	s2 =	sld [smem:$0x3F90];
	s0 =	simm.s32 @p1 $0x1  }
0x15: {  	[smem:$0x3FAD] =	sst s0;
	s0 =	simm.s32 @!p2 $0x0  }
0x16: {  	s3 =	sld [smem:$0x3FDB];
	s0 =	simm.s32 @p2 $0x1  }
0x17: {  	s4 =	simm.s32 $0x1BF5;
	[smem:$0x3FAF] =	sst s0  }
0x18: {  	s0 =	sld [smem:$0x3F92];
	_ =	swait.ge [sflag:s4], $0x0  }
0x19: {  	s7 =	sld [smem:$0x3F93]  }
0x1a: {  	s8 =	sadd.s32 $0xFFFFE003, lr  }
0x1b: {  	s9 =	sadd.s32 $0xFFFFFEF7, lr;
	s5 =	simm.s32 $0xFFFFFFFF;
	p2 =	slt.u32 s8, $0xFFFFF086  }
0x1c: {  	p1 =	slt.u32 s9, $0xF7A;
	s5 =	simm.s32 @!p2 $0x0  }
0x1d: {  	s5 =	simm.s32 @p1 $0x1;
	p0 =	seq.s32 s7, s2  }
0x1e: {  	s7 =	smul.u32 @!p0 $0xF7A, s2;
	p2 =	seq.s32 @!p0 s5, $0x0  }
0x1f: {  	s9 =	smul.u32 $0xF7A, s1;
	s8 =	simm.s32 @!p0 $0x1BF5;
	p2 =	por !p2, p0  }
0x20: {  	[sflag:s8] =	ssyncset.s32 @!p0 $0xFFFFF086;
	s6 =	sadd.s32 @!p0 s3, s7;
	s7 =	simm.s32 @!p0 $0x108  }
0x21: {  	s3 =	sadd.s32 s3, s9;
	s6 =	sadd.s32 @!p0 $0x88, s6;
	s7 =	simm.s32 @p2 $0x1082  }
0x22: {  	[simem:s7], [sflag:s8] =	dma.local @!p0 [hbm:s6], $0xF7A  }
0x23: {  	s9 =	sor.u32 $0xD0000000, s2;
	s6 =	simm.s32 $0x108;
	_ =	swait.ge @!p0 [sflag:s8], $0x0  }
0x24: {  	s3 =	sadd.s32 $0x88, s3;
	s6 =	simm.s32 @!p1 $0x1082;
	[sflag:s4] =	ssyncset.s32 $0xFFFFF086  }
0x25: {  	[simem:s6], [sflag:s4] =	dma.local [hbm:s3], $0xF7A  }
0x26: {  	[smem:$0x3F93] =	sst s1;
	(tag) =	ssettag s2;
	_ =	strace s9  }
0x27: {  	s1 =	sld [smem:$0x3FA3]  }
0x28: {  	s2 =	sld [smem:$0x3FA4]  }
0x29: {  	s4 =	sld [smem:$0x3FA6]  }
0x2a: {  	p0 =	seq.s32 s5, $0x0;
	s5 =	sld [smem:$0x3FA7]  }
0x2b: {  	s6 =	sld [smem:$0x3FA8]  }
0x2c: {  	s7 =	sld [smem:$0x3FA9]  }
0x2d: {  	s3 =	simm.s32 $0x108;
	s8 =	sld [smem:$0x3FAA]  }
0x2e: {  	s3 =	simm.s32 @!p0 $0x1082;
	s9 =	sld [smem:$0x3FAB]  }
0x2f: {  	lr =	sadd.s32 s0, s3;
	s0 =	sld [smem:$0x3FA2]  }
0x30: {  	s3 =	sld [smem:$0x3FA5]  }
0x31: {  	[smem:$0x3FAE] =	sst s10  }
0x32: {  	s10 =	sld [smem:$0x3FAC];
	_ =	sdelay $0x3  }
0x33: {  	p0 =	seq.s32 s10, $0x1;
	s10 =	sld [smem:$0x3FAE];
	_ =	sdelay $0x3  }
0x34: {  	[smem:$0x3FAE] =	sst s10  }
0x35: {  	s10 =	sld [smem:$0x3FAD];
	_ =	sdelay $0x3  }
0x36: {  	p1 =	seq.s32 s10, $0x1;
	s10 =	sld [smem:$0x3FAE];
	_ =	sdelay $0x3  }
0x37: {  	[smem:$0x3FAE] =	sst s10  }
0x38: {  	s10 =	sld [smem:$0x3FAF]  }
0x39: {  	_ = 	snop;
	(pc) =	sbr.ind lr, $3  }
0x3a: {  	_ = 	snop  }
0x3b: {  	_ = 	snop  }
0x3c: {  	p2 =	seq.s32 s10, $0x1;
	s10 =	sld [smem:$0x3FAE]  }
0x3d: {  	_ =	shalt  }
0x3e: {  	_ =	shalt  }
0x3f: {  	_ =	shalt  }
0x40: {  	_ =	shalt  }
0x41: {  	_ =	shalt  }
0x42: {  	_ =	shalt  }
0x43: {  	_ =	shalt  }
0x44: {  	_ =	shalt  }
0x45: {  	_ =	shalt  }
0x46: {  	_ =	shalt  }
0x47: {  	_ =	shalt  }
0x48: {  	_ =	shalt  }
0x49: {  	_ =	shalt  }
0x4a: {  	_ =	shalt  }
0x4b: {  	_ =	shalt  }
0x4c: {  	_ =	shalt  }
0x4d: {  	_ =	shalt  }
0x4e: {  	_ =	shalt  }
0x4f: {  	_ =	shalt  }
0x50: {  	_ =	shalt  }
0x51: {  	_ =	shalt  }
0x52: {  	_ =	shalt  }
0x53: {  	_ =	shalt  }
0x54: {  	_ =	shalt  }
0x55: {  	_ =	shalt  }
0x56: {  	_ =	shalt  }
0x57: {  	_ =	shalt  }
0x58: {  	_ =	shalt  }
0x59: {  	_ =	shalt  }
0x5a: {  	_ =	shalt  }
0x5b: {  	_ =	shalt  }
0x5c: {  	_ =	shalt  }
0x5d: {  	_ =	shalt  }
0x5e: {  	_ =	shalt  }
0x5f: {  	_ =	shalt  }
0x60: {  	_ =	shalt  }
0x61: {  	_ =	shalt  }
0x62: {  	_ =	shalt  }
0x63: {  	_ =	shalt  }
0x64: {  	_ =	shalt  }
0x65: {  	_ =	shalt  }
0x66: {  	_ =	shalt  }
0x67: {  	_ =	shalt  }
0x68: {  	_ =	shalt  }
0x69: {  	_ =	shalt  }
0x6a: {  	_ =	shalt  }
0x6b: {  	_ =	shalt  }
0x6c: {  	_ =	shalt  }
0x6d: {  	_ =	shalt  }
0x6e: {  	_ =	shalt  }
0x6f: {  	_ =	shalt  }
0x70: {  	_ =	shalt  }
0x71: {  	_ =	shalt  }
0x72: {  	_ =	shalt  }
0x73: {  	_ =	shalt  }
0x74: {  	_ =	shalt  }
0x75: {  	_ =	shalt  }
0x76: {  	_ =	shalt  }
0x77: {  	_ =	shalt  }
0x78: {  	_ =	shalt  }
0x79: {  	_ =	shalt  }
0x7a: {  	_ =	shalt  }
0x7b: {  	_ =	shalt  }
0x7c: {  	_ =	shalt  }
0x7d: {  	_ =	shalt  }
0x7e: {  	_ =	shalt  }
0x7f: {  	_ =	shalt  }
0x80: {  	_ =	shalt  }
0x81: {  	_ =	shalt  }
0x82: {  	_ =	shalt  }
0x83: {  	_ =	shalt  }
0x84: {  	_ =	shalt  }
0x85: {  	_ =	shalt  }
0x86: {  	_ =	shalt  }
0x87: {  	_ =	shalt  }
.Lfunc_end0:
.L_simem_size_0:
called_computation_lowered:
.L_overlay_start_0:
0x88: {  	s2 =	sld [smem:$0x3FD9]  }
0x89: {  	s3 =	sld [smem:$0x3FFE];
	_ =	sdelay $0x1  }
0x8a: {  	s1 =	srdreg.scid  }
0x8b: {  	s0 =	sand.u32 $0x1, s1  }
0x8c: {  	s17 =	sshll.u32 s0, $0xA;
	s2 =	sadd.s32 s3, s2  }
0x8d: {  	s2 =	sadd.s32 s2, s17  }
0x8e: {  	[smem:$0x3FBA] =	sst s2  }
0x8f: {  	_ = 	snop  }
0x90: {  	s2 =	sld [smem:$0x3FC6]  }
0x91: {  	s18 =	sld [smem:$0x3FD0];
	(tm) =	ssettm $0x1  }
0x92: {  	s4 =	sld [smem:$0x3FFB];
	_ =	sdelay $0x3  }
0x93: {  	_ =	strace s4  }
0x94: {  	s4 =	sld [smem:$0x3FFC];
	_ =	sdelay $0x3  }
0x95: {  	_ =	strace s4  }
0x96: {  	s4 =	sld [smem:$0x3FFD];
	_ =	sdelay $0x3  }
0x97: {  	_ =	strace s4  }
0x98: {  	_ =	strace $0x8FFFFFFF  }
0x99: {  	s19 =	sld [smem:$0x3FDB];
	_ =	sdelay $0x1  }
0x9a: {  	s5 =	simm.s32 $_scs_section_size  }
0x9b: {  	s6 =	simm.s32 $_size__tile_overlayer_lowered;
	s7 =	simm.s32 $_tile_overlayer_lowered  }
0x9c: {  	s22 =	simm.s32 $0x1BFF;
	s21 =	sshll.u32 s7, $0x1;
	s4 =	sadd.s32 s5, s19  }
0x9d: {  	s8 =	simm.s32 $0x0;
	s20 =	sshll.u32 s6, $0x1;
	s6 =	sadd.s32 s21, s4  }
0x9e: {  	[timem:s8], [sflag:s22] =	dma.local [hbm:s6], s20  }
0x9f: {  	_ =	swait.ge [sflag:s22], s20  }
0xa0: {  	s5 =	ssub.s32 $0x0, s20;
	[sflag:s22] =	ssyncset.done $0x0  }
0xa1: {  	[sflag:s22] =	ssyncadd.s32 s5;
	_ =	sdelay $0x1  }
0xa2: {  	s23 =	simm.s32 $0x1B8B  }
0xa3: {  	_ =	swait.ge [sflag:s23], $0x1  }
0xa4: {  	[sflag:s23] =	ssyncset.done $0x0  }
0xa5: {  	s25 =	simm.s32 $0x1B8E;
	s24 =	sld [smem:$0x3FFE];
	[sflag:s23] =	ssyncadd.s32 $0xFFFFFFFF  }
0xa6: {  	s26 =	simm.s32 $execute0_lowered;
	[smem:$0x3FD2] =	sst s25  }
0xa7: {  	s6 =	sshll.u32 s26, $0x1;
	_ =	strace $0x80000046;
	[dreg:$0x1] =	wrdreg $0xFFFFFFFF  }
0xa8: {  	s28 =	simm.s32 $_size_execute0_lowered;
	s4 =	sadd.s32 s4, s6;
	[dreg:$0x0] =	wrdreg $0x0  }
0xa9: {  	s6 =	sshll.u32 s28, $0x1;
	[dreg:$0x2] =	wrdreg s4  }
0xaa: {  	[dreg:$0x3] =	wrdreg s6  }
0xab: {  	[dreg:$0x4] =	wrdreg $0xC0  }
0xac: {  	_ =	task [dreg:s8], $0x5FFFF  }
0xad: {  	[dreg:$0x1] =	wrdreg $0xFFFFFFFF  }
0xae: {  	[dreg:$0x0] =	wrdreg $0x60  }
0xaf: {  	[dreg:$0x2] =	wrdreg s2  }
0xb0: {  	[dreg:$0x3] =	wrdreg s18  }
0xb1: {  	[dreg:$0x4] =	wrdreg s24  }
0xb2: {  	[dreg:$0x5] =	wrdreg $0x9  }
0xb3: {  	_ =	task.clear_ibuf [dreg:s8], $0x6FFFF;
	_ =	strace $0x90000046  }
0xb4: {  	s29 =	simm.s32 $0x9;
	_ =	strace $0x80000048  }
0xb5: {  	_ =	swait.ge [sflag:s29], $0x1  }
0xb6: {  	[sflag:s29] =	ssyncadd.s32 $0xFFFFFFFF  }
0xb7: {  	_ =	strace $0x90000048  }
0xb8: {  	_ =	sfence  }
0xb9: {  	s30 =	sld [smem:$0x0];
	_ =	sdelay $0x2  }
0xba: {  	s31 =	sshll.u32 s1, $0xD;
	s1 =	sshrl.u32 s1, $0x2  }
0xbb: {  	s3 =	sand.u32 $0x4000, s31;
	s1 =	sadd.s32 s1, s30  }
0xbc: {  	s0 =	sor.u32 s3, s0;
	s1 =	sshll.u32 s1, $0x11  }
0xbd: {  	s0 =	sor.u32 s1, s0  }
0xbe: {  	s0 =	sadd.s32 $0x8F2B, s0  }
0xbf: {  	[sflag:s0] =	ssyncadd.remote.s32 $0x1  }
0xc0: {  	_ =	sfence.sel $0xFFFF  }
0xc1: {  	[dreg:$0x0] =	wrdreg $0xFFFFFFFF;
	(pc) =	sbr.abs _section_cstart, $3  }
0xc2: {  	[dreg:$0x1] =	wrdreg $0xFFFFFFFF  }
0xc3: {  	_ =	task.clear_ibuf [dreg:s8], $0x2FFFF;
	_ =	strace $0x9FFFFFFF  }
0xc4: {  	(tm) =	ssettm $0x7FFFFFFF  }
0xc5: {  	_ =	shalt  }
tec
execute0_lowered:
.L_overlay_start_1:
0x0: {  	(tag) =	ssettag $0x1  }
0x1: {  	s2 =	rddreg [dreg:$0x0]  }
0x2: {  	s8 =	rddreg [dreg:$0x1];
	s0 =	srdreg.scid  }
0x3: {  	s11 =	rddreg [dreg:$0x2];
	s1 =	stileid.u32;
	s5 =	simm.s32 $0x1  }
0x4: {  	s6 =	simm.s32 $0x2;
	s10 =	simm.s32 $0x3;
	s13 =	simm.s32 $0x0  }
0x5: {  	s15 =	simm.s32 $0x0;
	s3 =	sshll.u32 s0, $0x9;
	s0 =	rddreg [dreg:$0x3]  }
0x6: {  	s4 =	sshll.u32 s1, $0xA;
	_ =	strace $0x80000047;
	s3 =	sand.u32 $0x200, s3  }
0x7: {  	s14 =	simm.s32 $0x0;
	[sflag:s5] =	ssyncpa.u1 $0x0;
	s3 =	sor.u32 s4, s3  }
0x8: {  	s4 =	sadd.s32 $0x1A00, s11;
	[sflag:s6] =	ssyncpa.u1 $0x0;
	s7 =	ssub.s32 $0x4000, s3  }
.Ltmp0:
0x9: {  	[sflag:s10] =	ssyncpa.u1 $0x0;
	s9 =	sand.u32 $0x3E00, s7;
	(pc) =	sbr.rel .LBB2_1-.Ltmp0, $4  }
0xa: {  	s31 =	sshrl.u32 s3, $0x3;
	p0 =	sne.s32 s9, $0x0;
	s9 =	simm.s32 $0x1  }
0xb: {  	s10 =	sadd.s32 $0x9A00, s11;
	s7 =	sshrl.u32 s7, $0xE;
	s9 =	simm.s32 @!p0 $0x0  }
0xc: {  	s8 =	sadd.s32 s8, s31;
	p0 =	por $0x0, $0x0;
	s7 =	sadd.s32 s9, s7  }
0xd: {  	vm0 =	vmmov $0xffff;
	s9 =	sadd.s32 $0x5A00, s11;
	s11 =	sadd.s32 $0xDA00, s11;
	s12 =	sadd.s32 $0x1, s7  }
.LBB2_4:
0xe: {  	_ =	sdelay $0x3  }
0xf: {  	[tilespmem:s21], [sflag:$0x1] =	stream.indirect_vreg.gather [hbm4b:s2+s13], $0x1, v0, vm0, $0x4038;
	[tilespmem:$0x8400] =	vst v63  }
0x10: {  	s18 =	sshll.u32 s15, $0x3  }
0x11: {  	s24 =	sand.u32 $0x78, s15;
	s18 =	sand.u32 $0x7FFFFC00, s18  }
0x12: {  	_ =	swait.ge [sflag:s5], $0x4000;
	s15 =	sor.u32 s24, s18  }
0x13: {  	[sflag:s5] =	ssyncset.done $0x0;
	s15 =	sshrl.u32 s15, $0x3  }
0x14: {  	[sflag:s5] =	ssyncadd.s32 $0xFFFFC000;
	s25 =	sadd.s32 s4, s15  }
0x15: {  	[hbm:s25] =	stream.linear.scatter [tilespmem:s17], [sflag:$0x3], $0x1000, $0x38;
	[tilespmem:$0x8400] =	vst v63  }
0x16: {  	s26 =	sadd.s32 $0x1400, s16;
	s28 =	sadd.s32 s15, s9  }
0x17: {  	[hbm:s28] =	stream.linear.scatter [tilespmem:s26], [sflag:$0x3], $0x1000, $0x38;
	[tilespmem:$0x8400] =	vst v63  }
0x18: {  	s29 =	sadd.s32 $0x2400, s16;
	s30 =	sadd.s32 s15, s10  }
0x19: {  	[hbm:s30] =	stream.linear.scatter [tilespmem:s29], [sflag:$0x3], $0x1000, $0x38;
	[tilespmem:$0x8400] =	vst v63  }
0x1a: {  	s31 =	sadd.s32 $0x3400, s16;
	s15 =	sadd.s32 s15, s11  }
0x1b: {  	[hbm:s15] =	stream.linear.scatter [tilespmem:s31], [sflag:$0x3], $0x1000, $0x38;
	[tilespmem:$0x8400] =	vst v63  }
.LBB2_5:
0x1c: {  	p2 =	sne.s32 s14, s12  }
.Ltmp1:
0x1d: {  	p1 =	slt.u32 s14, $0x2;
	(pc) =	sbr.rel @!p2 .LBB2_6-.Ltmp1, $4  }
0x1e: {  	s15 =	simm.s32 @!p1 $0x3  }
0x1f: {  	_ =	swait.ge @!p1 [sflag:s15], $0x4000  }
0x20: {  	s16 =	sadd.s32 $0x1, s14;
	p0 =	por !p0, !p0;
	[sflag:s15] =	ssyncset.done @!p1 $0x0  }
0x21: {  	s14 =	smov.u32 s16;
	[sflag:s15] =	ssyncadd.s32 @!p1 $0xFFFFC000;
	s15 =	smov.u32 s3  }
.LBB2_1:
0x22: {  	p1 =	sge.u32 s14, s7  }
0x23: {  	s16 =	sxor.u32 @!p1 $0xFFFFFFFF, s14  }
0x24: {  	s16 =	sshll.u32 @!p1 s16, $0x9  }
0x25: {  	s31 =	sadd.s32 $0xFFFFFFFF, s14;
	s17 =	simm.s32 @!p1 $0x0;
	s16 =	sand.u32 @!p1 $0x200, s16  }
0x26: {  	[tilespmem:s16], [sflag:$0x2] =	stream.linear.gather @!p1 [hbm4b:s8+s17], $0x200, $0x38;
	[tilespmem:$0x8400] =	vst v63  }
0x27: {  	p1 =	sge.u32 s31, s7  }
.Ltmp2:
0x28: {  	_ = 	snop;
	(pc) =	sbr.rel @p1 .LBB2_5-.Ltmp2, $1  }
0x29: {  	_ =	sdelay $0x3  }
0x2a: {  	s16 =	simm.s32 $0x1;
	_ =	swait.ge [sflag:s6], $0x200  }
0x2b: {  	s16 =	simm.s32 @!p0 $0x0;
	[sflag:s6] =	ssyncset.done $0x0  }
0x2c: {  	s19 =	sshll.u32 s16, $0x9;
	[sflag:s6] =	ssyncadd.s32 $0xFFFFFE00  }
0x2d: {  	v0 =	vld.msk [tilespmem:s19+$0x0 ss:$0x1], $0xffff;
	_ =	sdelay $0x4  }
0x2e: {  	vm1 =	vgt.s32 v0, $0x0  }
0x2f: {  	v0 =	vnsel vm1, $0x0, v0  }
0x30: {  	v0 =	vmin.u32 v0, $0xF423F  }
0x31: {  	v1 =	vshll.u32 v0, $0x3  }
0x32: {  	v0 =	vand.u32 $0x7F, v0;
	v1 =	vand.u32 $0x7FFC00, v1  }
0x33: {  	s22 =	sshll.u32 s14, $0xE;
	v0 =	vor.u32 v0, v1  }
0x34: {  	s18 =	simm.s32 $0x0;
	s16 =	sand.u32 $0x4000, s22  }
0x35: {  	s20 =	sand.u32 $0xC00, s18;
	s17 =	sor.u32 $0x400, s16  }
0x36: {  	s21 =	sand.u32 $0x70, s18;
	(ifvalue) =	ssetifvalue $0x7FFFFFFF;
	s20 =	sadd.s32 s20, s17;
	v1 =	vor.u32 $0x80, v0  }
0x37: {  	(ifvalue) =	ssetifvalue $0x7FFFFFFF;
	s20 =	sadd.s32 s21, s20  }
0x38: {  	[tilespmem:s20], [sflag:$0x1] =	stream.indirect_vreg.gather [hbm4b:s2+s13], $0x1, v0, vm0, $0x4038;
	[tilespmem:$0x8400] =	vst v63  }
0x39: {  	v2 =	vor.u32 $0x100, v0;
	(ifvalue) =	ssetifvalue $0x7FFFFFFF  }
0x3a: {  	s21 =	sadd.s32 $0x80, s20;
	(ifvalue) =	ssetifvalue $0x7FFFFFFF  }
0x3b: {  	[tilespmem:s21], [sflag:$0x1] =	stream.indirect_vreg.gather [hbm4b:s2+s13], $0x1, v1, vm0, $0x4038;
	[tilespmem:$0x8400] =	vst v63  }
0x3c: {  	v1 =	vor.u32 $0x180, v0;
	(ifvalue) =	ssetifvalue $0x7FFFFFFF  }
0x3d: {  	s23 =	sadd.s32 $0x100, s20;
	(ifvalue) =	ssetifvalue $0x7FFFFFFF  }
0x3e: {  	[tilespmem:s23], [sflag:$0x1] =	stream.indirect_vreg.gather [hbm4b:s2+s13], $0x1, v2, vm0, $0x4038;
	[tilespmem:$0x8400] =	vst v63  }
0x3f: {  	v2 =	vor.u32 $0x200, v0;
	(ifvalue) =	ssetifvalue $0x7FFFFFFF  }
0x40: {  	s24 =	sadd.s32 $0x180, s20;
	(ifvalue) =	ssetifvalue $0x7FFFFFFF  }
0x41: {  	[tilespmem:s24], [sflag:$0x1] =	stream.indirect_vreg.gather [hbm4b:s2+s13], $0x1, v1, vm0, $0x4038;
	[tilespmem:$0x8400] =	vst v63  }
0x42: {  	(ifvalue) =	ssetifvalue $0x7FFFFFFF;
	v1 =	vor.u32 $0x280, v0  }
0x43: {  	s25 =	sadd.s32 $0x200, s20;
	(ifvalue) =	ssetifvalue $0x7FFFFFFF  }
0x44: {  	[tilespmem:s25], [sflag:$0x1] =	stream.indirect_vreg.gather [hbm4b:s2+s13], $0x1, v2, vm0, $0x4038;
	[tilespmem:$0x8400] =	vst v63  }
0x45: {  	(ifvalue) =	ssetifvalue $0x7FFFFFFF;
	v2 =	vor.u32 $0x300, v0  }
0x46: {  	s26 =	sadd.s32 $0x280, s20;
	(ifvalue) =	ssetifvalue $0x7FFFFFFF  }
0x47: {  	[tilespmem:s26], [sflag:$0x1] =	stream.indirect_vreg.gather [hbm4b:s2+s13], $0x1, v1, vm0, $0x4038;
	[tilespmem:$0x8400] =	vst v63  }
0x48: {  	(ifvalue) =	ssetifvalue $0x7FFFFFFF;
	v1 =	vor.u32 $0x380, v0  }
0x49: {  	s18 =	sor.u32 s18, s18;
	s28 =	sadd.s32 $0x300, s20;
	(ifvalue) =	ssetifvalue $0x7FFFFFFF  }
0x4a: {  	[tilespmem:s28], [sflag:$0x1] =	stream.indirect_vreg.gather [hbm4b:s2+s13], $0x1, v2, vm0, $0x4038;
	[tilespmem:$0x8400] =	vst v63  }
0x4b: {  	s18 =	sor.u32 $0x380, s18;
	(ifvalue) =	ssetifvalue $0x7FFFFFFF;
	v2 =	vadd.s32 $0x7A1400, v0  }
0x4c: {  	s18 =	sadd.s32 s18, s17;
	(ifvalue) =	ssetifvalue $0x7FFFFFFF  }
0x4d: {  	[tilespmem:s18], [sflag:$0x1] =	stream.indirect_vreg.gather [hbm4b:s2+s13], $0x1, v1, vm0, $0x4038;
	[tilespmem:$0x8400] =	vst v63  }
0x4e: {  	(ifvalue) =	ssetifvalue $0x7FFFFFFF;
	v1 =	vadd.s32 $0x7A1480, v0  }
0x4f: {  	s29 =	sadd.s32 $0x1000, s20;
	(ifvalue) =	ssetifvalue $0x7FFFFFFF  }
0x50: {  	[tilespmem:s29], [sflag:$0x1] =	stream.indirect_vreg.gather [hbm4b:s2+s13], $0x1, v2, vm0, $0x4038;
	[tilespmem:$0x8400] =	vst v63  }
0x51: {  	(ifvalue) =	ssetifvalue $0x7FFFFFFF;
	v2 =	vadd.s32 $0x7A1500, v0  }
0x52: {  	s30 =	sadd.s32 $0x1080, s20;
	(ifvalue) =	ssetifvalue $0x7FFFFFFF  }
0x53: {  	[tilespmem:s30], [sflag:$0x1] =	stream.indirect_vreg.gather [hbm4b:s2+s13], $0x1, v1, vm0, $0x4038;
	[tilespmem:$0x8400] =	vst v63  }
0x54: {  	(ifvalue) =	ssetifvalue $0x7FFFFFFF;
	v1 =	vadd.s32 $0x7A1580, v0  }
0x55: {  	s31 =	sadd.s32 $0x1100, s20;
	(ifvalue) =	ssetifvalue $0x7FFFFFFF  }
0x56: {  	[tilespmem:s31], [sflag:$0x1] =	stream.indirect_vreg.gather [hbm4b:s2+s13], $0x1, v2, vm0, $0x4038;
	[tilespmem:$0x8400] =	vst v63  }
0x57: {  	(ifvalue) =	ssetifvalue $0x7FFFFFFF;
	v2 =	vadd.s32 $0x7A1600, v0  }
0x58: {  	s21 =	sadd.s32 $0x1180, s20;
	(ifvalue) =	ssetifvalue $0x7FFFFFFF  }
0x59: {  	[tilespmem:s21], [sflag:$0x1] =	stream.indirect_vreg.gather [hbm4b:s2+s13], $0x1, v1, vm0, $0x4038;
	[tilespmem:$0x8400] =	vst v63  }
0x5a: {  	(ifvalue) =	ssetifvalue $0x7FFFFFFF;
	v1 =	vadd.s32 $0x7A1680, v0  }
0x5b: {  	s22 =	sadd.s32 $0x1200, s20;
	(ifvalue) =	ssetifvalue $0x7FFFFFFF  }
0x5c: {  	[tilespmem:s22], [sflag:$0x1] =	stream.indirect_vreg.gather [hbm4b:s2+s13], $0x1, v2, vm0, $0x4038;
	[tilespmem:$0x8400] =	vst v63  }
0x5d: {  	(ifvalue) =	ssetifvalue $0x7FFFFFFF;
	v2 =	vadd.s32 $0x7A1700, v0  }
0x5e: {  	s23 =	sadd.s32 $0x1280, s20;
	(ifvalue) =	ssetifvalue $0x7FFFFFFF  }
0x5f: {  	[tilespmem:s23], [sflag:$0x1] =	stream.indirect_vreg.gather [hbm4b:s2+s13], $0x1, v1, vm0, $0x4038;
	[tilespmem:$0x8400] =	vst v63  }
0x60: {  	(ifvalue) =	ssetifvalue $0x7FFFFFFF;
	v1 =	vadd.s32 $0x7A1780, v0  }
0x61: {  	s24 =	sadd.s32 $0x1300, s20;
	(ifvalue) =	ssetifvalue $0x7FFFFFFF  }
0x62: {  	[tilespmem:s24], [sflag:$0x1] =	stream.indirect_vreg.gather [hbm4b:s2+s13], $0x1, v2, vm0, $0x4038;
	[tilespmem:$0x8400] =	vst v63  }
0x63: {  	(ifvalue) =	ssetifvalue $0x7FFFFFFF;
	v2 =	vadd.s32 $0xF42800, v0  }
0x64: {  	s25 =	sadd.s32 $0x1380, s20;
	(ifvalue) =	ssetifvalue $0x7FFFFFFF  }
0x65: {  	[tilespmem:s25], [sflag:$0x1] =	stream.indirect_vreg.gather [hbm4b:s2+s13], $0x1, v1, vm0, $0x4038;
	[tilespmem:$0x8400] =	vst v63  }
0x66: {  	(ifvalue) =	ssetifvalue $0x7FFFFFFF;
	v1 =	vadd.s32 $0xF42880, v0  }
0x67: {  	s26 =	sadd.s32 $0x2000, s20;
	(ifvalue) =	ssetifvalue $0x7FFFFFFF  }
0x68: {  	[tilespmem:s26], [sflag:$0x1] =	stream.indirect_vreg.gather [hbm4b:s2+s13], $0x1, v2, vm0, $0x4038;
	[tilespmem:$0x8400] =	vst v63  }
0x69: {  	(ifvalue) =	ssetifvalue $0x7FFFFFFF;
	v2 =	vadd.s32 $0xF42900, v0  }
0x6a: {  	s28 =	sadd.s32 $0x2080, s20;
	(ifvalue) =	ssetifvalue $0x7FFFFFFF  }
0x6b: {  	[tilespmem:s28], [sflag:$0x1] =	stream.indirect_vreg.gather [hbm4b:s2+s13], $0x1, v1, vm0, $0x4038;
	[tilespmem:$0x8400] =	vst v63  }
0x6c: {  	(ifvalue) =	ssetifvalue $0x7FFFFFFF;
	v1 =	vadd.s32 $0xF42980, v0  }
0x6d: {  	s29 =	sadd.s32 $0x2100, s20;
	(ifvalue) =	ssetifvalue $0x7FFFFFFF  }
0x6e: {  	[tilespmem:s29], [sflag:$0x1] =	stream.indirect_vreg.gather [hbm4b:s2+s13], $0x1, v2, vm0, $0x4038;
	[tilespmem:$0x8400] =	vst v63  }
0x6f: {  	(ifvalue) =	ssetifvalue $0x7FFFFFFF;
	v2 =	vadd.s32 $0xF42A00, v0  }
0x70: {  	s30 =	sadd.s32 $0x2180, s20;
	(ifvalue) =	ssetifvalue $0x7FFFFFFF  }
0x71: {  	[tilespmem:s30], [sflag:$0x1] =	stream.indirect_vreg.gather [hbm4b:s2+s13], $0x1, v1, vm0, $0x4038;
	[tilespmem:$0x8400] =	vst v63  }
0x72: {  	(ifvalue) =	ssetifvalue $0x7FFFFFFF;
	v1 =	vadd.s32 $0xF42A80, v0  }
0x73: {  	s31 =	sadd.s32 $0x2200, s20;
	(ifvalue) =	ssetifvalue $0x7FFFFFFF  }
0x74: {  	[tilespmem:s31], [sflag:$0x1] =	stream.indirect_vreg.gather [hbm4b:s2+s13], $0x1, v2, vm0, $0x4038;
	[tilespmem:$0x8400] =	vst v63  }
0x75: {  	(ifvalue) =	ssetifvalue $0x7FFFFFFF;
	v2 =	vadd.s32 $0xF42B00, v0  }
0x76: {  	s21 =	sadd.s32 $0x2280, s20;
	(ifvalue) =	ssetifvalue $0x7FFFFFFF  }
0x77: {  	[tilespmem:s21], [sflag:$0x1] =	stream.indirect_vreg.gather [hbm4b:s2+s13], $0x1, v1, vm0, $0x4038;
	[tilespmem:$0x8400] =	vst v63  }
0x78: {  	(ifvalue) =	ssetifvalue $0x7FFFFFFF;
	v1 =	vadd.s32 $0xF42B80, v0  }
0x79: {  	s22 =	sadd.s32 $0x2300, s20;
	(ifvalue) =	ssetifvalue $0x7FFFFFFF  }
0x7a: {  	[tilespmem:s22], [sflag:$0x1] =	stream.indirect_vreg.gather [hbm4b:s2+s13], $0x1, v2, vm0, $0x4038;
	[tilespmem:$0x8400] =	vst v63  }
0x7b: {  	(ifvalue) =	ssetifvalue $0x7FFFFFFF;
	v2 =	vadd.s32 $0x16E3C00, v0  }
0x7c: {  	s23 =	sadd.s32 $0x2380, s20;
	(ifvalue) =	ssetifvalue $0x7FFFFFFF  }
0x7d: {  	[tilespmem:s23], [sflag:$0x1] =	stream.indirect_vreg.gather [hbm4b:s2+s13], $0x1, v1, vm0, $0x4038;
	[tilespmem:$0x8400] =	vst v63  }
0x7e: {  	(ifvalue) =	ssetifvalue $0x7FFFFFFF;
	v1 =	vadd.s32 $0x16E3C80, v0  }
0x7f: {  	s24 =	sadd.s32 $0x3000, s20;
	(ifvalue) =	ssetifvalue $0x7FFFFFFF  }
0x80: {  	[tilespmem:s24], [sflag:$0x1] =	stream.indirect_vreg.gather [hbm4b:s2+s13], $0x1, v2, vm0, $0x4038;
	[tilespmem:$0x8400] =	vst v63  }
0x81: {  	(ifvalue) =	ssetifvalue $0x7FFFFFFF;
	v2 =	vadd.s32 $0x16E3D00, v0  }
0x82: {  	s25 =	sadd.s32 $0x3080, s20;
	(ifvalue) =	ssetifvalue $0x7FFFFFFF  }
0x83: {  	[tilespmem:s25], [sflag:$0x1] =	stream.indirect_vreg.gather [hbm4b:s2+s13], $0x1, v1, vm0, $0x4038;
	[tilespmem:$0x8400] =	vst v63  }
0x84: {  	(ifvalue) =	ssetifvalue $0x7FFFFFFF;
	v1 =	vadd.s32 $0x16E3D80, v0  }
0x85: {  	s26 =	sadd.s32 $0x3100, s20;
	(ifvalue) =	ssetifvalue $0x7FFFFFFF  }
0x86: {  	[tilespmem:s26], [sflag:$0x1] =	stream.indirect_vreg.gather [hbm4b:s2+s13], $0x1, v2, vm0, $0x4038;
	[tilespmem:$0x8400] =	vst v63  }
0x87: {  	(ifvalue) =	ssetifvalue $0x7FFFFFFF;
	v2 =	vadd.s32 $0x16E3E00, v0  }
0x88: {  	s28 =	sadd.s32 $0x3180, s20;
	(ifvalue) =	ssetifvalue $0x7FFFFFFF  }
0x89: {  	[tilespmem:s28], [sflag:$0x1] =	stream.indirect_vreg.gather [hbm4b:s2+s13], $0x1, v1, vm0, $0x4038;
	[tilespmem:$0x8400] =	vst v63  }
0x8a: {  	(ifvalue) =	ssetifvalue $0x7FFFFFFF;
	v1 =	vadd.s32 $0x16E3E80, v0  }
0x8b: {  	s29 =	sadd.s32 $0x3200, s20;
	(ifvalue) =	ssetifvalue $0x7FFFFFFF  }
0x8c: {  	[tilespmem:s29], [sflag:$0x1] =	stream.indirect_vreg.gather [hbm4b:s2+s13], $0x1, v2, vm0, $0x4038;
	[tilespmem:$0x8400] =	vst v63  }
0x8d: {  	(ifvalue) =	ssetifvalue $0x7FFFFFFF;
	v2 =	vadd.s32 $0x16E3F00, v0  }
0x8e: {  	s30 =	sadd.s32 $0x3280, s20;
	(ifvalue) =	ssetifvalue $0x7FFFFFFF  }
0x8f: {  	[tilespmem:s30], [sflag:$0x1] =	stream.indirect_vreg.gather [hbm4b:s2+s13], $0x1, v1, vm0, $0x4038;
	[tilespmem:$0x8400] =	vst v63  }
0x90: {  	v0 =	vadd.s32 $0x16E3F80, v0;
	(ifvalue) =	ssetifvalue $0x7FFFFFFF  }
0x91: {  	s31 =	sadd.s32 $0x3300, s20;
	(ifvalue) =	ssetifvalue $0x7FFFFFFF  }
0x92: {  	[tilespmem:s31], [sflag:$0x1] =	stream.indirect_vreg.gather [hbm4b:s2+s13], $0x1, v2, vm0, $0x4038;
	[tilespmem:$0x8400] =	vst v63  }
0x93: {  	s19 =	sadd.s32 $0x10, s19;
	s18 =	simm.s32 $0x10;
	(ifvalue) =	ssetifvalue $0x7FFFFFFF  }
0x94: {  	s21 =	sadd.s32 $0x3380, s20;
	s20 =	simm.s32 $0x80;
	(ifvalue) =	ssetifvalue $0x7FFFFFFF  }
.LBB2_3:
0x95: {  	[tilespmem:s21], [sflag:$0x1] =	stream.indirect_vreg.gather [hbm4b:s2+s13], $0x1, v0, vm0, $0x4038;
	[tilespmem:$0x8400] =	vst v63  }
0x96: {  	p1 =	sne.s32 s18, $0x1F0;
	s22 =	smov.u32 s18;
	s18 =	sadd.s32 $0x10, s18;
	v0 =	vld.msk [tilespmem:s19+$0x0 ss:$0x1], $0xffff  }
0x97: {  	(ifvalue) =	ssetifvalue $0x7FFFFFFF;
	_ =	sdelay $0x4  }
0x98: {  	vm1 =	vgt.s32 v0, $0x0  }
0x99: {  	v0 =	vnsel vm1, $0x0, v0  }
0x9a: {  	v0 =	vmin.u32 v0, $0xF423F  }
0x9b: {  	v1 =	vshll.u32 v0, $0x3  }
0x9c: {  	v0 =	vand.u32 $0x7F, v0;
	v1 =	vand.u32 $0x7FFC00, v1  }
0x9d: {  	v0 =	vor.u32 v0, v1;
	_ =	sdelay $0x1  }
0x9e: {  	s21 =	sand.u32 $0xC00, s20  }
0x9f: {  	s23 =	sand.u32 $0x70, s22;
	s21 =	sadd.s32 s21, s17;
	v1 =	vor.u32 $0x80, v0  }
0xa0: {  	s21 =	sadd.s32 s23, s21;
	(ifvalue) =	ssetifvalue $0x7FFFFFFF  }
0xa1: {  	[tilespmem:s21], [sflag:$0x1] =	stream.indirect_vreg.gather [hbm4b:s2+s13], $0x1, v0, vm0, $0x4038;
	[tilespmem:$0x8400] =	vst v63  }
0xa2: {  	v2 =	vor.u32 $0x100, v0;
	(ifvalue) =	ssetifvalue $0x7FFFFFFF  }
0xa3: {  	s23 =	sadd.s32 $0x80, s21;
	(ifvalue) =	ssetifvalue $0x7FFFFFFF  }
0xa4: {  	[tilespmem:s23], [sflag:$0x1] =	stream.indirect_vreg.gather [hbm4b:s2+s13], $0x1, v1, vm0, $0x4038;
	[tilespmem:$0x8400] =	vst v63  }
0xa5: {  	v1 =	vor.u32 $0x180, v0;
	(ifvalue) =	ssetifvalue $0x7FFFFFFF  }
0xa6: {  	s23 =	sadd.s32 $0x100, s21;
	(ifvalue) =	ssetifvalue $0x7FFFFFFF  }
0xa7: {  	[tilespmem:s23], [sflag:$0x1] =	stream.indirect_vreg.gather [hbm4b:s2+s13], $0x1, v2, vm0, $0x4038;
	[tilespmem:$0x8400] =	vst v63  }
0xa8: {  	v2 =	vor.u32 $0x200, v0;
	(ifvalue) =	ssetifvalue $0x7FFFFFFF  }
0xa9: {  	s23 =	sadd.s32 $0x180, s21;
	(ifvalue) =	ssetifvalue $0x7FFFFFFF  }
0xaa: {  	[tilespmem:s23], [sflag:$0x1] =	stream.indirect_vreg.gather [hbm4b:s2+s13], $0x1, v1, vm0, $0x4038;
	[tilespmem:$0x8400] =	vst v63  }
0xab: {  	v1 =	vor.u32 $0x280, v0;
	(ifvalue) =	ssetifvalue $0x7FFFFFFF  }
0xac: {  	s23 =	sadd.s32 $0x200, s21;
	(ifvalue) =	ssetifvalue $0x7FFFFFFF  }
0xad: {  	[tilespmem:s23], [sflag:$0x1] =	stream.indirect_vreg.gather [hbm4b:s2+s13], $0x1, v2, vm0, $0x4038;
	[tilespmem:$0x8400] =	vst v63  }
0xae: {  	v2 =	vor.u32 $0x300, v0;
	(ifvalue) =	ssetifvalue $0x7FFFFFFF  }
0xaf: {  	s23 =	sadd.s32 $0x280, s21;
	(ifvalue) =	ssetifvalue $0x7FFFFFFF  }
0xb0: {  	[tilespmem:s23], [sflag:$0x1] =	stream.indirect_vreg.gather [hbm4b:s2+s13], $0x1, v1, vm0, $0x4038;
	[tilespmem:$0x8400] =	vst v63  }
0xb1: {  	v1 =	vor.u32 $0x380, v0;
	(ifvalue) =	ssetifvalue $0x7FFFFFFF  }
0xb2: {  	s22 =	sor.u32 s20, s22;
	s23 =	sadd.s32 $0x300, s21;
	(ifvalue) =	ssetifvalue $0x7FFFFFFF  }
0xb3: {  	[tilespmem:s23], [sflag:$0x1] =	stream.indirect_vreg.gather [hbm4b:s2+s13], $0x1, v2, vm0, $0x4038;
	[tilespmem:$0x8400] =	vst v63  }
0xb4: {  	s22 =	sor.u32 $0x380, s22;
	v2 =	vadd.s32 $0x7A1400, v0;
	(ifvalue) =	ssetifvalue $0x7FFFFFFF  }
0xb5: {  	s22 =	sadd.s32 s22, s17;
	(ifvalue) =	ssetifvalue $0x7FFFFFFF  }
0xb6: {  	[tilespmem:s22], [sflag:$0x1] =	stream.indirect_vreg.gather [hbm4b:s2+s13], $0x1, v1, vm0, $0x4038;
	[tilespmem:$0x8400] =	vst v63  }
0xb7: {  	v1 =	vadd.s32 $0x7A1480, v0;
	(ifvalue) =	ssetifvalue $0x7FFFFFFF  }
0xb8: {  	s22 =	sadd.s32 $0x1000, s21;
	(ifvalue) =	ssetifvalue $0x7FFFFFFF  }
0xb9: {  	[tilespmem:s22], [sflag:$0x1] =	stream.indirect_vreg.gather [hbm4b:s2+s13], $0x1, v2, vm0, $0x4038;
	[tilespmem:$0x8400] =	vst v63  }
0xba: {  	v2 =	vadd.s32 $0x7A1500, v0;
	(ifvalue) =	ssetifvalue $0x7FFFFFFF  }
0xbb: {  	s22 =	sadd.s32 $0x1080, s21;
	(ifvalue) =	ssetifvalue $0x7FFFFFFF  }
0xbc: {  	[tilespmem:s22], [sflag:$0x1] =	stream.indirect_vreg.gather [hbm4b:s2+s13], $0x1, v1, vm0, $0x4038;
	[tilespmem:$0x8400] =	vst v63  }
0xbd: {  	v1 =	vadd.s32 $0x7A1580, v0;
	(ifvalue) =	ssetifvalue $0x7FFFFFFF  }
0xbe: {  	s22 =	sadd.s32 $0x1100, s21;
	(ifvalue) =	ssetifvalue $0x7FFFFFFF  }
0xbf: {  	[tilespmem:s22], [sflag:$0x1] =	stream.indirect_vreg.gather [hbm4b:s2+s13], $0x1, v2, vm0, $0x4038;
	[tilespmem:$0x8400] =	vst v63  }
0xc0: {  	v2 =	vadd.s32 $0x7A1600, v0;
	(ifvalue) =	ssetifvalue $0x7FFFFFFF  }
0xc1: {  	s22 =	sadd.s32 $0x1180, s21;
	(ifvalue) =	ssetifvalue $0x7FFFFFFF  }
0xc2: {  	[tilespmem:s22], [sflag:$0x1] =	stream.indirect_vreg.gather [hbm4b:s2+s13], $0x1, v1, vm0, $0x4038;
	[tilespmem:$0x8400] =	vst v63  }
0xc3: {  	v1 =	vadd.s32 $0x7A1680, v0;
	(ifvalue) =	ssetifvalue $0x7FFFFFFF  }
0xc4: {  	s22 =	sadd.s32 $0x1200, s21;
	(ifvalue) =	ssetifvalue $0x7FFFFFFF  }
0xc5: {  	[tilespmem:s22], [sflag:$0x1] =	stream.indirect_vreg.gather [hbm4b:s2+s13], $0x1, v2, vm0, $0x4038;
	[tilespmem:$0x8400] =	vst v63  }
0xc6: {  	v2 =	vadd.s32 $0x7A1700, v0;
	(ifvalue) =	ssetifvalue $0x7FFFFFFF  }
0xc7: {  	s22 =	sadd.s32 $0x1280, s21;
	(ifvalue) =	ssetifvalue $0x7FFFFFFF  }
0xc8: {  	[tilespmem:s22], [sflag:$0x1] =	stream.indirect_vreg.gather [hbm4b:s2+s13], $0x1, v1, vm0, $0x4038;
	[tilespmem:$0x8400] =	vst v63  }
0xc9: {  	v1 =	vadd.s32 $0x7A1780, v0;
	(ifvalue) =	ssetifvalue $0x7FFFFFFF  }
0xca: {  	s22 =	sadd.s32 $0x1300, s21;
	(ifvalue) =	ssetifvalue $0x7FFFFFFF  }
0xcb: {  	[tilespmem:s22], [sflag:$0x1] =	stream.indirect_vreg.gather [hbm4b:s2+s13], $0x1, v2, vm0, $0x4038;
	[tilespmem:$0x8400] =	vst v63  }
0xcc: {  	v2 =	vadd.s32 $0xF42800, v0;
	(ifvalue) =	ssetifvalue $0x7FFFFFFF  }
0xcd: {  	s22 =	sadd.s32 $0x1380, s21;
	(ifvalue) =	ssetifvalue $0x7FFFFFFF  }
0xce: {  	[tilespmem:s22], [sflag:$0x1] =	stream.indirect_vreg.gather [hbm4b:s2+s13], $0x1, v1, vm0, $0x4038;
	[tilespmem:$0x8400] =	vst v63  }
0xcf: {  	v1 =	vadd.s32 $0xF42880, v0;
	(ifvalue) =	ssetifvalue $0x7FFFFFFF  }
0xd0: {  	s22 =	sadd.s32 $0x2000, s21;
	(ifvalue) =	ssetifvalue $0x7FFFFFFF  }
0xd1: {  	[tilespmem:s22], [sflag:$0x1] =	stream.indirect_vreg.gather [hbm4b:s2+s13], $0x1, v2, vm0, $0x4038;
	[tilespmem:$0x8400] =	vst v63  }
0xd2: {  	v2 =	vadd.s32 $0xF42900, v0;
	(ifvalue) =	ssetifvalue $0x7FFFFFFF  }
0xd3: {  	s22 =	sadd.s32 $0x2080, s21;
	(ifvalue) =	ssetifvalue $0x7FFFFFFF  }
0xd4: {  	[tilespmem:s22], [sflag:$0x1] =	stream.indirect_vreg.gather [hbm4b:s2+s13], $0x1, v1, vm0, $0x4038;
	[tilespmem:$0x8400] =	vst v63  }
0xd5: {  	v1 =	vadd.s32 $0xF42980, v0;
	(ifvalue) =	ssetifvalue $0x7FFFFFFF  }
0xd6: {  	s22 =	sadd.s32 $0x2100, s21;
	(ifvalue) =	ssetifvalue $0x7FFFFFFF  }
0xd7: {  	[tilespmem:s22], [sflag:$0x1] =	stream.indirect_vreg.gather [hbm4b:s2+s13], $0x1, v2, vm0, $0x4038;
	[tilespmem:$0x8400] =	vst v63  }
0xd8: {  	v2 =	vadd.s32 $0xF42A00, v0;
	(ifvalue) =	ssetifvalue $0x7FFFFFFF  }
0xd9: {  	s22 =	sadd.s32 $0x2180, s21;
	(ifvalue) =	ssetifvalue $0x7FFFFFFF  }
0xda: {  	[tilespmem:s22], [sflag:$0x1] =	stream.indirect_vreg.gather [hbm4b:s2+s13], $0x1, v1, vm0, $0x4038;
	[tilespmem:$0x8400] =	vst v63  }
0xdb: {  	v1 =	vadd.s32 $0xF42A80, v0;
	(ifvalue) =	ssetifvalue $0x7FFFFFFF  }
0xdc: {  	s22 =	sadd.s32 $0x2200, s21;
	(ifvalue) =	ssetifvalue $0x7FFFFFFF  }
0xdd: {  	[tilespmem:s22], [sflag:$0x1] =	stream.indirect_vreg.gather [hbm4b:s2+s13], $0x1, v2, vm0, $0x4038;
	[tilespmem:$0x8400] =	vst v63  }
0xde: {  	v2 =	vadd.s32 $0xF42B00, v0;
	(ifvalue) =	ssetifvalue $0x7FFFFFFF  }
0xdf: {  	s22 =	sadd.s32 $0x2280, s21;
	(ifvalue) =	ssetifvalue $0x7FFFFFFF  }
0xe0: {  	[tilespmem:s22], [sflag:$0x1] =	stream.indirect_vreg.gather [hbm4b:s2+s13], $0x1, v1, vm0, $0x4038;
	[tilespmem:$0x8400] =	vst v63  }
0xe1: {  	v1 =	vadd.s32 $0xF42B80, v0;
	(ifvalue) =	ssetifvalue $0x7FFFFFFF  }
0xe2: {  	s22 =	sadd.s32 $0x2300, s21;
	(ifvalue) =	ssetifvalue $0x7FFFFFFF  }
0xe3: {  	[tilespmem:s22], [sflag:$0x1] =	stream.indirect_vreg.gather [hbm4b:s2+s13], $0x1, v2, vm0, $0x4038;
	[tilespmem:$0x8400] =	vst v63  }
0xe4: {  	v2 =	vadd.s32 $0x16E3C00, v0;
	(ifvalue) =	ssetifvalue $0x7FFFFFFF  }
0xe5: {  	s22 =	sadd.s32 $0x2380, s21;
	(ifvalue) =	ssetifvalue $0x7FFFFFFF  }
0xe6: {  	[tilespmem:s22], [sflag:$0x1] =	stream.indirect_vreg.gather [hbm4b:s2+s13], $0x1, v1, vm0, $0x4038;
	[tilespmem:$0x8400] =	vst v63  }
0xe7: {  	v1 =	vadd.s32 $0x16E3C80, v0;
	(ifvalue) =	ssetifvalue $0x7FFFFFFF  }
0xe8: {  	s22 =	sadd.s32 $0x3000, s21;
	(ifvalue) =	ssetifvalue $0x7FFFFFFF  }
0xe9: {  	[tilespmem:s22], [sflag:$0x1] =	stream.indirect_vreg.gather [hbm4b:s2+s13], $0x1, v2, vm0, $0x4038;
	[tilespmem:$0x8400] =	vst v63  }
0xea: {  	v2 =	vadd.s32 $0x16E3D00, v0;
	(ifvalue) =	ssetifvalue $0x7FFFFFFF  }
0xeb: {  	s22 =	sadd.s32 $0x3080, s21;
	(ifvalue) =	ssetifvalue $0x7FFFFFFF  }
0xec: {  	[tilespmem:s22], [sflag:$0x1] =	stream.indirect_vreg.gather [hbm4b:s2+s13], $0x1, v1, vm0, $0x4038;
	[tilespmem:$0x8400] =	vst v63  }
0xed: {  	v1 =	vadd.s32 $0x16E3D80, v0;
	(ifvalue) =	ssetifvalue $0x7FFFFFFF  }
0xee: {  	s22 =	sadd.s32 $0x3100, s21;
	(ifvalue) =	ssetifvalue $0x7FFFFFFF  }
0xef: {  	[tilespmem:s22], [sflag:$0x1] =	stream.indirect_vreg.gather [hbm4b:s2+s13], $0x1, v2, vm0, $0x4038;
	[tilespmem:$0x8400] =	vst v63  }
0xf0: {  	v2 =	vadd.s32 $0x16E3E00, v0;
	(ifvalue) =	ssetifvalue $0x7FFFFFFF  }
0xf1: {  	s22 =	sadd.s32 $0x3180, s21;
	(ifvalue) =	ssetifvalue $0x7FFFFFFF  }
0xf2: {  	[tilespmem:s22], [sflag:$0x1] =	stream.indirect_vreg.gather [hbm4b:s2+s13], $0x1, v1, vm0, $0x4038;
	[tilespmem:$0x8400] =	vst v63  }
0xf3: {  	v1 =	vadd.s32 $0x16E3E80, v0;
	(ifvalue) =	ssetifvalue $0x7FFFFFFF  }
0xf4: {  	s22 =	sadd.s32 $0x3200, s21;
	(ifvalue) =	ssetifvalue $0x7FFFFFFF  }
0xf5: {  	[tilespmem:s22], [sflag:$0x1] =	stream.indirect_vreg.gather [hbm4b:s2+s13], $0x1, v2, vm0, $0x4038;
	[tilespmem:$0x8400] =	vst v63  }
0xf6: {  	v2 =	vadd.s32 $0x16E3F00, v0;
	(ifvalue) =	ssetifvalue $0x7FFFFFFF  }
0xf7: {  	s22 =	sadd.s32 $0x3280, s21;
	(ifvalue) =	ssetifvalue $0x7FFFFFFF  }
0xf8: {  	[tilespmem:s22], [sflag:$0x1] =	stream.indirect_vreg.gather [hbm4b:s2+s13], $0x1, v1, vm0, $0x4038;
	[tilespmem:$0x8400] =	vst v63  }
.Ltmp3:
0xf9: {  	v0 =	vadd.s32 $0x16E3F80, v0;
	(ifvalue) =	ssetifvalue $0x7FFFFFFF;
	(pc) =	sbr.rel @p1 .LBB2_3-.Ltmp3, $4  }
0xfa: {  	s22 =	sadd.s32 $0x3300, s21;
	(ifvalue) =	ssetifvalue $0x7FFFFFFF  }
0xfb: {  	[tilespmem:s22], [sflag:$0x1] =	stream.indirect_vreg.gather [hbm4b:s2+s13], $0x1, v2, vm0, $0x4038;
	[tilespmem:$0x8400] =	vst v63  }
0xfc: {  	s19 =	sadd.s32 $0x10, s19;
	(ifvalue) =	ssetifvalue $0x7FFFFFFF  }
0xfd: {  	s20 =	sadd.s32 $0x80, s20;
	s21 =	sadd.s32 $0x3380, s21;
	(ifvalue) =	ssetifvalue $0x7FFFFFFF  }
.Ltmp4:
0xfe: {  	_ = 	snop;
	(pc) =	sbr.rel .LBB2_4-.Ltmp4, $1  }
0xff: {  	_ =	sdelay $0x3  }
.LBB2_6:
0x100: {  	_ =	sfence.sel $0x180000  }
0x101: {  	s2 =	simm.s32 $0x2;
	[bflag:$0x0] =	sbarrier.arrive $0xFFFF  }
0x102: {  	s30 =	simm.s32 $0x3;
	[sflag:s2] =	ssyncpa.u1 $0x1  }
0x103: {  	s31 =	simm.s32 $0x1;
	[sflag:s30] =	ssyncpa.u1 $0x1  }
0x104: {  	[sflag:s31] =	ssyncpa.u1 $0x1  }
0x105: {  	p0 =	sne.s32 s1, $0x0;
	_ =	strace $0x90000047  }
0x106: {  	s0 =	sadd.s32 @!p0 $0x100000, s0;
	[bflag:$0x2] =	sbarrier.arrive $0xFFFF  }
0x107: {  	[sflag:s0] =	ssyncadd.tile.s32 @!p0 $0x1;
	_ =	shalt  }
.Lfunc_end2:
_tile_overlayer_lowered:
.L_overlay_start_2:
0x108: {  	(tag) =	ssettag $0x2  }
0x109: {  	s0 =	rddreg [dreg:$0x0];
	s2 =	stileid.u32  }
0x10a: {  	s1 =	rddreg [dreg:$0x1];
	p0 =	sne.s32 s2, $0x0  }
0x10b: {  	s3 =	rddreg [dreg:$0x2];
	[bflag:$0x3] =	sbarrier.arrive $0xFFFF;
	s2 =	simm.s32 @!p0 $0x1C01  }
0x10c: {  	[timem:s3], [sflag:s2] =	dma.local @!p0 [hbm:s0], s1  }
0x10d: {  	s0 =	simm.s32 @!p0 $0x1  }
0x10e: {  	_ =	swait.ge @!p0 [sflag:s0], s1  }
0x10f: {  	s1 =	ssub.s32 @!p0 $0x0, s1;
	[sflag:s0] =	ssyncset.done @!p0 $0x0  }
0x110: {  	[sflag:s0] =	ssyncadd.s32 @!p0 s1  }
0x111: {  	[bflag:$0x3] =	sbarrier.arrive $0xFFFF  }
0x112: {  	_ =	shalt  }

// kernel: kernel.4.cloned.1.call-start
scs
__scs_entry_jumppad:
0x0: {  	(pc) =	sbr.rel $0x88, $3  }
0x1: {  	(tag) =	ssettag $0x0;
	lr =	simm.s32 $0x1  }
0x2: {  	[smem:$0x3F93] =	sst lr;
	_ =	strace $0xD0000000  }
0x3: {  	_ = 	snop  }
0x4: {  	_ = 	snop  }
0x5: {  	_ = 	snop  }
0x6: {  	_ = 	snop  }
0x7: {  	_ = 	snop  }
__scs_overlays_trampoline_lowered:
0x8: {  	[smem:$0x3FA2] =	sst s0  }
0x9: {  	[smem:$0x3FA3] =	sst s1  }
0xa: {  	[smem:$0x3FA4] =	sst s2  }
0xb: {  	[smem:$0x3FA5] =	sst s3  }
0xc: {  	[smem:$0x3FA6] =	sst s4  }
0xd: {  	[smem:$0x3FA7] =	sst s5  }
0xe: {  	[smem:$0x3FA8] =	sst s6  }
0xf: {  	[smem:$0x3FA9] =	sst s7  }
0x10: {  	[smem:$0x3FAA] =	sst s8  }
0x11: {  	[smem:$0x3FAB] =	sst s9;
	s0 =	simm.s32 @!p0 $0x0  }
0x12: {  	s1 =	sld [smem:$0x3F91];
	s0 =	simm.s32 @p0 $0x1  }
0x13: {  	[smem:$0x3FAC] =	sst s0;
	s0 =	simm.s32 @!p1 $0x0  }
0x14: {  	s2 =	sld [smem:$0x3F90];
	s0 =	simm.s32 @p1 $0x1  }
0x15: {  	[smem:$0x3FAD] =	sst s0;
	s0 =	simm.s32 @!p2 $0x0  }
0x16: {  	s3 =	sld [smem:$0x3FDB];
	s0 =	simm.s32 @p2 $0x1  }
0x17: {  	s4 =	simm.s32 $0x1BF5;
	[smem:$0x3FAF] =	sst s0  }
0x18: {  	s0 =	sld [smem:$0x3F92];
	_ =	swait.ge [sflag:s4], $0x0  }
0x19: {  	s7 =	sld [smem:$0x3F93]  }
0x1a: {  	s8 =	sadd.s32 $0xFFFFE003, lr  }
0x1b: {  	s9 =	sadd.s32 $0xFFFFFEF7, lr;
	s5 =	simm.s32 $0xFFFFFFFF;
	p2 =	slt.u32 s8, $0xFFFFF086  }
0x1c: {  	p1 =	slt.u32 s9, $0xF7A;
	s5 =	simm.s32 @!p2 $0x0  }
0x1d: {  	s5 =	simm.s32 @p1 $0x1;
	p0 =	seq.s32 s7, s2  }
0x1e: {  	s7 =	smul.u32 @!p0 $0xF7A, s2;
	p2 =	seq.s32 @!p0 s5, $0x0  }
0x1f: {  	s9 =	smul.u32 $0xF7A, s1;
	s8 =	simm.s32 @!p0 $0x1BF5;
	p2 =	por !p2, p0  }
0x20: {  	[sflag:s8] =	ssyncset.s32 @!p0 $0xFFFFF086;
	s6 =	sadd.s32 @!p0 s3, s7;
	s7 =	simm.s32 @!p0 $0x108  }
0x21: {  	s3 =	sadd.s32 s3, s9;
	s6 =	sadd.s32 @!p0 $0x88, s6;
	s7 =	simm.s32 @p2 $0x1082  }
0x22: {  	[simem:s7], [sflag:s8] =	dma.local @!p0 [hbm:s6], $0xF7A  }
0x23: {  	s9 =	sor.u32 $0xD0000000, s2;
	s6 =	simm.s32 $0x108;
	_ =	swait.ge @!p0 [sflag:s8], $0x0  }
0x24: {  	s3 =	sadd.s32 $0x88, s3;
	s6 =	simm.s32 @!p1 $0x1082;
	[sflag:s4] =	ssyncset.s32 $0xFFFFF086  }
0x25: {  	[simem:s6], [sflag:s4] =	dma.local [hbm:s3], $0xF7A  }
0x26: {  	[smem:$0x3F93] =	sst s1;
	(tag) =	ssettag s2;
	_ =	strace s9  }
0x27: {  	s1 =	sld [smem:$0x3FA3]  }
0x28: {  	s2 =	sld [smem:$0x3FA4]  }
0x29: {  	s4 =	sld [smem:$0x3FA6]  }
0x2a: {  	p0 =	seq.s32 s5, $0x0;
	s5 =	sld [smem:$0x3FA7]  }
0x2b: {  	s6 =	sld [smem:$0x3FA8]  }
0x2c: {  	s7 =	sld [smem:$0x3FA9]  }
0x2d: {  	s3 =	simm.s32 $0x108;
	s8 =	sld [smem:$0x3FAA]  }
0x2e: {  	s3 =	simm.s32 @!p0 $0x1082;
	s9 =	sld [smem:$0x3FAB]  }
0x2f: {  	lr =	sadd.s32 s0, s3;
	s0 =	sld [smem:$0x3FA2]  }
0x30: {  	s3 =	sld [smem:$0x3FA5]  }
0x31: {  	[smem:$0x3FAE] =	sst s10  }
0x32: {  	s10 =	sld [smem:$0x3FAC];
	_ =	sdelay $0x3  }
0x33: {  	p0 =	seq.s32 s10, $0x1;
	s10 =	sld [smem:$0x3FAE];
	_ =	sdelay $0x3  }
0x34: {  	[smem:$0x3FAE] =	sst s10  }
0x35: {  	s10 =	sld [smem:$0x3FAD];
	_ =	sdelay $0x3  }
0x36: {  	p1 =	seq.s32 s10, $0x1;
	s10 =	sld [smem:$0x3FAE];
	_ =	sdelay $0x3  }
0x37: {  	[smem:$0x3FAE] =	sst s10  }
0x38: {  	s10 =	sld [smem:$0x3FAF]  }
0x39: {  	_ = 	snop;
	(pc) =	sbr.ind lr, $3  }
0x3a: {  	_ = 	snop  }
0x3b: {  	_ = 	snop  }
0x3c: {  	p2 =	seq.s32 s10, $0x1;
	s10 =	sld [smem:$0x3FAE]  }
0x3d: {  	_ =	shalt  }
0x3e: {  	_ =	shalt  }
0x3f: {  	_ =	shalt  }
0x40: {  	_ =	shalt  }
0x41: {  	_ =	shalt  }
0x42: {  	_ =	shalt  }
0x43: {  	_ =	shalt  }
0x44: {  	_ =	shalt  }
0x45: {  	_ =	shalt  }
0x46: {  	_ =	shalt  }
0x47: {  	_ =	shalt  }
0x48: {  	_ =	shalt  }
0x49: {  	_ =	shalt  }
0x4a: {  	_ =	shalt  }
0x4b: {  	_ =	shalt  }
0x4c: {  	_ =	shalt  }
0x4d: {  	_ =	shalt  }
0x4e: {  	_ =	shalt  }
0x4f: {  	_ =	shalt  }
0x50: {  	_ =	shalt  }
0x51: {  	_ =	shalt  }
0x52: {  	_ =	shalt  }
0x53: {  	_ =	shalt  }
0x54: {  	_ =	shalt  }
0x55: {  	_ =	shalt  }
0x56: {  	_ =	shalt  }
0x57: {  	_ =	shalt  }
0x58: {  	_ =	shalt  }
0x59: {  	_ =	shalt  }
0x5a: {  	_ =	shalt  }
0x5b: {  	_ =	shalt  }
0x5c: {  	_ =	shalt  }
0x5d: {  	_ =	shalt  }
0x5e: {  	_ =	shalt  }
0x5f: {  	_ =	shalt  }
0x60: {  	_ =	shalt  }
0x61: {  	_ =	shalt  }
0x62: {  	_ =	shalt  }
0x63: {  	_ =	shalt  }
0x64: {  	_ =	shalt  }
0x65: {  	_ =	shalt  }
0x66: {  	_ =	shalt  }
0x67: {  	_ =	shalt  }
0x68: {  	_ =	shalt  }
0x69: {  	_ =	shalt  }
0x6a: {  	_ =	shalt  }
0x6b: {  	_ =	shalt  }
0x6c: {  	_ =	shalt  }
0x6d: {  	_ =	shalt  }
0x6e: {  	_ =	shalt  }
0x6f: {  	_ =	shalt  }
0x70: {  	_ =	shalt  }
0x71: {  	_ =	shalt  }
0x72: {  	_ =	shalt  }
0x73: {  	_ =	shalt  }
0x74: {  	_ =	shalt  }
0x75: {  	_ =	shalt  }
0x76: {  	_ =	shalt  }
0x77: {  	_ =	shalt  }
0x78: {  	_ =	shalt  }
0x79: {  	_ =	shalt  }
0x7a: {  	_ =	shalt  }
0x7b: {  	_ =	shalt  }
0x7c: {  	_ =	shalt  }
0x7d: {  	_ =	shalt  }
0x7e: {  	_ =	shalt  }
0x7f: {  	_ =	shalt  }
0x80: {  	_ =	shalt  }
0x81: {  	_ =	shalt  }
0x82: {  	_ =	shalt  }
0x83: {  	_ =	shalt  }
0x84: {  	_ =	shalt  }
0x85: {  	_ =	shalt  }
0x86: {  	_ =	shalt  }
0x87: {  	_ =	shalt  }
.Lfunc_end0:
.L_simem_size_0:
called_computation.1_lowered:
.L_overlay_start_0:
0x88: {  	s2 =	sld [smem:$0x3FD9]  }
0x89: {  	s3 =	sld [smem:$0x3FFE];
	_ =	sdelay $0x1  }
0x8a: {  	s1 =	srdreg.scid  }
0x8b: {  	s0 =	sand.u32 $0x1, s1  }
0x8c: {  	s17 =	sshll.u32 s0, $0xA;
	s2 =	sadd.s32 s3, s2  }
0x8d: {  	s2 =	sadd.s32 s2, s17  }
0x8e: {  	[smem:$0x3FBA] =	sst s2  }
0x8f: {  	_ = 	snop  }
0x90: {  	s18 =	sld [smem:$0x3FC9]  }
0x91: {  	s4 =	sld [smem:$0x3FC8];
	(tm) =	ssettm $0x1  }
0x92: {  	s19 =	sld [smem:$0x3FFB];
	_ =	sdelay $0x3  }
0x93: {  	_ =	strace s19  }
0x94: {  	s2 =	sld [smem:$0x3FFC];
	_ =	sdelay $0x3  }
0x95: {  	_ =	strace s2  }
0x96: {  	s2 =	sld [smem:$0x3FFD];
	_ =	sdelay $0x3  }
0x97: {  	_ =	strace s2  }
0x98: {  	_ =	strace $0x8FFFFFFF  }
0x99: {  	s20 =	sld [smem:$0x3FDB];
	_ =	sdelay $0x1  }
0x9a: {  	s5 =	simm.s32 $_scs_section_size  }
0x9b: {  	s6 =	simm.s32 $_size__tile_overlayer_lowered;
	s7 =	simm.s32 $_tile_overlayer_lowered  }
0x9c: {  	s8 =	simm.s32 $0x1BFF;
	s21 =	sshll.u32 s7, $0x1;
	s5 =	sadd.s32 s5, s20  }
0x9d: {  	s22 =	simm.s32 $0x0;
	s6 =	sshll.u32 s6, $0x1;
	s7 =	sadd.s32 s21, s5  }
0x9e: {  	[timem:s22], [sflag:s8] =	dma.local [hbm:s7], s6  }
0x9f: {  	_ =	swait.ge [sflag:s8], s6  }
0xa0: {  	s6 =	ssub.s32 $0x0, s6;
	[sflag:s8] =	ssyncset.done $0x0  }
0xa1: {  	[sflag:s8] =	ssyncadd.s32 s6;
	_ =	sdelay $0x1  }
0xa2: {  	s23 =	simm.s32 $0x1B8B  }
0xa3: {  	_ =	swait.ge [sflag:s23], $0x1  }
0xa4: {  	[sflag:s23] =	ssyncset.done $0x0  }
0xa5: {  	[sflag:s23] =	ssyncadd.s32 $0xFFFFFFFF  }
0xa6: {  	s6 =	sld [smem:$0x0]  }
0xa7: {  	s7 =	sand.u32 $0xFFFFFFFE, s1  }
0xa8: {  	p0 =	sne.s32 s1, s7  }
0xa9: {  	s7 =	sshll.u32 @p0 s7, $0xE  }
0xaa: {  	s7 =	sadd.s32 @p0 $0x11B8D, s7;
	s8 =	sshll.u32 @p0 s6, $0x11  }
0xab: {  	s7 =	sor.u32 @p0 s8, s7  }
0xac: {  	[sflag:s7] =	ssyncadd.remote.s32 @p0 $0x1;
	_ =	sdelay $0x1  }
0xad: {  	s7 =	simm.s32 @p0 $0x1B8D  }
0xae: {  	_ =	swait.eq @p0 [sflag:s7], $0x1  }
0xaf: {  	[sflag:s7] =	ssyncadd.s32 @p0 $0xFFFFFFFF  }
0xb0: {  	s8 =	sshll.u32 @!p0 s1, $0xE  }
0xb1: {  	s8 =	sor.u32 @!p0 $0x4000, s8;
	s7 =	simm.s32 @!p0 $0x1B8D  }
0xb2: {  	s6 =	sshll.u32 @!p0 s6, $0x11;
	s8 =	sadd.s32 @!p0 $0x11B8D, s8;
	_ =	swait.eq @!p0 [sflag:s7], $0x1  }
0xb3: {  	s6 =	sor.u32 @!p0 s6, s8;
	[sflag:s7] =	ssyncadd.s32 @!p0 $0xFFFFFFFF  }
0xb4: {  	s25 =	simm.s32 $0x1B8E;
	s24 =	sld [smem:$0x3FFE];
	[sflag:s6] =	ssyncadd.remote.s32 @!p0 $0x1  }
0xb5: {  	s26 =	simm.s32 $execute0_lowered;
	[smem:$0x3FD2] =	sst s25  }
0xb6: {  	s7 =	sshll.u32 s26, $0x1;
	_ =	strace $0x80000049;
	[dreg:$0x1] =	wrdreg $0xFFFFFFFF  }
0xb7: {  	s28 =	simm.s32 $_size_execute0_lowered;
	s5 =	sadd.s32 s5, s7;
	[dreg:$0x0] =	wrdreg $0x0  }
0xb8: {  	s7 =	sshll.u32 s28, $0x1;
	[dreg:$0x2] =	wrdreg s5  }
0xb9: {  	[dreg:$0x3] =	wrdreg s7  }
0xba: {  	[dreg:$0x4] =	wrdreg $0xC0  }
0xbb: {  	_ =	task [dreg:s22], $0x5FFFF  }
0xbc: {  	[dreg:$0x1] =	wrdreg $0xFFFFFFFF  }
0xbd: {  	[dreg:$0x0] =	wrdreg $0x60  }
0xbe: {  	[dreg:$0x2] =	wrdreg s18  }
0xbf: {  	[dreg:$0x3] =	wrdreg s4  }
0xc0: {  	[dreg:$0x4] =	wrdreg s24  }
0xc1: {  	[dreg:$0x5] =	wrdreg $0xA  }
0xc2: {  	_ =	task.clear_ibuf [dreg:s22], $0x6FFFF;
	_ =	strace $0x90000049  }
0xc3: {  	s29 =	simm.s32 $0xA;
	_ =	strace $0x8000004B  }
0xc4: {  	_ =	swait.ge [sflag:s29], $0x1  }
0xc5: {  	[sflag:s29] =	ssyncadd.s32 $0xFFFFFFFF  }
0xc6: {  	_ =	strace $0x9000004B  }
0xc7: {  	_ =	sfence  }
0xc8: {  	s30 =	sld [smem:$0x0];
	_ =	sdelay $0x2  }
0xc9: {  	s31 =	sshll.u32 s1, $0xD;
	s1 =	sshrl.u32 s1, $0x2  }
0xca: {  	s4 =	sand.u32 $0x4000, s31;
	s1 =	sadd.s32 s1, s30  }
0xcb: {  	s0 =	sor.u32 s4, s0;
	s1 =	sshll.u32 s1, $0x11  }
0xcc: {  	s0 =	sor.u32 s1, s0  }
0xcd: {  	s0 =	sadd.s32 $0x8F2B, s0  }
0xce: {  	[sflag:s0] =	ssyncadd.remote.s32 $0x1  }
0xcf: {  	_ =	sfence.sel $0xFFFF  }
0xd0: {  	[dreg:$0x0] =	wrdreg $0xFFFFFFFF;
	(pc) =	sbr.abs _section_cstart, $3  }
0xd1: {  	[dreg:$0x1] =	wrdreg $0xFFFFFFFF  }
0xd2: {  	_ =	task.clear_ibuf [dreg:s22], $0x2FFFF;
	_ =	strace $0x9FFFFFFF  }
0xd3: {  	(tm) =	ssettm $0x7FFFFFFF  }
tec
execute0_lowered:
.L_overlay_start_1:
0x0: {  	(tag) =	ssettag $0x1  }
0x1: {  	s0 =	rddreg [dreg:$0x0]  }
0x2: {  	s1 =	rddreg [dreg:$0x1]  }
0x3: {  	s2 =	rddreg [dreg:$0x2];
	s6 =	simm.s32 $0x0  }
0x4: {  	s22 =	srdreg.scid;
	s23 =	stileid.u32;
	s29 =	simm.s32 $0x400  }
0x5: {  	[smem:$0x7FF] =	sst s6;
	s3 =	sadd.s32 $0x198400, s2;
	s4 =	sadd.s32 $0x11A00, s2  }
0x6: {  	_ =	strace $0x8000004A;
	[dreg:$0x4] =	wrdreg s3;
	s3 =	sand.u32 $0x1, s22  }
0x7: {  	[dreg:$0x5] =	wrdreg s4;
	s4 =	sshll.u32 s23, $0x7;
	s5 =	sshll.u32 s3, $0x6  }
0x8: {  	s7 =	sadd.s32 $0x30400, s2;
	s3 =	ssub.s32 $0x2, s3;
	s4 =	sor.u32 s5, s4  }
0x9: {  	[dreg:$0x6] =	wrdreg s7;
	s24 =	sshrl.u32 s3, $0x1;
	s0 =	sadd.s32 s0, s4  }
0xa: {  	s2 =	sadd.s32 s4, s2;
	s25 =	sadd.s32 s1, s4;
	[dreg:$0x7] =	wrdreg s0  }
0xb: {  	s5 =	simm.s32 $0x8600;
	[dreg:$0x8] =	wrdreg s25;
	s26 =	sadd.s32 $0x33600, s2  }
0xc: {  	s3 =	ssub.s32 s3, s24;
	s28 =	sadd.s32 $0x43600, s2;
	[dreg:$0x9] =	wrdreg s26  }
0xd: {  	s1 =	simm.s32 $0x6;
	s30 =	sadd.s32 $0x43E00, s2;
	[dreg:$0xa] =	wrdreg s28  }
0xe: {  	v0 =	vlaneseq.u32;
	s4 =	simm.s32 $0x8400;
	s31 =	smax.u32 s3, $0x1;
	[dreg:$0xb] =	wrdreg s30  }
0xf: {  	v0 =	vmul.u32 $0x20, v0;
	s2 =	simm.s32 $0x200;
	s3 =	simm.s32 $0x0;
	[dreg:$0xc] =	wrdreg s31  }
.LBB2_1:
0x10: {  	[dreg:$0xd] =	wrdreg s3  }
0x11: {  	s0 =	rddreg [dreg:$0x7]  }
0x12: {  	[tilespmem:s6], [sflag:$0x6] =	stream.linear.gather [hbm4b:s0+s6], $0x200, $0x38;
	[tilespmem:$0x8800] =	vst v63  }
0x13: {  	_ =	swait.ge [sflag:s1], $0x200  }
0x14: {  	[sflag:s1] =	ssyncset.done $0x0  }
0x15: {  	s7 =	rddreg [dreg:$0x8];
	[sflag:s1] =	ssyncadd.s32 $0xFFFFFE00  }
0x16: {  	[tilespmem:s2], [sflag:$0x6] =	stream.linear.gather [hbm4b:s7+s6], $0x200, $0x38;
	[tilespmem:$0x8800] =	vst v63  }
0x17: {  	_ =	swait.ge [sflag:s1], $0x200  }
0x18: {  	[sflag:s1] =	ssyncset.done $0x0  }
0x19: {  	s9 =	simm.s32 $0x80;
	s8 =	rddreg [dreg:$0x5];
	[sflag:s1] =	ssyncadd.s32 $0xFFFFFE00  }
0x1a: {  	[tilespmem:s4], [sflag:$0x5] =	stream.indirect.gather [hbm4b:s8+s9], $0x1, s6, s9, $0xb8;
	[tilespmem:$0x8800] =	vst v63  }
0x1b: {  	s10 =	rddreg [dreg:$0x6]  }
0x1c: {  	[tilespmem:s5], [sflag:$0x5] =	stream.indirect.gather [hbm4b:s10+s9], $0x1, s2, s9, $0xb8;
	[tilespmem:$0x8800] =	vst v63  }
0x1d: {  	s11 =	simm.s32 $0x8480  }
0x1e: {  	[tilespmem:s11], [sflag:$0x5] =	stream.indirect.gather [hbm4b:s8+s9], $0x1, s9, s9, $0xb8;
	[tilespmem:$0x8800] =	vst v63  }
0x1f: {  	s12 =	simm.s32 $0x280;
	s13 =	simm.s32 $0x8680  }
0x20: {  	[tilespmem:s13], [sflag:$0x5] =	stream.indirect.gather [hbm4b:s10+s9], $0x1, s12, s9, $0xb8;
	[tilespmem:$0x8800] =	vst v63  }
0x21: {  	s14 =	simm.s32 $0x100;
	s15 =	simm.s32 $0x8500  }
0x22: {  	[tilespmem:s15], [sflag:$0x5] =	stream.indirect.gather [hbm4b:s8+s9], $0x1, s14, s9, $0xb8;
	[tilespmem:$0x8800] =	vst v63  }
0x23: {  	s16 =	simm.s32 $0x300;
	s17 =	simm.s32 $0x8700  }
0x24: {  	[tilespmem:s17], [sflag:$0x5] =	stream.indirect.gather [hbm4b:s10+s9], $0x1, s16, s9, $0xb8;
	[tilespmem:$0x8800] =	vst v63  }
0x25: {  	s18 =	simm.s32 $0x180;
	s7 =	simm.s32 $0x8580  }
0x26: {  	[tilespmem:s7], [sflag:$0x5] =	stream.indirect.gather [hbm4b:s8+s9], $0x1, s18, s9, $0xb8;
	[tilespmem:$0x8800] =	vst v63  }
0x27: {  	s19 =	simm.s32 $0x380;
	s20 =	simm.s32 $0x8780  }
0x28: {  	[tilespmem:s20], [sflag:$0x5] =	stream.indirect.gather [hbm4b:s10+s9], $0x1, s19, s9, $0xb8;
	[tilespmem:$0x8800] =	vst v63  }
0x29: {  	s21 =	rddreg [dreg:$0x4]  }
0x2a: {  	[tilespmem:s29], [sflag:$0x1] =	stream.indirect.gather [hbm4b:s21+s9], $0x20, s2, s9, $0xb8;
	[tilespmem:$0x8800] =	vst v63  }
0x2b: {  	s22 =	simm.s32 $0x1400  }
0x2c: {  	[tilespmem:s22], [sflag:$0x2] =	stream.indirect.gather [hbm4b:s21+s9], $0x20, s12, s9, $0xb8;
	[tilespmem:$0x8800] =	vst v63  }
0x2d: {  	s23 =	simm.s32 $0x2400  }
0x2e: {  	[tilespmem:s23], [sflag:$0x3] =	stream.indirect.gather [hbm4b:s21+s9], $0x20, s16, s9, $0xb8;
	[tilespmem:$0x8800] =	vst v63  }
0x2f: {  	s24 =	simm.s32 $0x3400;
	s25 =	simm.s32 $0x1  }
0x30: {  	[tilespmem:s24], [sflag:$0x4] =	stream.indirect.gather [hbm4b:s21+s9], $0x20, s19, s9, $0xb8;
	[tilespmem:$0x8800] =	vst v63  }
0x31: {  	_ =	swait.ge [sflag:s25], $0x1000  }
0x32: {  	[sflag:s25] =	ssyncset.done $0x0  }
0x33: {  	s26 =	simm.s32 $0x2;
	[sflag:s25] =	ssyncadd.s32 $0xFFFFF000  }
0x34: {  	_ =	swait.ge [sflag:s26], $0x1000  }
0x35: {  	[sflag:s26] =	ssyncset.done $0x0  }
0x36: {  	s28 =	simm.s32 $0x3;
	[sflag:s26] =	ssyncadd.s32 $0xFFFFF000  }
0x37: {  	_ =	swait.ge [sflag:s28], $0x1000  }
0x38: {  	[sflag:s28] =	ssyncset.done $0x0  }
0x39: {  	s30 =	simm.s32 $0x4;
	[sflag:s28] =	ssyncadd.s32 $0xFFFFF000  }
0x3a: {  	_ =	swait.ge [sflag:s30], $0x1000  }
0x3b: {  	[sflag:s30] =	ssyncset.done $0x0  }
0x3c: {  	s31 =	simm.s32 $0x5;
	[sflag:s30] =	ssyncadd.s32 $0xFFFFF000  }
0x3d: {  	_ =	swait.ge [sflag:s31], $0x80  }
0x3e: {  	[sflag:s31] =	ssyncset.done $0x0  }
0x3f: {  	[sflag:s31] =	ssyncadd.s32 $0xFFFFFF80  }
0x40: {  	_ =	swait.ge [sflag:s31], $0x80  }
0x41: {  	[sflag:s31] =	ssyncset.done $0x0  }
0x42: {  	[sflag:s31] =	ssyncadd.s32 $0xFFFFFF80  }
0x43: {  	_ =	swait.ge [sflag:s31], $0x80  }
0x44: {  	[sflag:s31] =	ssyncset.done $0x0  }
0x45: {  	[sflag:s31] =	ssyncadd.s32 $0xFFFFFF80  }
0x46: {  	_ =	swait.ge [sflag:s31], $0x80  }
0x47: {  	[sflag:s31] =	ssyncset.done $0x0  }
0x48: {  	[sflag:s31] =	ssyncadd.s32 $0xFFFFFF80  }
0x49: {  	_ =	swait.ge [sflag:s31], $0x80  }
0x4a: {  	[sflag:s31] =	ssyncset.done $0x0  }
0x4b: {  	[sflag:s31] =	ssyncadd.s32 $0xFFFFFF80  }
0x4c: {  	_ =	swait.ge [sflag:s31], $0x80  }
0x4d: {  	[sflag:s31] =	ssyncset.done $0x0  }
0x4e: {  	[sflag:s31] =	ssyncadd.s32 $0xFFFFFF80  }
0x4f: {  	_ =	swait.ge [sflag:s31], $0x80  }
0x50: {  	[sflag:s31] =	ssyncset.done $0x0  }
0x51: {  	[sflag:s31] =	ssyncadd.s32 $0xFFFFFF80  }
0x52: {  	_ =	swait.ge [sflag:s31], $0x80  }
0x53: {  	[sflag:s31] =	ssyncset.done $0x0  }
0x54: {  	s0 =	simm.s32 $0x30;
	s1 =	simm.s32 $0xFFFFFFFC;
	[sflag:s31] =	ssyncadd.s32 $0xFFFFFF80  }
.LBB2_2:
0x55: {  	s5 =	sadd.s32 $0xFFFFFFD0, s0  }
0x56: {  	v1 =	vmov s5  }
0x57: {  	v1 =	vshll.u32 v1, $0x5  }
0x58: {  	v1 =	vor.u32 v0, v1;
	_ =	sdelay $0x4  }
0x59: {  	v2 =	vld.idx.msk [tilespmem:v1+s29+$0x0], $0xffff  }
0x5a: {  	v3 =	vor.u32 $0x1, v1  }
0x5b: {  	[dreg:$0xf] =	wrdreg s0;
	s0 =	sand.u32 $0x180, s5  }
0x5c: {  	s28 =	sand.u32 $0x40, s5;
	s9 =	sor.u32 $0x4400, s0  }
0x5d: {  	[dreg:$0xe] =	wrdreg s1;
	s1 =	sor.u32 s28, s9  }
0x5e: {  	[tilespmem:s1+$0x0] =	vst v2  }
0x5f: {  	v2 =	vld.idx.msk [tilespmem:v3+s29+$0x0], $0xffff  }
0x60: {  	v3 =	vor.u32 $0x2, v1;
	_ =	sdelay $0x1  }
0x61: {  	s24 =	sor.u32 $0x4600, s0  }
0x62: {  	s6 =	sor.u32 s28, s24  }
0x63: {  	[tilespmem:s6+$0x0] =	vst v2  }
0x64: {  	v2 =	vld.idx.msk [tilespmem:v3+s29+$0x0], $0xffff  }
0x65: {  	v3 =	vor.u32 $0x3, v1;
	_ =	sdelay $0x1  }
0x66: {  	s23 =	sor.u32 $0x4800, s0  }
0x67: {  	s7 =	sor.u32 s28, s23  }
0x68: {  	[tilespmem:s7+$0x0] =	vst v2  }
0x69: {  	v2 =	vld.idx.msk [tilespmem:v3+s29+$0x0], $0xffff  }
0x6a: {  	v3 =	vor.u32 $0x4, v1;
	_ =	sdelay $0x1  }
0x6b: {  	s18 =	sor.u32 $0x4A00, s0  }
0x6c: {  	s8 =	sor.u32 s28, s18  }
0x6d: {  	[tilespmem:s8+$0x0] =	vst v2  }
0x6e: {  	v2 =	vld.idx.msk [tilespmem:v3+s29+$0x0], $0xffff  }
0x6f: {  	v3 =	vor.u32 $0x5, v1;
	_ =	sdelay $0x1  }
0x70: {  	s16 =	sor.u32 $0x4C00, s0  }
0x71: {  	s10 =	sor.u32 s28, s16  }
0x72: {  	[tilespmem:s10+$0x0] =	vst v2  }
0x73: {  	v2 =	vld.idx.msk [tilespmem:v3+s29+$0x0], $0xffff  }
0x74: {  	v3 =	vor.u32 $0x6, v1;
	_ =	sdelay $0x1  }
0x75: {  	s15 =	sor.u32 $0x4E00, s0  }
0x76: {  	s11 =	sor.u32 s28, s15  }
0x77: {  	[tilespmem:s11+$0x0] =	vst v2  }
0x78: {  	v2 =	vld.idx.msk [tilespmem:v3+s29+$0x0], $0xffff  }
0x79: {  	v3 =	vor.u32 $0x7, v1;
	_ =	sdelay $0x1  }
0x7a: {  	s10 =	sor.u32 $0x5000, s0  }
0x7b: {  	s12 =	sor.u32 s28, s10  }
0x7c: {  	[tilespmem:s12+$0x0] =	vst v2  }
0x7d: {  	v2 =	vld.idx.msk [tilespmem:v3+s29+$0x0], $0xffff  }
0x7e: {  	v3 =	vor.u32 $0x8, v1;
	_ =	sdelay $0x1  }
0x7f: {  	s11 =	sor.u32 $0x5200, s0  }
0x80: {  	s13 =	sor.u32 s28, s11  }
0x81: {  	[tilespmem:s13+$0x0] =	vst v2  }
0x82: {  	v2 =	vld.idx.msk [tilespmem:v3+s29+$0x0], $0xffff  }
0x83: {  	v3 =	vor.u32 $0x9, v1;
	_ =	sdelay $0x1  }
0x84: {  	s22 =	sor.u32 $0x5400, s0  }
0x85: {  	s14 =	sor.u32 s28, s22  }
0x86: {  	[tilespmem:s14+$0x0] =	vst v2  }
0x87: {  	v2 =	vld.idx.msk [tilespmem:v3+s29+$0x0], $0xffff  }
0x88: {  	v3 =	vor.u32 $0xA, v1;
	_ =	sdelay $0x1  }
0x89: {  	s26 =	sor.u32 $0x5600, s0  }
0x8a: {  	s17 =	sor.u32 s28, s26  }
0x8b: {  	[tilespmem:s17+$0x0] =	vst v2  }
0x8c: {  	v2 =	vld.idx.msk [tilespmem:v3+s29+$0x0], $0xffff  }
0x8d: {  	v3 =	vor.u32 $0xB, v1;
	_ =	sdelay $0x1  }
0x8e: {  	s17 =	sor.u32 $0x5800, s0  }
0x8f: {  	s19 =	sor.u32 s28, s17  }
0x90: {  	[tilespmem:s19+$0x0] =	vst v2  }
0x91: {  	v2 =	vld.idx.msk [tilespmem:v3+s29+$0x0], $0xffff  }
0x92: {  	v3 =	vor.u32 $0xC, v1;
	_ =	sdelay $0x1  }
0x93: {  	s30 =	sor.u32 $0x5A00, s0  }
0x94: {  	s20 =	sor.u32 s28, s30  }
0x95: {  	[tilespmem:s20+$0x0] =	vst v2  }
0x96: {  	v2 =	vld.idx.msk [tilespmem:v3+s29+$0x0], $0xffff  }
0x97: {  	v3 =	vor.u32 $0xD, v1;
	_ =	sdelay $0x1  }
0x98: {  	s20 =	sor.u32 $0x5C00, s0  }
0x99: {  	s21 =	sor.u32 s28, s20  }
0x9a: {  	[tilespmem:s21+$0x0] =	vst v2  }
0x9b: {  	v2 =	vld.idx.msk [tilespmem:v3+s29+$0x0], $0xffff  }
0x9c: {  	v3 =	vor.u32 $0xE, v1;
	_ =	sdelay $0x1  }
0x9d: {  	s7 =	sor.u32 $0x5E00, s0  }
0x9e: {  	s25 =	sor.u32 s28, s7  }
0x9f: {  	[tilespmem:s25+$0x0] =	vst v2  }
0xa0: {  	v2 =	vld.idx.msk [tilespmem:v3+s29+$0x0], $0xffff  }
0xa1: {  	v3 =	vor.u32 $0xF, v1;
	_ =	sdelay $0x1  }
0xa2: {  	s5 =	sor.u32 $0x6000, s0  }
0xa3: {  	s31 =	sor.u32 s28, s5  }
0xa4: {  	[tilespmem:s31+$0x0] =	vst v2  }
0xa5: {  	v2 =	vld.idx.msk [tilespmem:v3+s29+$0x0], $0xffff  }
0xa6: {  	v3 =	vor.u32 $0x10, v1;
	_ =	sdelay $0x1  }
0xa7: {  	s6 =	sor.u32 $0x6200, s0  }
0xa8: {  	s2 =	sor.u32 s28, s6  }
0xa9: {  	[tilespmem:s2+$0x0] =	vst v2  }
0xaa: {  	v2 =	vld.idx.msk [tilespmem:v3+s29+$0x0], $0xffff  }
0xab: {  	v3 =	vor.u32 $0x11, v1;
	_ =	sdelay $0x1  }
0xac: {  	s4 =	sor.u32 $0x6400, s0  }
0xad: {  	s3 =	sor.u32 s28, s4  }
0xae: {  	[tilespmem:s3+$0x0] =	vst v2  }
0xaf: {  	v2 =	vld.idx.msk [tilespmem:v3+s29+$0x0], $0xffff  }
0xb0: {  	v3 =	vor.u32 $0x12, v1;
	_ =	sdelay $0x1  }
0xb1: {  	s3 =	sor.u32 $0x6600, s0  }
0xb2: {  	s8 =	sor.u32 s28, s3  }
0xb3: {  	[tilespmem:s8+$0x0] =	vst v2  }
0xb4: {  	v2 =	vld.idx.msk [tilespmem:v3+s29+$0x0], $0xffff  }
0xb5: {  	v3 =	vor.u32 $0x13, v1;
	_ =	sdelay $0x1  }
0xb6: {  	s8 =	sor.u32 $0x6800, s0  }
0xb7: {  	s12 =	sor.u32 s28, s8  }
0xb8: {  	[tilespmem:s12+$0x0] =	vst v2  }
0xb9: {  	v2 =	vld.idx.msk [tilespmem:v3+s29+$0x0], $0xffff  }
0xba: {  	v3 =	vor.u32 $0x14, v1;
	_ =	sdelay $0x1  }
0xbb: {  	s12 =	sor.u32 $0x6A00, s0  }
0xbc: {  	s13 =	sor.u32 s28, s12  }
0xbd: {  	[tilespmem:s13+$0x0] =	vst v2  }
0xbe: {  	v2 =	vld.idx.msk [tilespmem:v3+s29+$0x0], $0xffff  }
0xbf: {  	v3 =	vor.u32 $0x15, v1;
	_ =	sdelay $0x1  }
0xc0: {  	s13 =	sor.u32 $0x6C00, s0  }
0xc1: {  	s14 =	sor.u32 s28, s13  }
0xc2: {  	[tilespmem:s14+$0x0] =	vst v2  }
0xc3: {  	v2 =	vld.idx.msk [tilespmem:v3+s29+$0x0], $0xffff  }
0xc4: {  	v3 =	vor.u32 $0x16, v1;
	_ =	sdelay $0x1  }
0xc5: {  	s14 =	sor.u32 $0x6E00, s0  }
0xc6: {  	s19 =	sor.u32 s28, s14  }
0xc7: {  	[tilespmem:s19+$0x0] =	vst v2  }
0xc8: {  	v2 =	vld.idx.msk [tilespmem:v3+s29+$0x0], $0xffff  }
0xc9: {  	v3 =	vor.u32 $0x17, v1;
	_ =	sdelay $0x1  }
0xca: {  	s19 =	sor.u32 $0x7000, s0  }
0xcb: {  	s21 =	sor.u32 s28, s19  }
0xcc: {  	[tilespmem:s21+$0x0] =	vst v2  }
0xcd: {  	v2 =	vld.idx.msk [tilespmem:v3+s29+$0x0], $0xffff  }
0xce: {  	v3 =	vor.u32 $0x18, v1;
	_ =	sdelay $0x1  }
0xcf: {  	s21 =	sor.u32 $0x7200, s0  }
0xd0: {  	s25 =	sor.u32 s28, s21  }
0xd1: {  	[tilespmem:s25+$0x0] =	vst v2  }
0xd2: {  	v2 =	vld.idx.msk [tilespmem:v3+s29+$0x0], $0xffff  }
0xd3: {  	v3 =	vor.u32 $0x19, v1;
	_ =	sdelay $0x1  }
0xd4: {  	s25 =	sor.u32 $0x7400, s0  }
0xd5: {  	s31 =	sor.u32 s28, s25  }
0xd6: {  	[tilespmem:s31+$0x0] =	vst v2  }
0xd7: {  	v2 =	vld.idx.msk [tilespmem:v3+s29+$0x0], $0xffff  }
0xd8: {  	v3 =	vor.u32 $0x1A, v1;
	_ =	sdelay $0x1  }
0xd9: {  	s2 =	sor.u32 $0x7600, s0  }
0xda: {  	s1 =	sor.u32 s28, s2  }
0xdb: {  	[tilespmem:s1+$0x0] =	vst v2  }
0xdc: {  	v2 =	vld.idx.msk [tilespmem:v3+s29+$0x0], $0xffff  }
0xdd: {  	v3 =	vor.u32 $0x1B, v1;
	_ =	sdelay $0x1  }
0xde: {  	s31 =	sor.u32 $0x7800, s0  }
0xdf: {  	s1 =	sor.u32 s28, s31  }
0xe0: {  	[tilespmem:s1+$0x0] =	vst v2  }
0xe1: {  	v2 =	vld.idx.msk [tilespmem:v3+s29+$0x0], $0xffff  }
0xe2: {  	v3 =	vor.u32 $0x1C, v1;
	_ =	sdelay $0x1  }
0xe3: {  	[dreg:$0x14] =	wrdreg s2;
	s2 =	sor.u32 $0x7A00, s0  }
0xe4: {  	s1 =	sor.u32 s28, s2  }
0xe5: {  	[tilespmem:s1+$0x0] =	vst v2  }
0xe6: {  	v2 =	vld.idx.msk [tilespmem:v3+s29+$0x0], $0xffff  }
0xe7: {  	v3 =	vor.u32 $0x1D, v1;
	_ =	sdelay $0x1  }
0xe8: {  	[dreg:$0x15] =	wrdreg s31;
	s31 =	sor.u32 $0x7C00, s0  }
0xe9: {  	s1 =	sor.u32 s28, s31  }
0xea: {  	[tilespmem:s1+$0x0] =	vst v2  }
0xeb: {  	v2 =	vld.idx.msk [tilespmem:v3+s29+$0x0], $0xffff  }
0xec: {  	v3 =	vor.u32 $0x1E, v1;
	_ =	sdelay $0x1  }
0xed: {  	[dreg:$0x16] =	wrdreg s2;
	s2 =	sor.u32 $0x7E00, s0  }
0xee: {  	s1 =	sor.u32 s28, s2  }
0xef: {  	[tilespmem:s1+$0x0] =	vst v2  }
0xf0: {  	v2 =	vld.idx.msk [tilespmem:v3+s29+$0x0], $0xffff  }
0xf1: {  	[dreg:$0x10] =	wrdreg s31;
	v1 =	vor.u32 $0x1F, v1  }
0xf2: {  	[dreg:$0x11] =	wrdreg s2  }
0xf3: {  	s31 =	sor.u32 $0x8000, s0;
	s2 =	rddreg [dreg:$0xf]  }
0xf4: {  	[dreg:$0x12] =	wrdreg s31;
	s1 =	sor.u32 s28, s31;
	s31 =	sadd.s32 $0xFFFFFFE0, s2  }
0xf5: {  	[tilespmem:s1+$0x0] =	vst v2;
	v2 =	vmov s31  }
0xf6: {  	v1 =	vld.idx.msk [tilespmem:v1+s29+$0x0], $0xffff;
	v2 =	vshll.u32 v2, $0x5  }
0xf7: {  	v2 =	vor.u32 v0, v2;
	_ =	sdelay $0x1  }
0xf8: {  	s0 =	sor.u32 $0x8200, s0  }
0xf9: {  	[dreg:$0x13] =	wrdreg s0;
	s0 =	sor.u32 s28, s0  }
0xfa: {  	[tilespmem:s0+$0x0] =	vst v1  }
0xfb: {  	v1 =	vld.idx.msk [tilespmem:v2+s29+$0x0], $0xffff  }
0xfc: {  	v3 =	vor.u32 $0x1, v2;
	_ =	sdelay $0x1  }
0xfd: {  	s28 =	sand.u32 $0x50, s31  }
0xfe: {  	s2 =	sor.u32 s28, s9  }
0xff: {  	[tilespmem:s2+$0x0] =	vst v1  }
0x100: {  	v1 =	vld.idx.msk [tilespmem:v3+s29+$0x0], $0xffff  }
0x101: {  	v3 =	vor.u32 $0x2, v2;
	_ =	sdelay $0x2  }
0x102: {  	[dreg:$0x17] =	wrdreg s9;
	s9 =	sor.u32 s28, s24  }
0x103: {  	[tilespmem:s9+$0x0] =	vst v1  }
0x104: {  	v1 =	vld.idx.msk [tilespmem:v3+s29+$0x0], $0xffff  }
0x105: {  	v3 =	vor.u32 $0x3, v2;
	_ =	sdelay $0x2  }
0x106: {  	s31 =	sor.u32 s28, s23  }
0x107: {  	[tilespmem:s31+$0x0] =	vst v1  }
0x108: {  	v1 =	vld.idx.msk [tilespmem:v3+s29+$0x0], $0xffff  }
0x109: {  	v3 =	vor.u32 $0x4, v2;
	_ =	sdelay $0x2  }
0x10a: {  	s0 =	sor.u32 s28, s18  }
0x10b: {  	[tilespmem:s0+$0x0] =	vst v1  }
0x10c: {  	v1 =	vld.idx.msk [tilespmem:v3+s29+$0x0], $0xffff  }
0x10d: {  	v3 =	vor.u32 $0x5, v2;
	_ =	sdelay $0x2  }
0x10e: {  	s2 =	sor.u32 s28, s16  }
0x10f: {  	[tilespmem:s2+$0x0] =	vst v1  }
0x110: {  	v1 =	vld.idx.msk [tilespmem:v3+s29+$0x0], $0xffff  }
0x111: {  	v3 =	vor.u32 $0x6, v2;
	_ =	sdelay $0x2  }
0x112: {  	s9 =	sor.u32 s28, s15  }
0x113: {  	[tilespmem:s9+$0x0] =	vst v1  }
0x114: {  	v1 =	vld.idx.msk [tilespmem:v3+s29+$0x0], $0xffff  }
0x115: {  	v3 =	vor.u32 $0x7, v2;
	_ =	sdelay $0x2  }
0x116: {  	s31 =	sor.u32 s28, s10  }
0x117: {  	[tilespmem:s31+$0x0] =	vst v1  }
0x118: {  	v1 =	vld.idx.msk [tilespmem:v3+s29+$0x0], $0xffff  }
0x119: {  	v3 =	vor.u32 $0x8, v2;
	_ =	sdelay $0x2  }
0x11a: {  	s0 =	sor.u32 s28, s11  }
0x11b: {  	[tilespmem:s0+$0x0] =	vst v1  }
0x11c: {  	v1 =	vld.idx.msk [tilespmem:v3+s29+$0x0], $0xffff  }
0x11d: {  	v3 =	vor.u32 $0x9, v2;
	_ =	sdelay $0x2  }
0x11e: {  	s2 =	sor.u32 s28, s22  }
0x11f: {  	[tilespmem:s2+$0x0] =	vst v1  }
0x120: {  	v1 =	vld.idx.msk [tilespmem:v3+s29+$0x0], $0xffff  }
0x121: {  	v3 =	vor.u32 $0xA, v2;
	_ =	sdelay $0x2  }
0x122: {  	s9 =	sor.u32 s28, s26  }
0x123: {  	[tilespmem:s9+$0x0] =	vst v1  }
0x124: {  	v1 =	vld.idx.msk [tilespmem:v3+s29+$0x0], $0xffff  }
0x125: {  	v3 =	vor.u32 $0xB, v2;
	_ =	sdelay $0x2  }
0x126: {  	s9 =	smov.u32 s17;
	s17 =	sor.u32 s28, s17  }
0x127: {  	[tilespmem:s17+$0x0] =	vst v1  }
0x128: {  	v1 =	vld.idx.msk [tilespmem:v3+s29+$0x0], $0xffff  }
0x129: {  	v3 =	vor.u32 $0xC, v2;
	_ =	sdelay $0x2  }
0x12a: {  	s31 =	sor.u32 s28, s30  }
0x12b: {  	[tilespmem:s31+$0x0] =	vst v1  }
0x12c: {  	v1 =	vld.idx.msk [tilespmem:v3+s29+$0x0], $0xffff  }
0x12d: {  	v3 =	vor.u32 $0xD, v2;
	_ =	sdelay $0x2  }
0x12e: {  	s0 =	sor.u32 s28, s20  }
0x12f: {  	[tilespmem:s0+$0x0] =	vst v1  }
0x130: {  	v1 =	vld.idx.msk [tilespmem:v3+s29+$0x0], $0xffff  }
0x131: {  	v3 =	vor.u32 $0xE, v2;
	_ =	sdelay $0x2  }
0x132: {  	s2 =	sor.u32 s28, s7  }
0x133: {  	[tilespmem:s2+$0x0] =	vst v1  }
0x134: {  	v1 =	vld.idx.msk [tilespmem:v3+s29+$0x0], $0xffff  }
0x135: {  	v3 =	vor.u32 $0xF, v2;
	_ =	sdelay $0x2  }
0x136: {  	s17 =	smov.u32 s30;
	s30 =	sor.u32 s28, s5  }
0x137: {  	[tilespmem:s30+$0x0] =	vst v1  }
0x138: {  	v1 =	vld.idx.msk [tilespmem:v3+s29+$0x0], $0xffff  }
0x139: {  	v3 =	vor.u32 $0x10, v2;
	_ =	sdelay $0x2  }
0x13a: {  	s31 =	sor.u32 s28, s6  }
0x13b: {  	[tilespmem:s31+$0x0] =	vst v1  }
0x13c: {  	v1 =	vld.idx.msk [tilespmem:v3+s29+$0x0], $0xffff  }
0x13d: {  	v3 =	vor.u32 $0x11, v2;
	_ =	sdelay $0x2  }
0x13e: {  	s0 =	sor.u32 s28, s4  }
0x13f: {  	[tilespmem:s0+$0x0] =	vst v1  }
0x140: {  	v1 =	vld.idx.msk [tilespmem:v3+s29+$0x0], $0xffff  }
0x141: {  	v3 =	vor.u32 $0x12, v2;
	_ =	sdelay $0x2  }
0x142: {  	s2 =	sor.u32 s28, s3  }
0x143: {  	[tilespmem:s2+$0x0] =	vst v1  }
0x144: {  	v1 =	vld.idx.msk [tilespmem:v3+s29+$0x0], $0xffff  }
0x145: {  	v3 =	vor.u32 $0x13, v2;
	_ =	sdelay $0x2  }
0x146: {  	s30 =	sor.u32 s28, s8  }
0x147: {  	[tilespmem:s30+$0x0] =	vst v1  }
0x148: {  	v1 =	vld.idx.msk [tilespmem:v3+s29+$0x0], $0xffff  }
0x149: {  	v3 =	vor.u32 $0x14, v2;
	_ =	sdelay $0x2  }
0x14a: {  	s31 =	sor.u32 s28, s12  }
0x14b: {  	[tilespmem:s31+$0x0] =	vst v1  }
0x14c: {  	v1 =	vld.idx.msk [tilespmem:v3+s29+$0x0], $0xffff  }
0x14d: {  	v3 =	vor.u32 $0x15, v2;
	_ =	sdelay $0x2  }
0x14e: {  	s0 =	sor.u32 s28, s13  }
0x14f: {  	[tilespmem:s0+$0x0] =	vst v1  }
0x150: {  	v1 =	vld.idx.msk [tilespmem:v3+s29+$0x0], $0xffff  }
0x151: {  	v3 =	vor.u32 $0x16, v2;
	_ =	sdelay $0x2  }
0x152: {  	s2 =	sor.u32 s28, s14  }
0x153: {  	[tilespmem:s2+$0x0] =	vst v1  }
0x154: {  	v1 =	vld.idx.msk [tilespmem:v3+s29+$0x0], $0xffff  }
0x155: {  	v3 =	vor.u32 $0x17, v2;
	_ =	sdelay $0x2  }
0x156: {  	s30 =	sor.u32 s28, s19  }
0x157: {  	[tilespmem:s30+$0x0] =	vst v1  }
0x158: {  	v1 =	vld.idx.msk [tilespmem:v3+s29+$0x0], $0xffff  }
0x159: {  	v3 =	vor.u32 $0x18, v2;
	_ =	sdelay $0x2  }
0x15a: {  	s31 =	sor.u32 s28, s21  }
0x15b: {  	[tilespmem:s31+$0x0] =	vst v1  }
0x15c: {  	v1 =	vld.idx.msk [tilespmem:v3+s29+$0x0], $0xffff  }
0x15d: {  	v3 =	vor.u32 $0x19, v2;
	_ =	sdelay $0x2  }
0x15e: {  	s0 =	sor.u32 s28, s25  }
0x15f: {  	[tilespmem:s0+$0x0] =	vst v1  }
0x160: {  	v1 =	vld.idx.msk [tilespmem:v3+s29+$0x0], $0xffff  }
0x161: {  	v3 =	vor.u32 $0x1A, v2;
	_ =	sdelay $0x1  }
0x162: {  	s0 =	rddreg [dreg:$0x14]  }
0x163: {  	s2 =	sor.u32 s28, s0  }
0x164: {  	[tilespmem:s2+$0x0] =	vst v1  }
0x165: {  	v1 =	vld.idx.msk [tilespmem:v3+s29+$0x0], $0xffff  }
0x166: {  	v3 =	vor.u32 $0x1B, v2;
	_ =	sdelay $0x1  }
0x167: {  	s2 =	rddreg [dreg:$0x15]  }
0x168: {  	s30 =	sor.u32 s28, s2  }
0x169: {  	[tilespmem:s30+$0x0] =	vst v1  }
0x16a: {  	v1 =	vld.idx.msk [tilespmem:v3+s29+$0x0], $0xffff  }
0x16b: {  	v3 =	vor.u32 $0x1C, v2;
	_ =	sdelay $0x1  }
0x16c: {  	s30 =	rddreg [dreg:$0x16]  }
0x16d: {  	s31 =	sor.u32 s28, s30  }
0x16e: {  	[tilespmem:s31+$0x0] =	vst v1  }
0x16f: {  	v1 =	vld.idx.msk [tilespmem:v3+s29+$0x0], $0xffff  }
0x170: {  	v3 =	vor.u32 $0x1D, v2;
	_ =	sdelay $0x1  }
0x171: {  	s31 =	rddreg [dreg:$0x10]  }
0x172: {  	s1 =	sor.u32 s28, s31  }
0x173: {  	[tilespmem:s1+$0x0] =	vst v1  }
0x174: {  	v1 =	vld.idx.msk [tilespmem:v3+s29+$0x0], $0xffff  }
0x175: {  	v3 =	vor.u32 $0x1E, v2;
	_ =	sdelay $0x1  }
0x176: {  	s31 =	rddreg [dreg:$0x11]  }
0x177: {  	s1 =	sor.u32 s28, s31  }
0x178: {  	[tilespmem:s1+$0x0] =	vst v1  }
0x179: {  	v1 =	vld.idx.msk [tilespmem:v3+s29+$0x0], $0xffff  }
0x17a: {  	v2 =	vor.u32 $0x1F, v2  }
0x17b: {  	s31 =	rddreg [dreg:$0x12]  }
0x17c: {  	s1 =	sor.u32 s28, s31;
	s31 =	rddreg [dreg:$0xf]  }
0x17d: {  	s31 =	sadd.s32 $0xFFFFFFF0, s31  }
0x17e: {  	[tilespmem:s1+$0x0] =	vst v1;
	v1 =	vmov s31  }
0x17f: {  	v2 =	vld.idx.msk [tilespmem:v2+s29+$0x0], $0xffff;
	v1 =	vshll.u32 v1, $0x5  }
0x180: {  	v1 =	vor.u32 v0, v1;
	_ =	sdelay $0x1  }
0x181: {  	s1 =	rddreg [dreg:$0x13]  }
0x182: {  	s1 =	sor.u32 s28, s1  }
0x183: {  	[tilespmem:s1+$0x0] =	vst v2  }
0x184: {  	v2 =	vld.idx.msk [tilespmem:v1+s29+$0x0], $0xffff  }
0x185: {  	v3 =	vor.u32 $0x1, v1;
	_ =	sdelay $0x1  }
0x186: {  	s28 =	sand.u32 $0x60, s31;
	s31 =	rddreg [dreg:$0x17]  }
0x187: {  	s1 =	sor.u32 s28, s31  }
0x188: {  	[tilespmem:s1+$0x0] =	vst v2  }
0x189: {  	v2 =	vld.idx.msk [tilespmem:v3+s29+$0x0], $0xffff  }
0x18a: {  	v3 =	vor.u32 $0x2, v1;
	_ =	sdelay $0x2  }
0x18b: {  	s1 =	sor.u32 s28, s24  }
0x18c: {  	[tilespmem:s1+$0x0] =	vst v2  }
0x18d: {  	v2 =	vld.idx.msk [tilespmem:v3+s29+$0x0], $0xffff  }
0x18e: {  	v3 =	vor.u32 $0x3, v1;
	_ =	sdelay $0x2  }
0x18f: {  	s1 =	sor.u32 s28, s23  }
0x190: {  	[tilespmem:s1+$0x0] =	vst v2  }
0x191: {  	v2 =	vld.idx.msk [tilespmem:v3+s29+$0x0], $0xffff  }
0x192: {  	v3 =	vor.u32 $0x4, v1;
	_ =	sdelay $0x2  }
0x193: {  	s1 =	sor.u32 s28, s18  }
0x194: {  	[tilespmem:s1+$0x0] =	vst v2  }
0x195: {  	v2 =	vld.idx.msk [tilespmem:v3+s29+$0x0], $0xffff  }
0x196: {  	v3 =	vor.u32 $0x5, v1;
	_ =	sdelay $0x2  }
0x197: {  	s1 =	sor.u32 s28, s16  }
0x198: {  	[tilespmem:s1+$0x0] =	vst v2  }
0x199: {  	v2 =	vld.idx.msk [tilespmem:v3+s29+$0x0], $0xffff  }
0x19a: {  	v3 =	vor.u32 $0x6, v1;
	_ =	sdelay $0x2  }
0x19b: {  	s1 =	sor.u32 s28, s15  }
0x19c: {  	[tilespmem:s1+$0x0] =	vst v2  }
0x19d: {  	v2 =	vld.idx.msk [tilespmem:v3+s29+$0x0], $0xffff  }
0x19e: {  	v3 =	vor.u32 $0x7, v1;
	_ =	sdelay $0x2  }
0x19f: {  	s1 =	sor.u32 s28, s10  }
0x1a0: {  	[tilespmem:s1+$0x0] =	vst v2  }
0x1a1: {  	v2 =	vld.idx.msk [tilespmem:v3+s29+$0x0], $0xffff  }
0x1a2: {  	v3 =	vor.u32 $0x8, v1;
	_ =	sdelay $0x2  }
0x1a3: {  	s1 =	sor.u32 s28, s11  }
0x1a4: {  	[tilespmem:s1+$0x0] =	vst v2  }
0x1a5: {  	v2 =	vld.idx.msk [tilespmem:v3+s29+$0x0], $0xffff  }
0x1a6: {  	v3 =	vor.u32 $0x9, v1;
	_ =	sdelay $0x2  }
0x1a7: {  	s1 =	sor.u32 s28, s22  }
0x1a8: {  	[tilespmem:s1+$0x0] =	vst v2  }
0x1a9: {  	v2 =	vld.idx.msk [tilespmem:v3+s29+$0x0], $0xffff  }
0x1aa: {  	v3 =	vor.u32 $0xA, v1;
	_ =	sdelay $0x2  }
0x1ab: {  	s1 =	sor.u32 s28, s26  }
0x1ac: {  	[tilespmem:s1+$0x0] =	vst v2  }
0x1ad: {  	v2 =	vld.idx.msk [tilespmem:v3+s29+$0x0], $0xffff  }
0x1ae: {  	v3 =	vor.u32 $0xB, v1;
	_ =	sdelay $0x2  }
0x1af: {  	s1 =	sor.u32 s28, s9  }
0x1b0: {  	[tilespmem:s1+$0x0] =	vst v2  }
0x1b1: {  	v2 =	vld.idx.msk [tilespmem:v3+s29+$0x0], $0xffff  }
0x1b2: {  	v3 =	vor.u32 $0xC, v1;
	_ =	sdelay $0x2  }
0x1b3: {  	s1 =	sor.u32 s28, s17  }
0x1b4: {  	[tilespmem:s1+$0x0] =	vst v2  }
0x1b5: {  	v2 =	vld.idx.msk [tilespmem:v3+s29+$0x0], $0xffff  }
0x1b6: {  	v3 =	vor.u32 $0xD, v1;
	_ =	sdelay $0x2  }
0x1b7: {  	s1 =	sor.u32 s28, s20  }
0x1b8: {  	[tilespmem:s1+$0x0] =	vst v2  }
0x1b9: {  	v2 =	vld.idx.msk [tilespmem:v3+s29+$0x0], $0xffff  }
0x1ba: {  	v3 =	vor.u32 $0xE, v1;
	_ =	sdelay $0x2  }
0x1bb: {  	s1 =	sor.u32 s28, s7  }
0x1bc: {  	[tilespmem:s1+$0x0] =	vst v2  }
0x1bd: {  	v2 =	vld.idx.msk [tilespmem:v3+s29+$0x0], $0xffff  }
0x1be: {  	v3 =	vor.u32 $0xF, v1;
	_ =	sdelay $0x2  }
0x1bf: {  	s1 =	sor.u32 s28, s5  }
0x1c0: {  	[tilespmem:s1+$0x0] =	vst v2  }
0x1c1: {  	v2 =	vld.idx.msk [tilespmem:v3+s29+$0x0], $0xffff  }
0x1c2: {  	v3 =	vor.u32 $0x10, v1;
	_ =	sdelay $0x2  }
0x1c3: {  	s1 =	sor.u32 s28, s6  }
0x1c4: {  	[tilespmem:s1+$0x0] =	vst v2  }
0x1c5: {  	v2 =	vld.idx.msk [tilespmem:v3+s29+$0x0], $0xffff  }
0x1c6: {  	v3 =	vor.u32 $0x11, v1;
	_ =	sdelay $0x2  }
0x1c7: {  	[dreg:$0x18] =	wrdreg s4;
	s4 =	sor.u32 s28, s4  }
0x1c8: {  	[tilespmem:s4+$0x0] =	vst v2  }
0x1c9: {  	v2 =	vld.idx.msk [tilespmem:v3+s29+$0x0], $0xffff  }
0x1ca: {  	v3 =	vor.u32 $0x12, v1;
	_ =	sdelay $0x2  }
0x1cb: {  	[dreg:$0x19] =	wrdreg s3;
	s3 =	sor.u32 s28, s3  }
0x1cc: {  	[tilespmem:s3+$0x0] =	vst v2  }
0x1cd: {  	v2 =	vld.idx.msk [tilespmem:v3+s29+$0x0], $0xffff  }
0x1ce: {  	v3 =	vor.u32 $0x13, v1;
	_ =	sdelay $0x2  }
0x1cf: {  	s4 =	sor.u32 s28, s8  }
0x1d0: {  	[tilespmem:s4+$0x0] =	vst v2  }
0x1d1: {  	v2 =	vld.idx.msk [tilespmem:v3+s29+$0x0], $0xffff  }
0x1d2: {  	v3 =	vor.u32 $0x14, v1;
	_ =	sdelay $0x2  }
0x1d3: {  	s3 =	sor.u32 s28, s12  }
0x1d4: {  	[tilespmem:s3+$0x0] =	vst v2  }
0x1d5: {  	v2 =	vld.idx.msk [tilespmem:v3+s29+$0x0], $0xffff  }
0x1d6: {  	v3 =	vor.u32 $0x15, v1;
	_ =	sdelay $0x2  }
0x1d7: {  	s4 =	sor.u32 s28, s13  }
0x1d8: {  	[tilespmem:s4+$0x0] =	vst v2  }
0x1d9: {  	v2 =	vld.idx.msk [tilespmem:v3+s29+$0x0], $0xffff  }
0x1da: {  	v3 =	vor.u32 $0x16, v1;
	_ =	sdelay $0x2  }
0x1db: {  	s3 =	sor.u32 s28, s14  }
0x1dc: {  	[tilespmem:s3+$0x0] =	vst v2  }
0x1dd: {  	v2 =	vld.idx.msk [tilespmem:v3+s29+$0x0], $0xffff  }
0x1de: {  	v3 =	vor.u32 $0x17, v1;
	_ =	sdelay $0x2  }
0x1df: {  	s4 =	sor.u32 s28, s19  }
0x1e0: {  	[tilespmem:s4+$0x0] =	vst v2  }
0x1e1: {  	v2 =	vld.idx.msk [tilespmem:v3+s29+$0x0], $0xffff  }
0x1e2: {  	v3 =	vor.u32 $0x18, v1;
	_ =	sdelay $0x2  }
0x1e3: {  	s3 =	sor.u32 s28, s21  }
0x1e4: {  	[tilespmem:s3+$0x0] =	vst v2  }
0x1e5: {  	v2 =	vld.idx.msk [tilespmem:v3+s29+$0x0], $0xffff  }
0x1e6: {  	v3 =	vor.u32 $0x19, v1;
	_ =	sdelay $0x2  }
0x1e7: {  	s4 =	sor.u32 s28, s25  }
0x1e8: {  	[tilespmem:s4+$0x0] =	vst v2  }
0x1e9: {  	v2 =	vld.idx.msk [tilespmem:v3+s29+$0x0], $0xffff  }
0x1ea: {  	v3 =	vor.u32 $0x1A, v1;
	_ =	sdelay $0x2  }
0x1eb: {  	s3 =	sor.u32 s28, s0  }
0x1ec: {  	[tilespmem:s3+$0x0] =	vst v2  }
0x1ed: {  	v2 =	vld.idx.msk [tilespmem:v3+s29+$0x0], $0xffff  }
0x1ee: {  	v3 =	vor.u32 $0x1B, v1;
	_ =	sdelay $0x2  }
0x1ef: {  	s4 =	sor.u32 s28, s2  }
0x1f0: {  	[tilespmem:s4+$0x0] =	vst v2  }
0x1f1: {  	v2 =	vld.idx.msk [tilespmem:v3+s29+$0x0], $0xffff  }
0x1f2: {  	v3 =	vor.u32 $0x1C, v1;
	_ =	sdelay $0x2  }
0x1f3: {  	s0 =	sor.u32 s28, s30  }
0x1f4: {  	[tilespmem:s0+$0x0] =	vst v2  }
0x1f5: {  	v2 =	vld.idx.msk [tilespmem:v3+s29+$0x0], $0xffff  }
0x1f6: {  	v3 =	vor.u32 $0x1D, v1;
	_ =	sdelay $0x1  }
0x1f7: {  	s4 =	rddreg [dreg:$0x10]  }
0x1f8: {  	s2 =	sor.u32 s28, s4  }
0x1f9: {  	[tilespmem:s2+$0x0] =	vst v2  }
0x1fa: {  	v2 =	vld.idx.msk [tilespmem:v3+s29+$0x0], $0xffff  }
0x1fb: {  	v3 =	vor.u32 $0x1E, v1;
	_ =	sdelay $0x1  }
0x1fc: {  	s2 =	rddreg [dreg:$0x11]  }
0x1fd: {  	s3 =	sor.u32 s28, s2  }
0x1fe: {  	[tilespmem:s3+$0x0] =	vst v2  }
0x1ff: {  	v2 =	vld.idx.msk [tilespmem:v3+s29+$0x0], $0xffff;
	_ =	sdelay $0x1  }
0x200: {  	v1 =	vor.u32 $0x1F, v1  }
0x201: {  	s3 =	rddreg [dreg:$0x12]  }
0x202: {  	s0 =	sor.u32 s28, s3  }
0x203: {  	[tilespmem:s0+$0x0] =	vst v2;
	s0 =	rddreg [dreg:$0xf]  }
0x204: {  	v2 =	vmov s0  }
0x205: {  	v1 =	vld.idx.msk [tilespmem:v1+s29+$0x0], $0xffff;
	v2 =	vshll.u32 v2, $0x5  }
0x206: {  	v2 =	vor.u32 v0, v2;
	_ =	sdelay $0x1  }
0x207: {  	s0 =	rddreg [dreg:$0x13]  }
0x208: {  	s28 =	sor.u32 s28, s0  }
0x209: {  	[tilespmem:s28+$0x0] =	vst v1  }
0x20a: {  	v1 =	vld.idx.msk [tilespmem:v2+s29+$0x0], $0xffff  }
0x20b: {  	v3 =	vor.u32 $0x1, v2  }
0x20c: {  	s28 =	rddreg [dreg:$0xf]  }
0x20d: {  	s28 =	sand.u32 $0x70, s28  }
0x20e: {  	s1 =	sor.u32 s28, s31  }
0x20f: {  	[tilespmem:s1+$0x0] =	vst v1  }
0x210: {  	v1 =	vld.idx.msk [tilespmem:v3+s29+$0x0], $0xffff  }
0x211: {  	v3 =	vor.u32 $0x2, v2;
	_ =	sdelay $0x2  }
0x212: {  	s24 =	sor.u32 s28, s24  }
0x213: {  	[tilespmem:s24+$0x0] =	vst v1  }
0x214: {  	v1 =	vld.idx.msk [tilespmem:v3+s29+$0x0], $0xffff  }
0x215: {  	v3 =	vor.u32 $0x3, v2;
	_ =	sdelay $0x2  }
0x216: {  	s31 =	sor.u32 s28, s23  }
0x217: {  	[tilespmem:s31+$0x0] =	vst v1  }
0x218: {  	v1 =	vld.idx.msk [tilespmem:v3+s29+$0x0], $0xffff  }
0x219: {  	v3 =	vor.u32 $0x4, v2;
	_ =	sdelay $0x2  }
0x21a: {  	s23 =	sor.u32 s28, s18  }
0x21b: {  	[tilespmem:s23+$0x0] =	vst v1  }
0x21c: {  	v1 =	vld.idx.msk [tilespmem:v3+s29+$0x0], $0xffff  }
0x21d: {  	v3 =	vor.u32 $0x5, v2;
	_ =	sdelay $0x2  }
0x21e: {  	s24 =	sor.u32 s28, s16  }
0x21f: {  	[tilespmem:s24+$0x0] =	vst v1  }
0x220: {  	v1 =	vld.idx.msk [tilespmem:v3+s29+$0x0], $0xffff  }
0x221: {  	v3 =	vor.u32 $0x6, v2;
	_ =	sdelay $0x2  }
0x222: {  	s31 =	sor.u32 s28, s15  }
0x223: {  	[tilespmem:s31+$0x0] =	vst v1  }
0x224: {  	v1 =	vld.idx.msk [tilespmem:v3+s29+$0x0], $0xffff  }
0x225: {  	v3 =	vor.u32 $0x7, v2;
	_ =	sdelay $0x2  }
0x226: {  	s15 =	sor.u32 s28, s10  }
0x227: {  	[tilespmem:s15+$0x0] =	vst v1  }
0x228: {  	v1 =	vld.idx.msk [tilespmem:v3+s29+$0x0], $0xffff  }
0x229: {  	v3 =	vor.u32 $0x8, v2;
	_ =	sdelay $0x2  }
0x22a: {  	s16 =	sor.u32 s28, s11  }
0x22b: {  	[tilespmem:s16+$0x0] =	vst v1  }
0x22c: {  	v1 =	vld.idx.msk [tilespmem:v3+s29+$0x0], $0xffff  }
0x22d: {  	v3 =	vor.u32 $0x9, v2;
	_ =	sdelay $0x2  }
0x22e: {  	s18 =	sor.u32 s28, s22  }
0x22f: {  	[tilespmem:s18+$0x0] =	vst v1  }
0x230: {  	v1 =	vld.idx.msk [tilespmem:v3+s29+$0x0], $0xffff  }
0x231: {  	v3 =	vor.u32 $0xA, v2;
	_ =	sdelay $0x2  }
0x232: {  	s22 =	sor.u32 s28, s26  }
0x233: {  	[tilespmem:s22+$0x0] =	vst v1  }
0x234: {  	v1 =	vld.idx.msk [tilespmem:v3+s29+$0x0], $0xffff  }
0x235: {  	v3 =	vor.u32 $0xB, v2;
	_ =	sdelay $0x2  }
0x236: {  	s23 =	sor.u32 s28, s9  }
0x237: {  	[tilespmem:s23+$0x0] =	vst v1  }
0x238: {  	v1 =	vld.idx.msk [tilespmem:v3+s29+$0x0], $0xffff  }
0x239: {  	v3 =	vor.u32 $0xC, v2;
	_ =	sdelay $0x2  }
0x23a: {  	s24 =	sor.u32 s28, s17  }
0x23b: {  	[tilespmem:s24+$0x0] =	vst v1  }
0x23c: {  	v1 =	vld.idx.msk [tilespmem:v3+s29+$0x0], $0xffff  }
0x23d: {  	v3 =	vor.u32 $0xD, v2;
	_ =	sdelay $0x2  }
0x23e: {  	s26 =	sor.u32 s28, s20  }
0x23f: {  	[tilespmem:s26+$0x0] =	vst v1  }
0x240: {  	v1 =	vld.idx.msk [tilespmem:v3+s29+$0x0], $0xffff  }
0x241: {  	v3 =	vor.u32 $0xE, v2;
	_ =	sdelay $0x2  }
0x242: {  	s31 =	sor.u32 s28, s7  }
0x243: {  	[tilespmem:s31+$0x0] =	vst v1  }
0x244: {  	v1 =	vld.idx.msk [tilespmem:v3+s29+$0x0], $0xffff  }
0x245: {  	v3 =	vor.u32 $0xF, v2;
	_ =	sdelay $0x2  }
0x246: {  	s5 =	sor.u32 s28, s5  }
0x247: {  	[tilespmem:s5+$0x0] =	vst v1  }
0x248: {  	v1 =	vld.idx.msk [tilespmem:v3+s29+$0x0], $0xffff  }
0x249: {  	v3 =	vor.u32 $0x10, v2;
	_ =	sdelay $0x2  }
0x24a: {  	s7 =	sor.u32 s28, s6  }
0x24b: {  	[tilespmem:s7+$0x0] =	vst v1  }
0x24c: {  	v1 =	vld.idx.msk [tilespmem:v3+s29+$0x0], $0xffff  }
0x24d: {  	v3 =	vor.u32 $0x11, v2;
	_ =	sdelay $0x1  }
0x24e: {  	s9 =	rddreg [dreg:$0x18]  }
0x24f: {  	s1 =	sor.u32 s28, s9  }
0x250: {  	[tilespmem:s1+$0x0] =	vst v1  }
0x251: {  	v1 =	vld.idx.msk [tilespmem:v3+s29+$0x0], $0xffff  }
0x252: {  	v3 =	vor.u32 $0x12, v2;
	_ =	sdelay $0x1  }
0x253: {  	s10 =	rddreg [dreg:$0x19]  }
0x254: {  	s1 =	sor.u32 s28, s10  }
0x255: {  	[tilespmem:s1+$0x0] =	vst v1  }
0x256: {  	v1 =	vld.idx.msk [tilespmem:v3+s29+$0x0], $0xffff  }
0x257: {  	v3 =	vor.u32 $0x13, v2;
	_ =	sdelay $0x2  }
0x258: {  	s11 =	sor.u32 s28, s8  }
0x259: {  	[tilespmem:s11+$0x0] =	vst v1  }
0x25a: {  	v1 =	vld.idx.msk [tilespmem:v3+s29+$0x0], $0xffff  }
0x25b: {  	v3 =	vor.u32 $0x14, v2;
	_ =	sdelay $0x2  }
0x25c: {  	s15 =	sor.u32 s28, s12  }
0x25d: {  	[tilespmem:s15+$0x0] =	vst v1  }
0x25e: {  	v1 =	vld.idx.msk [tilespmem:v3+s29+$0x0], $0xffff  }
0x25f: {  	v3 =	vor.u32 $0x15, v2;
	_ =	sdelay $0x2  }
0x260: {  	s16 =	sor.u32 s28, s13  }
0x261: {  	[tilespmem:s16+$0x0] =	vst v1  }
0x262: {  	v1 =	vld.idx.msk [tilespmem:v3+s29+$0x0], $0xffff  }
0x263: {  	v3 =	vor.u32 $0x16, v2;
	_ =	sdelay $0x2  }
0x264: {  	s17 =	sor.u32 s28, s14  }
0x265: {  	[tilespmem:s17+$0x0] =	vst v1  }
0x266: {  	v1 =	vld.idx.msk [tilespmem:v3+s29+$0x0], $0xffff  }
0x267: {  	v3 =	vor.u32 $0x17, v2;
	_ =	sdelay $0x2  }
0x268: {  	s18 =	sor.u32 s28, s19  }
0x269: {  	[tilespmem:s18+$0x0] =	vst v1  }
0x26a: {  	v1 =	vld.idx.msk [tilespmem:v3+s29+$0x0], $0xffff  }
0x26b: {  	v3 =	vor.u32 $0x18, v2;
	_ =	sdelay $0x2  }
0x26c: {  	s19 =	sor.u32 s28, s21  }
0x26d: {  	[tilespmem:s19+$0x0] =	vst v1  }
0x26e: {  	v1 =	vld.idx.msk [tilespmem:v3+s29+$0x0], $0xffff  }
0x26f: {  	v3 =	vor.u32 $0x19, v2;
	_ =	sdelay $0x2  }
0x270: {  	s20 =	sor.u32 s28, s25  }
0x271: {  	[tilespmem:s20+$0x0] =	vst v1  }
0x272: {  	v1 =	vld.idx.msk [tilespmem:v3+s29+$0x0], $0xffff  }
0x273: {  	v3 =	vor.u32 $0x1A, v2;
	_ =	sdelay $0x1  }
0x274: {  	s21 =	rddreg [dreg:$0x14]  }
0x275: {  	s1 =	sor.u32 s28, s21  }
0x276: {  	[tilespmem:s1+$0x0] =	vst v1  }
0x277: {  	v1 =	vld.idx.msk [tilespmem:v3+s29+$0x0], $0xffff  }
0x278: {  	v3 =	vor.u32 $0x1B, v2;
	_ =	sdelay $0x1  }
0x279: {  	s22 =	rddreg [dreg:$0x15]  }
0x27a: {  	s1 =	sor.u32 s28, s22  }
0x27b: {  	[tilespmem:s1+$0x0] =	vst v1  }
0x27c: {  	v1 =	vld.idx.msk [tilespmem:v3+s29+$0x0], $0xffff  }
0x27d: {  	v3 =	vor.u32 $0x1C, v2;
	_ =	sdelay $0x2  }
0x27e: {  	s23 =	sor.u32 s28, s30  }
0x27f: {  	[tilespmem:s23+$0x0] =	vst v1  }
0x280: {  	v1 =	vld.idx.msk [tilespmem:v3+s29+$0x0], $0xffff  }
0x281: {  	v3 =	vor.u32 $0x1D, v2;
	_ =	sdelay $0x2  }
0x282: {  	s24 =	sor.u32 s28, s4  }
0x283: {  	[tilespmem:s24+$0x0] =	vst v1  }
0x284: {  	v1 =	vld.idx.msk [tilespmem:v3+s29+$0x0], $0xffff  }
0x285: {  	v3 =	vor.u32 $0x1E, v2;
	_ =	sdelay $0x2  }
0x286: {  	s25 =	sor.u32 s28, s2  }
0x287: {  	[tilespmem:s25+$0x0] =	vst v1  }
0x288: {  	v1 =	vld.idx.msk [tilespmem:v3+s29+$0x0], $0xffff  }
0x289: {  	v2 =	vor.u32 $0x1F, v2;
	_ =	sdelay $0x2  }
0x28a: {  	s30 =	rddreg [dreg:$0xe];
	s26 =	sor.u32 s28, s3  }
0x28b: {  	s1 =	sadd.s32 $0x4, s30;
	[tilespmem:s26+$0x0] =	vst v1  }
0x28c: {  	p0 =	slt.u32 s1, $0x1C;
	v1 =	vld.idx.msk [tilespmem:v2+s29+$0x0], $0xffff  }
.Ltmp0:
0x28d: {  	_ = 	snop;
	(pc) =	sbr.rel @p0 .LBB2_2-.Ltmp0, $3  }
0x28e: {  	_ =	sdelay $0x1  }
0x28f: {  	s0 =	sor.u32 s28, s0;
	s31 =	rddreg [dreg:$0xf]  }
0x290: {  	[tilespmem:s0+$0x0] =	vst v1;
	s0 =	sadd.s32 $0x40, s31  }
0x291: {  	s0 =	rddreg [dreg:$0x9]  }
0x292: {  	s2 =	simm.s32 $0x200;
	s1 =	simm.s32 $0x4000;
	s3 =	simm.s32 $0x4400  }
0x293: {  	[hbm4b:s0+s2] =	stream.strided.scatter [tilespmem:s3], [sflag:$0x6], $0x4000, s1, s2, $0x38;
	[tilespmem:$0x8800] =	vst v63  }
0x294: {  	s1 =	simm.s32 $0x6  }
0x295: {  	_ =	swait.ge [sflag:s1], $0x4000  }
0x296: {  	s6 =	simm.s32 $0x0;
	[sflag:s1] =	ssyncset.done $0x0  }
0x297: {  	s4 =	simm.s32 $0x8400;
	s26 =	rddreg [dreg:$0xa];
	[sflag:s1] =	ssyncadd.s32 $0xFFFFC000  }
0x298: {  	[hbm4b:s26+s6] =	stream.linear.scatter [tilespmem:s4], [sflag:$0x6], $0x200, $0x38;
	[tilespmem:$0x8800] =	vst v63  }
0x299: {  	_ =	swait.ge [sflag:s1], $0x200  }
0x29a: {  	[sflag:s1] =	ssyncset.done $0x0  }
0x29b: {  	s5 =	simm.s32 $0x8600;
	s28 =	rddreg [dreg:$0xb];
	[sflag:s1] =	ssyncadd.s32 $0xFFFFFE00  }
0x29c: {  	[hbm4b:s28+s6] =	stream.linear.scatter [tilespmem:s5], [sflag:$0x6], $0x200, $0x38;
	[tilespmem:$0x8800] =	vst v63  }
0x29d: {  	_ =	swait.ge [sflag:s1], $0x200  }
0x29e: {  	s30 =	rddreg [dreg:$0xd]  }
0x29f: {  	s31 =	rddreg [dreg:$0xc];
	s3 =	sadd.s32 $0x1, s30  }
0x2a0: {  	p0 =	sne.s32 s3, s31  }
.Ltmp1:
0x2a1: {  	_ = 	snop;
	(pc) =	sbr.rel @p0 .LBB2_1-.Ltmp1, $3  }
0x2a2: {  	_ =	sdelay $0x1  }
0x2a3: {  	[sflag:s1] =	ssyncset.done $0x0  }
0x2a4: {  	[sflag:s1] =	ssyncadd.s32 $0xFFFFFE00  }
0x2a5: {  	_ =	sfence.sel $0x180000  }
0x2a6: {  	[bflag:$0x0] =	sbarrier.arrive $0xFFFF  }
0x2a7: {  	_ =	strace $0x9000004A  }
0x2a8: {  	s0 =	stileid.u32;
	[bflag:$0x2] =	sbarrier.arrive $0xFFFF  }
0x2a9: {  	p0 =	sne.s32 s0, $0x0;
	s0 =	rddreg [dreg:$0x3]  }
0x2aa: {  	s0 =	sadd.s32 @!p0 $0x100000, s0  }
0x2ab: {  	[sflag:s0] =	ssyncadd.tile.s32 @!p0 $0x1;
	_ =	shalt  }
.Lfunc_end2:
_tile_overlayer_lowered:
.L_overlay_start_2:
0x2ac: {  	(tag) =	ssettag $0x2  }
0x2ad: {  	s0 =	rddreg [dreg:$0x0];
	s2 =	stileid.u32  }
0x2ae: {  	s1 =	rddreg [dreg:$0x1];
	p0 =	sne.s32 s2, $0x0  }
0x2af: {  	s3 =	rddreg [dreg:$0x2];
	[bflag:$0x3] =	sbarrier.arrive $0xFFFF;
	s2 =	simm.s32 @!p0 $0x1C06  }
0x2b0: {  	[timem:s3], [sflag:s2] =	dma.local @!p0 [hbm:s0], s1  }
0x2b1: {  	s0 =	simm.s32 @!p0 $0x6  }
0x2b2: {  	_ =	swait.ge @!p0 [sflag:s0], s1  }
0x2b3: {  	s1 =	ssub.s32 @!p0 $0x0, s1;
	[sflag:s0] =	ssyncset.done @!p0 $0x0  }
0x2b4: {  	[sflag:s0] =	ssyncadd.s32 @!p0 s1  }
0x2b5: {  	[bflag:$0x3] =	sbarrier.arrive $0xFFFF  }
0x2b6: {  	_ =	shalt  }

</sc_bundles>
